<compile_context>
chip_gen: v7x
topology: tpu7x:2x2x1
jax: 0.10.2.dev20260603
libtpu: 0.0.44.dev20260713+nightly
codegen_flags: <defaults>
</compile_context>

<pallas_src>
import functools

import jax
import jax.numpy as jnp
from jax import lax
from jax.experimental import pallas as pl
from jax.experimental.pallas import tpu as pltpu
from jax.experimental.pallas import tpu_sc as plsc

BATCH = 4096
WIDTH = 5000
N_ATTRIBUTES = 50
N_VALUES = 100
CURRICULUM_LEVEL = 25
HALF = 2560
LANES = 16
CHUNK = 16
ROWS = 512


def _threefry_mantissa(counts_lo):
    u32 = jnp.uint32
    ks0 = u32(0)
    ks1 = u32(42)
    ks2 = u32(0x1BD11BDA ^ 42)

    def rotl(x, r):
        return lax.shift_left(x, u32(r)) | lax.shift_right_logical(
            x, u32(32 - r))

    def four_rounds(x0, x1, rots):
        for r in rots:
            x0 = x0 + x1
            x1 = rotl(x1, r) ^ x0
        return x0, x1

    R0 = (13, 15, 26, 6)
    R1 = (17, 29, 16, 24)
    x0 = jnp.zeros_like(counts_lo) + ks0
    x1 = counts_lo + ks1
    x0, x1 = four_rounds(x0, x1, R0)
    x0 = x0 + ks1
    x1 = x1 + ks2 + u32(1)
    x0, x1 = four_rounds(x0, x1, R1)
    x0 = x0 + ks2
    x1 = x1 + ks0 + u32(2)
    x0, x1 = four_rounds(x0, x1, R0)
    x0 = x0 + ks0
    x1 = x1 + ks1 + u32(3)
    x0, x1 = four_rounds(x0, x1, R1)
    x0 = x0 + ks1
    x1 = x1 + ks2 + u32(4)
    x0, x1 = four_rounds(x0, x1, R0)
    x0 = x0 + ks2
    x1 = x1 + ks0 + u32(5)
    return lax.shift_right_logical(x0 ^ x1, u32(9))



def _n_revealed_lanes(row0):
    rows25 = (row0 + lax.iota(jnp.int32, LANES)) * CURRICULUM_LEVEL

    def step(_, carry):
        best_m, best_j, jv = carry
        counts = (rows25 + jv).astype(jnp.uint32)
        m = _threefry_mantissa(counts).astype(jnp.int32)
        take = m > best_m
        return (jnp.where(take, m, best_m), jnp.where(take, jv, best_j),
                jv + 1)

    init = (jnp.full((LANES,), -1, jnp.int32), jnp.zeros((LANES,), jnp.int32),
            jnp.zeros((LANES,), jnp.int32))
    best_m, best_j, _ = lax.fori_loop(0, CURRICULUM_LEVEL, step, init)
    return best_j + 1


def _sc_zeros_and_mask_body(masked_hbm, mask_hbm, zbuf, maskbuf):
    info = plsc.get_sparse_core_info()
    nc = info.num_cores
    wid = lax.axis_index("s") * nc + lax.axis_index("c")
    rows_per_worker = BATCH // (nc * info.num_subcores)
    nchunks = rows_per_worker // CHUNK
    base = wid * rows_per_worker
    zeros16 = jnp.zeros((LANES,), jnp.float32)
    lane = lax.iota(jnp.int32, LANES)
    ztail = WIDTH - HALF

    nz8 = ztail // 128
    for r in range(CHUNK):
        def zinit(t, _, r=r):
            s0 = t * 128
            for k in range(8):
                zbuf[r, pl.ds(s0 + k * 16, LANES)] = zeros16
            return 0
        lax.fori_loop(0, nz8, zinit, 0)
        zbuf[r, pl.ds(ztail - LANES, LANES)] = zeros16

    def chunk_body(c, _):
        r0 = base + c * CHUNK
        n_rev = _n_revealed_lanes(r0)
        for r in range(CHUNK):
            nr = n_rev[r]
            for off in (0, 16, 32, 34):
                mval = jnp.where(lane + jnp.int32(off) < nr,
                                 jnp.float32(1.0), zeros16)
                maskbuf[r, pl.ds(off, LANES)] = mval
        pltpu.sync_copy(maskbuf, mask_hbm.at[pl.ds(r0, CHUNK), :])
        pltpu.sync_copy(zbuf,
                        masked_hbm.at[pl.ds(r0, CHUNK), pl.ds(HALF, ztail)])
        return 0

    lax.fori_loop(0, nchunks, chunk_body, 0)


def _sc_zeros_and_mask():
    mesh = plsc.VectorSubcoreMesh(core_axis_name="c", subcore_axis_name="s")
    run = functools.partial(
        pl.kernel,
        out_type=[
            jax.ShapeDtypeStruct((BATCH, WIDTH), jnp.float32),
            jax.ShapeDtypeStruct((BATCH, N_ATTRIBUTES), jnp.float32),
        ],
        mesh=mesh,
        scratch_types=[
            pltpu.VMEM((CHUNK, WIDTH - HALF), jnp.float32),
            pltpu.VMEM((CHUNK, N_ATTRIBUTES), jnp.float32),
        ],
    )(_sc_zeros_and_mask_body)
    return run()



def _n_revealed_block(base_row, rows):
    cl = CURRICULUM_LEVEL
    r = lax.broadcasted_iota(jnp.uint32, (rows, cl), 0)
    j = lax.broadcasted_iota(jnp.uint32, (rows, cl), 1)
    counts = (base_row.astype(jnp.uint32) + r) * jnp.uint32(cl) + j
    m = _threefry_mantissa(counts).astype(jnp.int32)
    row_max = jnp.max(m, axis=1, keepdims=True)
    ji = lax.broadcasted_iota(jnp.int32, (rows, cl), 1)
    win = jnp.min(jnp.where(m == row_max, ji, jnp.int32(cl)), axis=1,
                  keepdims=True)
    return win + 1


def _tc_body(x_ref, alias_ref, masked_ref):
    del alias_ref
    i = pl.program_id(0)
    n_rev = _n_revealed_block(i * ROWS, ROWS)
    c = lax.broadcasted_iota(jnp.int32, (ROWS, HALF), 1)
    masked_ref[...] = jnp.where(c < n_rev * N_VALUES, x_ref[...], 0.0)


def _tc_masked(sender_input, masked_init):
    grid = BATCH // ROWS
    return pl.pallas_call(
        _tc_body,
        grid=(grid,),
        in_specs=[
            pl.BlockSpec((ROWS, HALF), lambda i: (i, 0)),
            pl.BlockSpec(memory_space=pl.ANY),
        ],
        out_specs=pl.BlockSpec((ROWS, HALF), lambda i: (i, 0)),
        out_shape=jax.ShapeDtypeStruct((BATCH, WIDTH), jnp.float32),
        input_output_aliases={1: 0},
    )(sender_input, masked_init)


def kernel(sender_input, labels):
    masked_init, mask = _sc_zeros_and_mask()
    return _tc_masked(sender_input, masked_init), mask

# --- scband reference (transcript-rebuilt; emitter-appended) ---
"""Pipeline reference for scband-gradually-reveal-attributes-61615600828957 (READ-ONLY COPY).

The authoritative reference and input builder live on the scoring server;
editing this copy changes nothing except your own understanding.
"""

import jax, jax.numpy as jnp
import numpy as np

BATCH = 4096
N_ATTRIBUTES = 50
N_VALUES = 100
CURRICULUM_LEVEL = 25  # min(initial_n_unmasked=25, n_attributes=50)


def setup_inputs(seed: int = 0) -> dict:
    key = jax.random.key(seed)
    k1, k2 = jax.random.split(key)
    sender_input = jax.random.normal(k1, (BATCH, N_ATTRIBUTES * N_VALUES), dtype=jnp.float32)
    labels = jax.random.randint(k2, (BATCH,), 0, N_VALUES, dtype=jnp.int64)
    return {"sender_input": sender_input, "labels": labels}


def reference(sender_input, labels):
    batch_size = sender_input.shape[0]
    # reveal_distribution == 'uniform': probs = ones((B, curriculum_level)) / curriculum_level
    # torch.multinomial(probs, 1) ~ uniform categorical over curriculum_level
    key = jax.random.key(42)
    n_revealed = jax.random.categorical(key, jnp.zeros((batch_size, CURRICULUM_LEVEL), dtype=jnp.float32), axis=1)
    n_revealed = n_revealed.astype(jnp.int32) + 1  # in [1, curriculum_level]
    # mask_positioning == 'left_to_right': idxs_to_reveal = arange(n_attributes) expanded
    arange_attr = jnp.arange(N_ATTRIBUTES, dtype=jnp.int32)
    idxs_to_reveal = jnp.broadcast_to(arange_attr[None, :], (batch_size, N_ATTRIBUTES))
    mask_idxs_to_reveal = (idxs_to_reveal < n_revealed[:, None]).astype(jnp.int32)
    idxs = idxs_to_reveal * mask_idxs_to_reveal
    # + first-column term (zero for left_to_right but kept for fidelity)
    idxs = idxs + idxs[:, 0:1] * (1 - mask_idxs_to_reveal)
    # scatter(dim=1, index=idxs, value=1)
    row_ids = jnp.broadcast_to(jnp.arange(batch_size)[:, None], (batch_size, N_ATTRIBUTES))
    mask = jnp.zeros((batch_size, N_ATTRIBUTES), dtype=jnp.float32).at[row_ids, idxs].set(1.0)
    mask = jax.lax.stop_gradient(mask)
    # repeat_interleave(repeats=n_values, dim=1)
    full_mask = jnp.repeat(mask, N_VALUES, axis=1)
    masked_input = sender_input * full_mask
    # the wrapped game is a stub identity here: it receives (masked_input, labels, aux_input={'mask': mask})
    return masked_input, mask

if __name__ == "__main__":
    import jax
    _d = setup_inputs()
    print(jax.jit(kernel)(*tuple(_d.values())))

</pallas_src>

<mosaic_0001>
#map = affine_map<(d0, d1) -> (0, 0)>
module attributes {stable_mosaic.version = 14 : i64} {
  func.func @_sc_zeros_and_mask_body(%arg0: i32, %arg1: i32, %arg2: memref<4096x5000xf32, #tpu.memory_space<hbm>>, %arg3: memref<4096x50xf32, #tpu.memory_space<hbm>>, %arg4: memref<16x2440xf32, #tpu.memory_space<vmem>>, %arg5: memref<16x50xf32, #tpu.memory_space<vmem>>) attributes {dimension_semantics = [#tpu.dimension_semantics<core_parallel>, #tpu.dimension_semantics<subcore_parallel>], iteration_bounds = array<i64: 2, 16>, scalar_prefetch = 0 : i64, scratch_operands = 2 : i64, tpu.core_type = #tpu.core_type<sc_vector_subcore>, window_params = [{transform_indices = #map}, {transform_indices = #map}]} {
    %mul3A = arith.constant 2 : i32
    %mul3A_0 = arith.muli %arg1, %mul3A : i32
    %add3A = arith.addi %mul3A_0, %arg0 : i32
    %mul3A_1 = arith.constant 128 : i32
    %mul3A_2 = arith.muli %add3A, %mul3A_1 : i32
    %broadcast_in_dim3A = arith.constant 0.000000e+00 : f32
    %broadcast_in_dim3A_3 = vector.broadcast %broadcast_in_dim3A : f32 to vector<16xf32>
    %iota3A = tpu.iota {dimensions = array<i32: 0>} : vector<16xi32>
    %scan3A = arith.constant 0 : i32
    %scan3A_4 = arith.constant 0 : i32
    %scan3A_5 = arith.constant 19 : i32
    %scan3A_6 = arith.addi %scan3A_4, %scan3A_5 : i32
    %scan3A_7 = arith.constant 1 : i32
    %scan3A_8 = scf.for %scan3A_217 = %scan3A_4 to %scan3A_6 step %scan3A_7 iter_args(%scan3A_218 = %scan3A) -> (i32)  : i32 {
      %mul3A_219 = arith.constant 128 : i32
      %mul3A_220 = arith.muli %scan3A_217, %mul3A_219 : i32
      %add3A_221 = arith.constant 0 : i32
      %add3A_222 = arith.addi %mul3A_220, %add3A_221 : i32
      %swap3A_223 = arith.constant 0 : i32
      %swap3A_224 = arith.index_cast %swap3A_223 : i32 to index
      %swap3A_225 = arith.index_cast %add3A_222 : i32 to index
      %swap3A_226 = tpu.vector_load %arg4[%swap3A_224, %swap3A_225] {strides = array<i32>} : memref<16x2440xf32, #tpu.memory_space<vmem>>, vector<1x16xf32>,
      %swap3A_227 = vector.shape_cast %swap3A_226 : vector<1x16xf32> to vector<16xf32>
      %swap3A_228 = vector.shape_cast %broadcast_in_dim3A_3 : vector<16xf32> to vector<1x16xf32>
      tpu.vector_store %arg4[%swap3A_224, %swap3A_225], %swap3A_228 {strides = array<i32>} : memref<16x2440xf32, #tpu.memory_space<vmem>>, vector<1x16xf32>,
      %add3A_229 = arith.constant 16 : i32
      %add3A_230 = arith.addi %mul3A_220, %add3A_229 : i32
      %swap3A_231 = arith.constant 0 : i32
      %swap3A_232 = arith.index_cast %swap3A_231 : i32 to index
      %swap3A_233 = arith.index_cast %add3A_230 : i32 to index
      %swap3A_234 = tpu.vector_load %arg4[%swap3A_232, %swap3A_233] {strides = array<i32>} : memref<16x2440xf32, #tpu.memory_space<vmem>>, vector<1x16xf32>,
      %swap3A_235 = vector.shape_cast %swap3A_234 : vector<1x16xf32> to vector<16xf32>
      %swap3A_236 = vector.shape_cast %broadcast_in_dim3A_3 : vector<16xf32> to vector<1x16xf32>
      tpu.vector_store %arg4[%swap3A_232, %swap3A_233], %swap3A_236 {strides = array<i32>} : memref<16x2440xf32, #tpu.memory_space<vmem>>, vector<1x16xf32>,
      %add3A_237 = arith.constant 32 : i32
      %add3A_238 = arith.addi %mul3A_220, %add3A_237 : i32
      %swap3A_239 = arith.constant 0 : i32
      %swap3A_240 = arith.index_cast %swap3A_239 : i32 to index
      %swap3A_241 = arith.index_cast %add3A_238 : i32 to index
      %swap3A_242 = tpu.vector_load %arg4[%swap3A_240, %swap3A_241] {strides = array<i32>} : memref<16x2440xf32, #tpu.memory_space<vmem>>, vector<1x16xf32>,
      %swap3A_243 = vector.shape_cast %swap3A_242 : vector<1x16xf32> to vector<16xf32>
      %swap3A_244 = vector.shape_cast %broadcast_in_dim3A_3 : vector<16xf32> to vector<1x16xf32>
      tpu.vector_store %arg4[%swap3A_240, %swap3A_241], %swap3A_244 {strides = array<i32>} : memref<16x2440xf32, #tpu.memory_space<vmem>>, vector<1x16xf32>,
      %add3A_245 = arith.constant 48 : i32
      %add3A_246 = arith.addi %mul3A_220, %add3A_245 : i32
      %swap3A_247 = arith.constant 0 : i32
      %swap3A_248 = arith.index_cast %swap3A_247 : i32 to index
      %swap3A_249 = arith.index_cast %add3A_246 : i32 to index
      %swap3A_250 = tpu.vector_load %arg4[%swap3A_248, %swap3A_249] {strides = array<i32>} : memref<16x2440xf32, #tpu.memory_space<vmem>>, vector<1x16xf32>,
      %swap3A_251 = vector.shape_cast %swap3A_250 : vector<1x16xf32> to vector<16xf32>
      %swap3A_252 = vector.shape_cast %broadcast_in_dim3A_3 : vector<16xf32> to vector<1x16xf32>
      tpu.vector_store %arg4[%swap3A_248, %swap3A_249], %swap3A_252 {strides = array<i32>} : memref<16x2440xf32, #tpu.memory_space<vmem>>, vector<1x16xf32>,
      %add3A_253 = arith.constant 64 : i32
      %add3A_254 = arith.addi %mul3A_220, %add3A_253 : i32
      %swap3A_255 = arith.constant 0 : i32
      %swap3A_256 = arith.index_cast %swap3A_255 : i32 to index
      %swap3A_257 = arith.index_cast %add3A_254 : i32 to index
      %swap3A_258 = tpu.vector_load %arg4[%swap3A_256, %swap3A_257] {strides = array<i32>} : memref<16x2440xf32, #tpu.memory_space<vmem>>, vector<1x16xf32>,
      %swap3A_259 = vector.shape_cast %swap3A_258 : vector<1x16xf32> to vector<16xf32>
      %swap3A_260 = vector.shape_cast %broadcast_in_dim3A_3 : vector<16xf32> to vector<1x16xf32>
      tpu.vector_store %arg4[%swap3A_256, %swap3A_257], %swap3A_260 {strides = array<i32>} : memref<16x2440xf32, #tpu.memory_space<vmem>>, vector<1x16xf32>,
      %add3A_261 = arith.constant 80 : i32
      %add3A_262 = arith.addi %mul3A_220, %add3A_261 : i32
      %swap3A_263 = arith.constant 0 : i32
      %swap3A_264 = arith.index_cast %swap3A_263 : i32 to index
      %swap3A_265 = arith.index_cast %add3A_262 : i32 to index
      %swap3A_266 = tpu.vector_load %arg4[%swap3A_264, %swap3A_265] {strides = array<i32>} : memref<16x2440xf32, #tpu.memory_space<vmem>>, vector<1x16xf32>,
      %swap3A_267 = vector.shape_cast %swap3A_266 : vector<1x16xf32> to vector<16xf32>
      %swap3A_268 = vector.shape_cast %broadcast_in_dim3A_3 : vector<16xf32> to vector<1x16xf32>
      tpu.vector_store %arg4[%swap3A_264, %swap3A_265], %swap3A_268 {strides = array<i32>} : memref<16x2440xf32, #tpu.memory_space<vmem>>, vector<1x16xf32>,
      %add3A_269 = arith.constant 96 : i32
      %add3A_270 = arith.addi %mul3A_220, %add3A_269 : i32
      %swap3A_271 = arith.constant 0 : i32
      %swap3A_272 = arith.index_cast %swap3A_271 : i32 to index
      %swap3A_273 = arith.index_cast %add3A_270 : i32 to index
      %swap3A_274 = tpu.vector_load %arg4[%swap3A_272, %swap3A_273] {strides = array<i32>} : memref<16x2440xf32, #tpu.memory_space<vmem>>, vector<1x16xf32>,
      %swap3A_275 = vector.shape_cast %swap3A_274 : vector<1x16xf32> to vector<16xf32>
      %swap3A_276 = vector.shape_cast %broadcast_in_dim3A_3 : vector<16xf32> to vector<1x16xf32>
      tpu.vector_store %arg4[%swap3A_272, %swap3A_273], %swap3A_276 {strides = array<i32>} : memref<16x2440xf32, #tpu.memory_space<vmem>>, vector<1x16xf32>,
      %add3A_277 = arith.constant 112 : i32
      %add3A_278 = arith.addi %mul3A_220, %add3A_277 : i32
      %swap3A_279 = arith.constant 0 : i32
      %swap3A_280 = arith.index_cast %swap3A_279 : i32 to index
      %swap3A_281 = arith.index_cast %add3A_278 : i32 to index
      %swap3A_282 = tpu.vector_load %arg4[%swap3A_280, %swap3A_281] {strides = array<i32>} : memref<16x2440xf32, #tpu.memory_space<vmem>>, vector<1x16xf32>,
      %swap3A_283 = vector.shape_cast %swap3A_282 : vector<1x16xf32> to vector<16xf32>
      %swap3A_284 = vector.shape_cast %broadcast_in_dim3A_3 : vector<16xf32> to vector<1x16xf32>
      tpu.vector_store %arg4[%swap3A_280, %swap3A_281], %swap3A_284 {strides = array<i32>} : memref<16x2440xf32, #tpu.memory_space<vmem>>, vector<1x16xf32>,
      %scan3A_285 = arith.constant 0 : i32
      scf.yield %scan3A_285 : i32
    }
    %scan3A_9 = arith.constant 19 : i32
    %swap3A = arith.constant 0 : i32
    %swap3A_10 = arith.index_cast %swap3A : i32 to index
    %swap3A_11 = arith.constant 2424 : index
    %swap3A_12 = tpu.vector_load %arg4[%swap3A_10, %swap3A_11] {strides = array<i32>} : memref<16x2440xf32, #tpu.memory_space<vmem>>, vector<1x16xf32>,
    %swap3A_13 = vector.shape_cast %swap3A_12 : vector<1x16xf32> to vector<16xf32>
    %swap3A_14 = vector.shape_cast %broadcast_in_dim3A_3 : vector<16xf32> to vector<1x16xf32>
    tpu.vector_store %arg4[%swap3A_10, %swap3A_11], %swap3A_14 {strides = array<i32>} : memref<16x2440xf32, #tpu.memory_space<vmem>>, vector<1x16xf32>,
    %scan3A_15 = arith.constant 0 : i32
    %scan3A_16 = arith.constant 0 : i32
    %scan3A_17 = arith.constant 19 : i32
    %scan3A_18 = arith.addi %scan3A_16, %scan3A_17 : i32
    %scan3A_19 = arith.constant 1 : i32
    %scan3A_20 = scf.for %scan3A_217 = %scan3A_16 to %scan3A_18 step %scan3A_19 iter_args(%scan3A_218 = %scan3A_15) -> (i32)  : i32 {
      %mul3A_219 = arith.constant 128 : i32
      %mul3A_220 = arith.muli %scan3A_217, %mul3A_219 : i32
      %add3A_221 = arith.constant 0 : i32
      %add3A_222 = arith.addi %mul3A_220, %add3A_221 : i32
      %swap3A_223 = arith.constant 1 : i32
      %swap3A_224 = arith.index_cast %swap3A_223 : i32 to index
      %swap3A_225 = arith.index_cast %add3A_222 : i32 to index
      %swap3A_226 = tpu.vector_load %arg4[%swap3A_224, %swap3A_225] {strides = array<i32>} : memref<16x2440xf32, #tpu.memory_space<vmem>>, vector<1x16xf32>,
      %swap3A_227 = vector.shape_cast %swap3A_226 : vector<1x16xf32> to vector<16xf32>
      %swap3A_228 = vector.shape_cast %broadcast_in_dim3A_3 : vector<16xf32> to vector<1x16xf32>
      tpu.vector_store %arg4[%swap3A_224, %swap3A_225], %swap3A_228 {strides = array<i32>} : memref<16x2440xf32, #tpu.memory_space<vmem>>, vector<1x16xf32>,
      %add3A_229 = arith.constant 16 : i32
      %add3A_230 = arith.addi %mul3A_220, %add3A_229 : i32
      %swap3A_231 = arith.constant 1 : i32
      %swap3A_232 = arith.index_cast %swap3A_231 : i32 to index
      %swap3A_233 = arith.index_cast %add3A_230 : i32 to index
      %swap3A_234 = tpu.vector_load %arg4[%swap3A_232, %swap3A_233] {strides = array<i32>} : memref<16x2440xf32, #tpu.memory_space<vmem>>, vector<1x16xf32>,
      %swap3A_235 = vector.shape_cast %swap3A_234 : vector<1x16xf32> to vector<16xf32>
      %swap3A_236 = vector.shape_cast %broadcast_in_dim3A_3 : vector<16xf32> to vector<1x16xf32>
      tpu.vector_store %arg4[%swap3A_232, %swap3A_233], %swap3A_236 {strides = array<i32>} : memref<16x2440xf32, #tpu.memory_space<vmem>>, vector<1x16xf32>,
      %add3A_237 = arith.constant 32 : i32
      %add3A_238 = arith.addi %mul3A_220, %add3A_237 : i32
      %swap3A_239 = arith.constant 1 : i32
      %swap3A_240 = arith.index_cast %swap3A_239 : i32 to index
      %swap3A_241 = arith.index_cast %add3A_238 : i32 to index
      %swap3A_242 = tpu.vector_load %arg4[%swap3A_240, %swap3A_241] {strides = array<i32>} : memref<16x2440xf32, #tpu.memory_space<vmem>>, vector<1x16xf32>,
      %swap3A_243 = vector.shape_cast %swap3A_242 : vector<1x16xf32> to vector<16xf32>
      %swap3A_244 = vector.shape_cast %broadcast_in_dim3A_3 : vector<16xf32> to vector<1x16xf32>
      tpu.vector_store %arg4[%swap3A_240, %swap3A_241], %swap3A_244 {strides = array<i32>} : memref<16x2440xf32, #tpu.memory_space<vmem>>, vector<1x16xf32>,
      %add3A_245 = arith.constant 48 : i32
      %add3A_246 = arith.addi %mul3A_220, %add3A_245 : i32
      %swap3A_247 = arith.constant 1 : i32
      %swap3A_248 = arith.index_cast %swap3A_247 : i32 to index
      %swap3A_249 = arith.index_cast %add3A_246 : i32 to index
      %swap3A_250 = tpu.vector_load %arg4[%swap3A_248, %swap3A_249] {strides = array<i32>} : memref<16x2440xf32, #tpu.memory_space<vmem>>, vector<1x16xf32>,
      %swap3A_251 = vector.shape_cast %swap3A_250 : vector<1x16xf32> to vector<16xf32>
      %swap3A_252 = vector.shape_cast %broadcast_in_dim3A_3 : vector<16xf32> to vector<1x16xf32>
      tpu.vector_store %arg4[%swap3A_248, %swap3A_249], %swap3A_252 {strides = array<i32>} : memref<16x2440xf32, #tpu.memory_space<vmem>>, vector<1x16xf32>,
      %add3A_253 = arith.constant 64 : i32
      %add3A_254 = arith.addi %mul3A_220, %add3A_253 : i32
      %swap3A_255 = arith.constant 1 : i32
      %swap3A_256 = arith.index_cast %swap3A_255 : i32 to index
      %swap3A_257 = arith.index_cast %add3A_254 : i32 to index
      %swap3A_258 = tpu.vector_load %arg4[%swap3A_256, %swap3A_257] {strides = array<i32>} : memref<16x2440xf32, #tpu.memory_space<vmem>>, vector<1x16xf32>,
      %swap3A_259 = vector.shape_cast %swap3A_258 : vector<1x16xf32> to vector<16xf32>
      %swap3A_260 = vector.shape_cast %broadcast_in_dim3A_3 : vector<16xf32> to vector<1x16xf32>
      tpu.vector_store %arg4[%swap3A_256, %swap3A_257], %swap3A_260 {strides = array<i32>} : memref<16x2440xf32, #tpu.memory_space<vmem>>, vector<1x16xf32>,
      %add3A_261 = arith.constant 80 : i32
      %add3A_262 = arith.addi %mul3A_220, %add3A_261 : i32
      %swap3A_263 = arith.constant 1 : i32
      %swap3A_264 = arith.index_cast %swap3A_263 : i32 to index
      %swap3A_265 = arith.index_cast %add3A_262 : i32 to index
      %swap3A_266 = tpu.vector_load %arg4[%swap3A_264, %swap3A_265] {strides = array<i32>} : memref<16x2440xf32, #tpu.memory_space<vmem>>, vector<1x16xf32>,
      %swap3A_267 = vector.shape_cast %swap3A_266 : vector<1x16xf32> to vector<16xf32>
      %swap3A_268 = vector.shape_cast %broadcast_in_dim3A_3 : vector<16xf32> to vector<1x16xf32>
      tpu.vector_store %arg4[%swap3A_264, %swap3A_265], %swap3A_268 {strides = array<i32>} : memref<16x2440xf32, #tpu.memory_space<vmem>>, vector<1x16xf32>,
      %add3A_269 = arith.constant 96 : i32
      %add3A_270 = arith.addi %mul3A_220, %add3A_269 : i32
      %swap3A_271 = arith.constant 1 : i32
      %swap3A_272 = arith.index_cast %swap3A_271 : i32 to index
      %swap3A_273 = arith.index_cast %add3A_270 : i32 to index
      %swap3A_274 = tpu.vector_load %arg4[%swap3A_272, %swap3A_273] {strides = array<i32>} : memref<16x2440xf32, #tpu.memory_space<vmem>>, vector<1x16xf32>,
      %swap3A_275 = vector.shape_cast %swap3A_274 : vector<1x16xf32> to vector<16xf32>
      %swap3A_276 = vector.shape_cast %broadcast_in_dim3A_3 : vector<16xf32> to vector<1x16xf32>
      tpu.vector_store %arg4[%swap3A_272, %swap3A_273], %swap3A_276 {strides = array<i32>} : memref<16x2440xf32, #tpu.memory_space<vmem>>, vector<1x16xf32>,
      %add3A_277 = arith.constant 112 : i32
      %add3A_278 = arith.addi %mul3A_220, %add3A_277 : i32
      %swap3A_279 = arith.constant 1 : i32
      %swap3A_280 = arith.index_cast %swap3A_279 : i32 to index
      %swap3A_281 = arith.index_cast %add3A_278 : i32 to index
      %swap3A_282 = tpu.vector_load %arg4[%swap3A_280, %swap3A_281] {strides = array<i32>} : memref<16x2440xf32, #tpu.memory_space<vmem>>, vector<1x16xf32>,
      %swap3A_283 = vector.shape_cast %swap3A_282 : vector<1x16xf32> to vector<16xf32>
      %swap3A_284 = vector.shape_cast %broadcast_in_dim3A_3 : vector<16xf32> to vector<1x16xf32>
      tpu.vector_store %arg4[%swap3A_280, %swap3A_281], %swap3A_284 {strides = array<i32>} : memref<16x2440xf32, #tpu.memory_space<vmem>>, vector<1x16xf32>,
      %scan3A_285 = arith.constant 0 : i32
      scf.yield %scan3A_285 : i32
    }
    %scan3A_21 = arith.constant 19 : i32
    %swap3A_22 = arith.constant 1 : i32
    %swap3A_23 = arith.index_cast %swap3A_22 : i32 to index
    %swap3A_24 = arith.constant 2424 : index
    %swap3A_25 = tpu.vector_load %arg4[%swap3A_23, %swap3A_24] {strides = array<i32>} : memref<16x2440xf32, #tpu.memory_space<vmem>>, vector<1x16xf32>,
    %swap3A_26 = vector.shape_cast %swap3A_25 : vector<1x16xf32> to vector<16xf32>
    %swap3A_27 = vector.shape_cast %broadcast_in_dim3A_3 : vector<16xf32> to vector<1x16xf32>
    tpu.vector_store %arg4[%swap3A_23, %swap3A_24], %swap3A_27 {strides = array<i32>} : memref<16x2440xf32, #tpu.memory_space<vmem>>, vector<1x16xf32>,
    %scan3A_28 = arith.constant 0 : i32
    %scan3A_29 = arith.constant 0 : i32
    %scan3A_30 = arith.constant 19 : i32
    %scan3A_31 = arith.addi %scan3A_29, %scan3A_30 : i32
    %scan3A_32 = arith.constant 1 : i32
    %scan3A_33 = scf.for %scan3A_217 = %scan3A_29 to %scan3A_31 step %scan3A_32 iter_args(%scan3A_218 = %scan3A_28) -> (i32)  : i32 {
      %mul3A_219 = arith.constant 128 : i32
      %mul3A_220 = arith.muli %scan3A_217, %mul3A_219 : i32
      %add3A_221 = arith.constant 0 : i32
      %add3A_222 = arith.addi %mul3A_220, %add3A_221 : i32
      %swap3A_223 = arith.constant 2 : i32
      %swap3A_224 = arith.index_cast %swap3A_223 : i32 to index
      %swap3A_225 = arith.index_cast %add3A_222 : i32 to index
      %swap3A_226 = tpu.vector_load %arg4[%swap3A_224, %swap3A_225] {strides = array<i32>} : memref<16x2440xf32, #tpu.memory_space<vmem>>, vector<1x16xf32>,
      %swap3A_227 = vector.shape_cast %swap3A_226 : vector<1x16xf32> to vector<16xf32>
      %swap3A_228 = vector.shape_cast %broadcast_in_dim3A_3 : vector<16xf32> to vector<1x16xf32>
      tpu.vector_store %arg4[%swap3A_224, %swap3A_225], %swap3A_228 {strides = array<i32>} : memref<16x2440xf32, #tpu.memory_space<vmem>>, vector<1x16xf32>,
      %add3A_229 = arith.constant 16 : i32
      %add3A_230 = arith.addi %mul3A_220, %add3A_229 : i32
      %swap3A_231 = arith.constant 2 : i32
      %swap3A_232 = arith.index_cast %swap3A_231 : i32 to index
      %swap3A_233 = arith.index_cast %add3A_230 : i32 to index
      %swap3A_234 = tpu.vector_load %arg4[%swap3A_232, %swap3A_233] {strides = array<i32>} : memref<16x2440xf32, #tpu.memory_space<vmem>>, vector<1x16xf32>,
      %swap3A_235 = vector.shape_cast %swap3A_234 : vector<1x16xf32> to vector<16xf32>
      %swap3A_236 = vector.shape_cast %broadcast_in_dim3A_3 : vector<16xf32> to vector<1x16xf32>
      tpu.vector_store %arg4[%swap3A_232, %swap3A_233], %swap3A_236 {strides = array<i32>} : memref<16x2440xf32, #tpu.memory_space<vmem>>, vector<1x16xf32>,
      %add3A_237 = arith.constant 32 : i32
      %add3A_238 = arith.addi %mul3A_220, %add3A_237 : i32
      %swap3A_239 = arith.constant 2 : i32
      %swap3A_240 = arith.index_cast %swap3A_239 : i32 to index
      %swap3A_241 = arith.index_cast %add3A_238 : i32 to index
      %swap3A_242 = tpu.vector_load %arg4[%swap3A_240, %swap3A_241] {strides = array<i32>} : memref<16x2440xf32, #tpu.memory_space<vmem>>, vector<1x16xf32>,
      %swap3A_243 = vector.shape_cast %swap3A_242 : vector<1x16xf32> to vector<16xf32>
      %swap3A_244 = vector.shape_cast %broadcast_in_dim3A_3 : vector<16xf32> to vector<1x16xf32>
      tpu.vector_store %arg4[%swap3A_240, %swap3A_241], %swap3A_244 {strides = array<i32>} : memref<16x2440xf32, #tpu.memory_space<vmem>>, vector<1x16xf32>,
      %add3A_245 = arith.constant 48 : i32
      %add3A_246 = arith.addi %mul3A_220, %add3A_245 : i32
      %swap3A_247 = arith.constant 2 : i32
      %swap3A_248 = arith.index_cast %swap3A_247 : i32 to index
      %swap3A_249 = arith.index_cast %add3A_246 : i32 to index
      %swap3A_250 = tpu.vector_load %arg4[%swap3A_248, %swap3A_249] {strides = array<i32>} : memref<16x2440xf32, #tpu.memory_space<vmem>>, vector<1x16xf32>,
      %swap3A_251 = vector.shape_cast %swap3A_250 : vector<1x16xf32> to vector<16xf32>
      %swap3A_252 = vector.shape_cast %broadcast_in_dim3A_3 : vector<16xf32> to vector<1x16xf32>
      tpu.vector_store %arg4[%swap3A_248, %swap3A_249], %swap3A_252 {strides = array<i32>} : memref<16x2440xf32, #tpu.memory_space<vmem>>, vector<1x16xf32>,
      %add3A_253 = arith.constant 64 : i32
      %add3A_254 = arith.addi %mul3A_220, %add3A_253 : i32
      %swap3A_255 = arith.constant 2 : i32
      %swap3A_256 = arith.index_cast %swap3A_255 : i32 to index
      %swap3A_257 = arith.index_cast %add3A_254 : i32 to index
      %swap3A_258 = tpu.vector_load %arg4[%swap3A_256, %swap3A_257] {strides = array<i32>} : memref<16x2440xf32, #tpu.memory_space<vmem>>, vector<1x16xf32>,
      %swap3A_259 = vector.shape_cast %swap3A_258 : vector<1x16xf32> to vector<16xf32>
      %swap3A_260 = vector.shape_cast %broadcast_in_dim3A_3 : vector<16xf32> to vector<1x16xf32>
      tpu.vector_store %arg4[%swap3A_256, %swap3A_257], %swap3A_260 {strides = array<i32>} : memref<16x2440xf32, #tpu.memory_space<vmem>>, vector<1x16xf32>,
      %add3A_261 = arith.constant 80 : i32
      %add3A_262 = arith.addi %mul3A_220, %add3A_261 : i32
      %swap3A_263 = arith.constant 2 : i32
      %swap3A_264 = arith.index_cast %swap3A_263 : i32 to index
      %swap3A_265 = arith.index_cast %add3A_262 : i32 to index
      %swap3A_266 = tpu.vector_load %arg4[%swap3A_264, %swap3A_265] {strides = array<i32>} : memref<16x2440xf32, #tpu.memory_space<vmem>>, vector<1x16xf32>,
      %swap3A_267 = vector.shape_cast %swap3A_266 : vector<1x16xf32> to vector<16xf32>
      %swap3A_268 = vector.shape_cast %broadcast_in_dim3A_3 : vector<16xf32> to vector<1x16xf32>
      tpu.vector_store %arg4[%swap3A_264, %swap3A_265], %swap3A_268 {strides = array<i32>} : memref<16x2440xf32, #tpu.memory_space<vmem>>, vector<1x16xf32>,
      %add3A_269 = arith.constant 96 : i32
      %add3A_270 = arith.addi %mul3A_220, %add3A_269 : i32
      %swap3A_271 = arith.constant 2 : i32
      %swap3A_272 = arith.index_cast %swap3A_271 : i32 to index
      %swap3A_273 = arith.index_cast %add3A_270 : i32 to index
      %swap3A_274 = tpu.vector_load %arg4[%swap3A_272, %swap3A_273] {strides = array<i32>} : memref<16x2440xf32, #tpu.memory_space<vmem>>, vector<1x16xf32>,
      %swap3A_275 = vector.shape_cast %swap3A_274 : vector<1x16xf32> to vector<16xf32>
      %swap3A_276 = vector.shape_cast %broadcast_in_dim3A_3 : vector<16xf32> to vector<1x16xf32>
      tpu.vector_store %arg4[%swap3A_272, %swap3A_273], %swap3A_276 {strides = array<i32>} : memref<16x2440xf32, #tpu.memory_space<vmem>>, vector<1x16xf32>,
      %add3A_277 = arith.constant 112 : i32
      %add3A_278 = arith.addi %mul3A_220, %add3A_277 : i32
      %swap3A_279 = arith.constant 2 : i32
      %swap3A_280 = arith.index_cast %swap3A_279 : i32 to index
      %swap3A_281 = arith.index_cast %add3A_278 : i32 to index
      %swap3A_282 = tpu.vector_load %arg4[%swap3A_280, %swap3A_281] {strides = array<i32>} : memref<16x2440xf32, #tpu.memory_space<vmem>>, vector<1x16xf32>,
      %swap3A_283 = vector.shape_cast %swap3A_282 : vector<1x16xf32> to vector<16xf32>
      %swap3A_284 = vector.shape_cast %broadcast_in_dim3A_3 : vector<16xf32> to vector<1x16xf32>
      tpu.vector_store %arg4[%swap3A_280, %swap3A_281], %swap3A_284 {strides = array<i32>} : memref<16x2440xf32, #tpu.memory_space<vmem>>, vector<1x16xf32>,
      %scan3A_285 = arith.constant 0 : i32
      scf.yield %scan3A_285 : i32
    }
    %scan3A_34 = arith.constant 19 : i32
    %swap3A_35 = arith.constant 2 : i32
    %swap3A_36 = arith.index_cast %swap3A_35 : i32 to index
    %swap3A_37 = arith.constant 2424 : index
    %swap3A_38 = tpu.vector_load %arg4[%swap3A_36, %swap3A_37] {strides = array<i32>} : memref<16x2440xf32, #tpu.memory_space<vmem>>, vector<1x16xf32>,
    %swap3A_39 = vector.shape_cast %swap3A_38 : vector<1x16xf32> to vector<16xf32>
    %swap3A_40 = vector.shape_cast %broadcast_in_dim3A_3 : vector<16xf32> to vector<1x16xf32>
    tpu.vector_store %arg4[%swap3A_36, %swap3A_37], %swap3A_40 {strides = array<i32>} : memref<16x2440xf32, #tpu.memory_space<vmem>>, vector<1x16xf32>,
    %scan3A_41 = arith.constant 0 : i32
    %scan3A_42 = arith.constant 0 : i32
    %scan3A_43 = arith.constant 19 : i32
    %scan3A_44 = arith.addi %scan3A_42, %scan3A_43 : i32
    %scan3A_45 = arith.constant 1 : i32
    %scan3A_46 = scf.for %scan3A_217 = %scan3A_42 to %scan3A_44 step %scan3A_45 iter_args(%scan3A_218 = %scan3A_41) -> (i32)  : i32 {
      %mul3A_219 = arith.constant 128 : i32
      %mul3A_220 = arith.muli %scan3A_217, %mul3A_219 : i32
      %add3A_221 = arith.constant 0 : i32
      %add3A_222 = arith.addi %mul3A_220, %add3A_221 : i32
      %swap3A_223 = arith.constant 3 : i32
      %swap3A_224 = arith.index_cast %swap3A_223 : i32 to index
      %swap3A_225 = arith.index_cast %add3A_222 : i32 to index
      %swap3A_226 = tpu.vector_load %arg4[%swap3A_224, %swap3A_225] {strides = array<i32>} : memref<16x2440xf32, #tpu.memory_space<vmem>>, vector<1x16xf32>,
      %swap3A_227 = vector.shape_cast %swap3A_226 : vector<1x16xf32> to vector<16xf32>
      %swap3A_228 = vector.shape_cast %broadcast_in_dim3A_3 : vector<16xf32> to vector<1x16xf32>
      tpu.vector_store %arg4[%swap3A_224, %swap3A_225], %swap3A_228 {strides = array<i32>} : memref<16x2440xf32, #tpu.memory_space<vmem>>, vector<1x16xf32>,
      %add3A_229 = arith.constant 16 : i32
      %add3A_230 = arith.addi %mul3A_220, %add3A_229 : i32
      %swap3A_231 = arith.constant 3 : i32
      %swap3A_232 = arith.index_cast %swap3A_231 : i32 to index
      %swap3A_233 = arith.index_cast %add3A_230 : i32 to index
      %swap3A_234 = tpu.vector_load %arg4[%swap3A_232, %swap3A_233] {strides = array<i32>} : memref<16x2440xf32, #tpu.memory_space<vmem>>, vector<1x16xf32>,
      %swap3A_235 = vector.shape_cast %swap3A_234 : vector<1x16xf32> to vector<16xf32>
      %swap3A_236 = vector.shape_cast %broadcast_in_dim3A_3 : vector<16xf32> to vector<1x16xf32>
      tpu.vector_store %arg4[%swap3A_232, %swap3A_233], %swap3A_236 {strides = array<i32>} : memref<16x2440xf32, #tpu.memory_space<vmem>>, vector<1x16xf32>,
      %add3A_237 = arith.constant 32 : i32
      %add3A_238 = arith.addi %mul3A_220, %add3A_237 : i32
      %swap3A_239 = arith.constant 3 : i32
      %swap3A_240 = arith.index_cast %swap3A_239 : i32 to index
      %swap3A_241 = arith.index_cast %add3A_238 : i32 to index
      %swap3A_242 = tpu.vector_load %arg4[%swap3A_240, %swap3A_241] {strides = array<i32>} : memref<16x2440xf32, #tpu.memory_space<vmem>>, vector<1x16xf32>,
      %swap3A_243 = vector.shape_cast %swap3A_242 : vector<1x16xf32> to vector<16xf32>
      %swap3A_244 = vector.shape_cast %broadcast_in_dim3A_3 : vector<16xf32> to vector<1x16xf32>
      tpu.vector_store %arg4[%swap3A_240, %swap3A_241], %swap3A_244 {strides = array<i32>} : memref<16x2440xf32, #tpu.memory_space<vmem>>, vector<1x16xf32>,
      %add3A_245 = arith.constant 48 : i32
      %add3A_246 = arith.addi %mul3A_220, %add3A_245 : i32
      %swap3A_247 = arith.constant 3 : i32
      %swap3A_248 = arith.index_cast %swap3A_247 : i32 to index
      %swap3A_249 = arith.index_cast %add3A_246 : i32 to index
      %swap3A_250 = tpu.vector_load %arg4[%swap3A_248, %swap3A_249] {strides = array<i32>} : memref<16x2440xf32, #tpu.memory_space<vmem>>, vector<1x16xf32>,
      %swap3A_251 = vector.shape_cast %swap3A_250 : vector<1x16xf32> to vector<16xf32>
      %swap3A_252 = vector.shape_cast %broadcast_in_dim3A_3 : vector<16xf32> to vector<1x16xf32>
      tpu.vector_store %arg4[%swap3A_248, %swap3A_249], %swap3A_252 {strides = array<i32>} : memref<16x2440xf32, #tpu.memory_space<vmem>>, vector<1x16xf32>,
      %add3A_253 = arith.constant 64 : i32
      %add3A_254 = arith.addi %mul3A_220, %add3A_253 : i32
      %swap3A_255 = arith.constant 3 : i32
      %swap3A_256 = arith.index_cast %swap3A_255 : i32 to index
      %swap3A_257 = arith.index_cast %add3A_254 : i32 to index
      %swap3A_258 = tpu.vector_load %arg4[%swap3A_256, %swap3A_257] {strides = array<i32>} : memref<16x2440xf32, #tpu.memory_space<vmem>>, vector<1x16xf32>,
      %swap3A_259 = vector.shape_cast %swap3A_258 : vector<1x16xf32> to vector<16xf32>
      %swap3A_260 = vector.shape_cast %broadcast_in_dim3A_3 : vector<16xf32> to vector<1x16xf32>
      tpu.vector_store %arg4[%swap3A_256, %swap3A_257], %swap3A_260 {strides = array<i32>} : memref<16x2440xf32, #tpu.memory_space<vmem>>, vector<1x16xf32>,
      %add3A_261 = arith.constant 80 : i32
      %add3A_262 = arith.addi %mul3A_220, %add3A_261 : i32
      %swap3A_263 = arith.constant 3 : i32
      %swap3A_264 = arith.index_cast %swap3A_263 : i32 to index
      %swap3A_265 = arith.index_cast %add3A_262 : i32 to index
      %swap3A_266 = tpu.vector_load %arg4[%swap3A_264, %swap3A_265] {strides = array<i32>} : memref<16x2440xf32, #tpu.memory_space<vmem>>, vector<1x16xf32>,
      %swap3A_267 = vector.shape_cast %swap3A_266 : vector<1x16xf32> to vector<16xf32>
      %swap3A_268 = vector.shape_cast %broadcast_in_dim3A_3 : vector<16xf32> to vector<1x16xf32>
      tpu.vector_store %arg4[%swap3A_264, %swap3A_265], %swap3A_268 {strides = array<i32>} : memref<16x2440xf32, #tpu.memory_space<vmem>>, vector<1x16xf32>,
      %add3A_269 = arith.constant 96 : i32
      %add3A_270 = arith.addi %mul3A_220, %add3A_269 : i32
      %swap3A_271 = arith.constant 3 : i32
      %swap3A_272 = arith.index_cast %swap3A_271 : i32 to index
      %swap3A_273 = arith.index_cast %add3A_270 : i32 to index
      %swap3A_274 = tpu.vector_load %arg4[%swap3A_272, %swap3A_273] {strides = array<i32>} : memref<16x2440xf32, #tpu.memory_space<vmem>>, vector<1x16xf32>,
      %swap3A_275 = vector.shape_cast %swap3A_274 : vector<1x16xf32> to vector<16xf32>
      %swap3A_276 = vector.shape_cast %broadcast_in_dim3A_3 : vector<16xf32> to vector<1x16xf32>
      tpu.vector_store %arg4[%swap3A_272, %swap3A_273], %swap3A_276 {strides = array<i32>} : memref<16x2440xf32, #tpu.memory_space<vmem>>, vector<1x16xf32>,
      %add3A_277 = arith.constant 112 : i32
      %add3A_278 = arith.addi %mul3A_220, %add3A_277 : i32
      %swap3A_279 = arith.constant 3 : i32
      %swap3A_280 = arith.index_cast %swap3A_279 : i32 to index
      %swap3A_281 = arith.index_cast %add3A_278 : i32 to index
      %swap3A_282 = tpu.vector_load %arg4[%swap3A_280, %swap3A_281] {strides = array<i32>} : memref<16x2440xf32, #tpu.memory_space<vmem>>, vector<1x16xf32>,
      %swap3A_283 = vector.shape_cast %swap3A_282 : vector<1x16xf32> to vector<16xf32>
      %swap3A_284 = vector.shape_cast %broadcast_in_dim3A_3 : vector<16xf32> to vector<1x16xf32>
      tpu.vector_store %arg4[%swap3A_280, %swap3A_281], %swap3A_284 {strides = array<i32>} : memref<16x2440xf32, #tpu.memory_space<vmem>>, vector<1x16xf32>,
      %scan3A_285 = arith.constant 0 : i32
      scf.yield %scan3A_285 : i32
    }
    %scan3A_47 = arith.constant 19 : i32
    %swap3A_48 = arith.constant 3 : i32
    %swap3A_49 = arith.index_cast %swap3A_48 : i32 to index
    %swap3A_50 = arith.constant 2424 : index
    %swap3A_51 = tpu.vector_load %arg4[%swap3A_49, %swap3A_50] {strides = array<i32>} : memref<16x2440xf32, #tpu.memory_space<vmem>>, vector<1x16xf32>,
    %swap3A_52 = vector.shape_cast %swap3A_51 : vector<1x16xf32> to vector<16xf32>
    %swap3A_53 = vector.shape_cast %broadcast_in_dim3A_3 : vector<16xf32> to vector<1x16xf32>
    tpu.vector_store %arg4[%swap3A_49, %swap3A_50], %swap3A_53 {strides = array<i32>} : memref<16x2440xf32, #tpu.memory_space<vmem>>, vector<1x16xf32>,
    %scan3A_54 = arith.constant 0 : i32
    %scan3A_55 = arith.constant 0 : i32
    %scan3A_56 = arith.constant 19 : i32
    %scan3A_57 = arith.addi %scan3A_55, %scan3A_56 : i32
    %scan3A_58 = arith.constant 1 : i32
    %scan3A_59 = scf.for %scan3A_217 = %scan3A_55 to %scan3A_57 step %scan3A_58 iter_args(%scan3A_218 = %scan3A_54) -> (i32)  : i32 {
      %mul3A_219 = arith.constant 128 : i32
      %mul3A_220 = arith.muli %scan3A_217, %mul3A_219 : i32
      %add3A_221 = arith.constant 0 : i32
      %add3A_222 = arith.addi %mul3A_220, %add3A_221 : i32
      %swap3A_223 = arith.constant 4 : i32
      %swap3A_224 = arith.index_cast %swap3A_223 : i32 to index
      %swap3A_225 = arith.index_cast %add3A_222 : i32 to index
      %swap3A_226 = tpu.vector_load %arg4[%swap3A_224, %swap3A_225] {strides = array<i32>} : memref<16x2440xf32, #tpu.memory_space<vmem>>, vector<1x16xf32>,
      %swap3A_227 = vector.shape_cast %swap3A_226 : vector<1x16xf32> to vector<16xf32>
      %swap3A_228 = vector.shape_cast %broadcast_in_dim3A_3 : vector<16xf32> to vector<1x16xf32>
      tpu.vector_store %arg4[%swap3A_224, %swap3A_225], %swap3A_228 {strides = array<i32>} : memref<16x2440xf32, #tpu.memory_space<vmem>>, vector<1x16xf32>,
      %add3A_229 = arith.constant 16 : i32
      %add3A_230 = arith.addi %mul3A_220, %add3A_229 : i32
      %swap3A_231 = arith.constant 4 : i32
      %swap3A_232 = arith.index_cast %swap3A_231 : i32 to index
      %swap3A_233 = arith.index_cast %add3A_230 : i32 to index
      %swap3A_234 = tpu.vector_load %arg4[%swap3A_232, %swap3A_233] {strides = array<i32>} : memref<16x2440xf32, #tpu.memory_space<vmem>>, vector<1x16xf32>,
      %swap3A_235 = vector.shape_cast %swap3A_234 : vector<1x16xf32> to vector<16xf32>
      %swap3A_236 = vector.shape_cast %broadcast_in_dim3A_3 : vector<16xf32> to vector<1x16xf32>
      tpu.vector_store %arg4[%swap3A_232, %swap3A_233], %swap3A_236 {strides = array<i32>} : memref<16x2440xf32, #tpu.memory_space<vmem>>, vector<1x16xf32>,
      %add3A_237 = arith.constant 32 : i32
      %add3A_238 = arith.addi %mul3A_220, %add3A_237 : i32
      %swap3A_239 = arith.constant 4 : i32
      %swap3A_240 = arith.index_cast %swap3A_239 : i32 to index
      %swap3A_241 = arith.index_cast %add3A_238 : i32 to index
      %swap3A_242 = tpu.vector_load %arg4[%swap3A_240, %swap3A_241] {strides = array<i32>} : memref<16x2440xf32, #tpu.memory_space<vmem>>, vector<1x16xf32>,
      %swap3A_243 = vector.shape_cast %swap3A_242 : vector<1x16xf32> to vector<16xf32>
      %swap3A_244 = vector.shape_cast %broadcast_in_dim3A_3 : vector<16xf32> to vector<1x16xf32>
      tpu.vector_store %arg4[%swap3A_240, %swap3A_241], %swap3A_244 {strides = array<i32>} : memref<16x2440xf32, #tpu.memory_space<vmem>>, vector<1x16xf32>,
      %add3A_245 = arith.constant 48 : i32
      %add3A_246 = arith.addi %mul3A_220, %add3A_245 : i32
      %swap3A_247 = arith.constant 4 : i32
      %swap3A_248 = arith.index_cast %swap3A_247 : i32 to index
      %swap3A_249 = arith.index_cast %add3A_246 : i32 to index
      %swap3A_250 = tpu.vector_load %arg4[%swap3A_248, %swap3A_249] {strides = array<i32>} : memref<16x2440xf32, #tpu.memory_space<vmem>>, vector<1x16xf32>,
      %swap3A_251 = vector.shape_cast %swap3A_250 : vector<1x16xf32> to vector<16xf32>
      %swap3A_252 = vector.shape_cast %broadcast_in_dim3A_3 : vector<16xf32> to vector<1x16xf32>
      tpu.vector_store %arg4[%swap3A_248, %swap3A_249], %swap3A_252 {strides = array<i32>} : memref<16x2440xf32, #tpu.memory_space<vmem>>, vector<1x16xf32>,
      %add3A_253 = arith.constant 64 : i32
      %add3A_254 = arith.addi %mul3A_220, %add3A_253 : i32
      %swap3A_255 = arith.constant 4 : i32
      %swap3A_256 = arith.index_cast %swap3A_255 : i32 to index
      %swap3A_257 = arith.index_cast %add3A_254 : i32 to index
      %swap3A_258 = tpu.vector_load %arg4[%swap3A_256, %swap3A_257] {strides = array<i32>} : memref<16x2440xf32, #tpu.memory_space<vmem>>, vector<1x16xf32>,
      %swap3A_259 = vector.shape_cast %swap3A_258 : vector<1x16xf32> to vector<16xf32>
      %swap3A_260 = vector.shape_cast %broadcast_in_dim3A_3 : vector<16xf32> to vector<1x16xf32>
      tpu.vector_store %arg4[%swap3A_256, %swap3A_257], %swap3A_260 {strides = array<i32>} : memref<16x2440xf32, #tpu.memory_space<vmem>>, vector<1x16xf32>,
      %add3A_261 = arith.constant 80 : i32
      %add3A_262 = arith.addi %mul3A_220, %add3A_261 : i32
      %swap3A_263 = arith.constant 4 : i32
      %swap3A_264 = arith.index_cast %swap3A_263 : i32 to index
      %swap3A_265 = arith.index_cast %add3A_262 : i32 to index
      %swap3A_266 = tpu.vector_load %arg4[%swap3A_264, %swap3A_265] {strides = array<i32>} : memref<16x2440xf32, #tpu.memory_space<vmem>>, vector<1x16xf32>,
      %swap3A_267 = vector.shape_cast %swap3A_266 : vector<1x16xf32> to vector<16xf32>
      %swap3A_268 = vector.shape_cast %broadcast_in_dim3A_3 : vector<16xf32> to vector<1x16xf32>
      tpu.vector_store %arg4[%swap3A_264, %swap3A_265], %swap3A_268 {strides = array<i32>} : memref<16x2440xf32, #tpu.memory_space<vmem>>, vector<1x16xf32>,
      %add3A_269 = arith.constant 96 : i32
      %add3A_270 = arith.addi %mul3A_220, %add3A_269 : i32
      %swap3A_271 = arith.constant 4 : i32
      %swap3A_272 = arith.index_cast %swap3A_271 : i32 to index
      %swap3A_273 = arith.index_cast %add3A_270 : i32 to index
      %swap3A_274 = tpu.vector_load %arg4[%swap3A_272, %swap3A_273] {strides = array<i32>} : memref<16x2440xf32, #tpu.memory_space<vmem>>, vector<1x16xf32>,
      %swap3A_275 = vector.shape_cast %swap3A_274 : vector<1x16xf32> to vector<16xf32>
      %swap3A_276 = vector.shape_cast %broadcast_in_dim3A_3 : vector<16xf32> to vector<1x16xf32>
      tpu.vector_store %arg4[%swap3A_272, %swap3A_273], %swap3A_276 {strides = array<i32>} : memref<16x2440xf32, #tpu.memory_space<vmem>>, vector<1x16xf32>,
      %add3A_277 = arith.constant 112 : i32
      %add3A_278 = arith.addi %mul3A_220, %add3A_277 : i32
      %swap3A_279 = arith.constant 4 : i32
      %swap3A_280 = arith.index_cast %swap3A_279 : i32 to index
      %swap3A_281 = arith.index_cast %add3A_278 : i32 to index
      %swap3A_282 = tpu.vector_load %arg4[%swap3A_280, %swap3A_281] {strides = array<i32>} : memref<16x2440xf32, #tpu.memory_space<vmem>>, vector<1x16xf32>,
      %swap3A_283 = vector.shape_cast %swap3A_282 : vector<1x16xf32> to vector<16xf32>
      %swap3A_284 = vector.shape_cast %broadcast_in_dim3A_3 : vector<16xf32> to vector<1x16xf32>
      tpu.vector_store %arg4[%swap3A_280, %swap3A_281], %swap3A_284 {strides = array<i32>} : memref<16x2440xf32, #tpu.memory_space<vmem>>, vector<1x16xf32>,
      %scan3A_285 = arith.constant 0 : i32
      scf.yield %scan3A_285 : i32
    }
    %scan3A_60 = arith.constant 19 : i32
    %swap3A_61 = arith.constant 4 : i32
    %swap3A_62 = arith.index_cast %swap3A_61 : i32 to index
    %swap3A_63 = arith.constant 2424 : index
    %swap3A_64 = tpu.vector_load %arg4[%swap3A_62, %swap3A_63] {strides = array<i32>} : memref<16x2440xf32, #tpu.memory_space<vmem>>, vector<1x16xf32>,
    %swap3A_65 = vector.shape_cast %swap3A_64 : vector<1x16xf32> to vector<16xf32>
    %swap3A_66 = vector.shape_cast %broadcast_in_dim3A_3 : vector<16xf32> to vector<1x16xf32>
    tpu.vector_store %arg4[%swap3A_62, %swap3A_63], %swap3A_66 {strides = array<i32>} : memref<16x2440xf32, #tpu.memory_space<vmem>>, vector<1x16xf32>,
    %scan3A_67 = arith.constant 0 : i32
    %scan3A_68 = arith.constant 0 : i32
    %scan3A_69 = arith.constant 19 : i32
    %scan3A_70 = arith.addi %scan3A_68, %scan3A_69 : i32
    %scan3A_71 = arith.constant 1 : i32
    %scan3A_72 = scf.for %scan3A_217 = %scan3A_68 to %scan3A_70 step %scan3A_71 iter_args(%scan3A_218 = %scan3A_67) -> (i32)  : i32 {
      %mul3A_219 = arith.constant 128 : i32
      %mul3A_220 = arith.muli %scan3A_217, %mul3A_219 : i32
      %add3A_221 = arith.constant 0 : i32
      %add3A_222 = arith.addi %mul3A_220, %add3A_221 : i32
      %swap3A_223 = arith.constant 5 : i32
      %swap3A_224 = arith.index_cast %swap3A_223 : i32 to index
      %swap3A_225 = arith.index_cast %add3A_222 : i32 to index
      %swap3A_226 = tpu.vector_load %arg4[%swap3A_224, %swap3A_225] {strides = array<i32>} : memref<16x2440xf32, #tpu.memory_space<vmem>>, vector<1x16xf32>,
      %swap3A_227 = vector.shape_cast %swap3A_226 : vector<1x16xf32> to vector<16xf32>
      %swap3A_228 = vector.shape_cast %broadcast_in_dim3A_3 : vector<16xf32> to vector<1x16xf32>
      tpu.vector_store %arg4[%swap3A_224, %swap3A_225], %swap3A_228 {strides = array<i32>} : memref<16x2440xf32, #tpu.memory_space<vmem>>, vector<1x16xf32>,
      %add3A_229 = arith.constant 16 : i32
      %add3A_230 = arith.addi %mul3A_220, %add3A_229 : i32
      %swap3A_231 = arith.constant 5 : i32
      %swap3A_232 = arith.index_cast %swap3A_231 : i32 to index
      %swap3A_233 = arith.index_cast %add3A_230 : i32 to index
      %swap3A_234 = tpu.vector_load %arg4[%swap3A_232, %swap3A_233] {strides = array<i32>} : memref<16x2440xf32, #tpu.memory_space<vmem>>, vector<1x16xf32>,
      %swap3A_235 = vector.shape_cast %swap3A_234 : vector<1x16xf32> to vector<16xf32>
      %swap3A_236 = vector.shape_cast %broadcast_in_dim3A_3 : vector<16xf32> to vector<1x16xf32>
      tpu.vector_store %arg4[%swap3A_232, %swap3A_233], %swap3A_236 {strides = array<i32>} : memref<16x2440xf32, #tpu.memory_space<vmem>>, vector<1x16xf32>,
      %add3A_237 = arith.constant 32 : i32
      %add3A_238 = arith.addi %mul3A_220, %add3A_237 : i32
      %swap3A_239 = arith.constant 5 : i32
      %swap3A_240 = arith.index_cast %swap3A_239 : i32 to index
      %swap3A_241 = arith.index_cast %add3A_238 : i32 to index
      %swap3A_242 = tpu.vector_load %arg4[%swap3A_240, %swap3A_241] {strides = array<i32>} : memref<16x2440xf32, #tpu.memory_space<vmem>>, vector<1x16xf32>,
      %swap3A_243 = vector.shape_cast %swap3A_242 : vector<1x16xf32> to vector<16xf32>
      %swap3A_244 = vector.shape_cast %broadcast_in_dim3A_3 : vector<16xf32> to vector<1x16xf32>
      tpu.vector_store %arg4[%swap3A_240, %swap3A_241], %swap3A_244 {strides = array<i32>} : memref<16x2440xf32, #tpu.memory_space<vmem>>, vector<1x16xf32>,
      %add3A_245 = arith.constant 48 : i32
      %add3A_246 = arith.addi %mul3A_220, %add3A_245 : i32
      %swap3A_247 = arith.constant 5 : i32
      %swap3A_248 = arith.index_cast %swap3A_247 : i32 to index
      %swap3A_249 = arith.index_cast %add3A_246 : i32 to index
      %swap3A_250 = tpu.vector_load %arg4[%swap3A_248, %swap3A_249] {strides = array<i32>} : memref<16x2440xf32, #tpu.memory_space<vmem>>, vector<1x16xf32>,
      %swap3A_251 = vector.shape_cast %swap3A_250 : vector<1x16xf32> to vector<16xf32>
      %swap3A_252 = vector.shape_cast %broadcast_in_dim3A_3 : vector<16xf32> to vector<1x16xf32>
      tpu.vector_store %arg4[%swap3A_248, %swap3A_249], %swap3A_252 {strides = array<i32>} : memref<16x2440xf32, #tpu.memory_space<vmem>>, vector<1x16xf32>,
      %add3A_253 = arith.constant 64 : i32
      %add3A_254 = arith.addi %mul3A_220, %add3A_253 : i32
      %swap3A_255 = arith.constant 5 : i32
      %swap3A_256 = arith.index_cast %swap3A_255 : i32 to index
      %swap3A_257 = arith.index_cast %add3A_254 : i32 to index
      %swap3A_258 = tpu.vector_load %arg4[%swap3A_256, %swap3A_257] {strides = array<i32>} : memref<16x2440xf32, #tpu.memory_space<vmem>>, vector<1x16xf32>,
      %swap3A_259 = vector.shape_cast %swap3A_258 : vector<1x16xf32> to vector<16xf32>
      %swap3A_260 = vector.shape_cast %broadcast_in_dim3A_3 : vector<16xf32> to vector<1x16xf32>
      tpu.vector_store %arg4[%swap3A_256, %swap3A_257], %swap3A_260 {strides = array<i32>} : memref<16x2440xf32, #tpu.memory_space<vmem>>, vector<1x16xf32>,
      %add3A_261 = arith.constant 80 : i32
      %add3A_262 = arith.addi %mul3A_220, %add3A_261 : i32
      %swap3A_263 = arith.constant 5 : i32
      %swap3A_264 = arith.index_cast %swap3A_263 : i32 to index
      %swap3A_265 = arith.index_cast %add3A_262 : i32 to index
      %swap3A_266 = tpu.vector_load %arg4[%swap3A_264, %swap3A_265] {strides = array<i32>} : memref<16x2440xf32, #tpu.memory_space<vmem>>, vector<1x16xf32>,
      %swap3A_267 = vector.shape_cast %swap3A_266 : vector<1x16xf32> to vector<16xf32>
      %swap3A_268 = vector.shape_cast %broadcast_in_dim3A_3 : vector<16xf32> to vector<1x16xf32>
      tpu.vector_store %arg4[%swap3A_264, %swap3A_265], %swap3A_268 {strides = array<i32>} : memref<16x2440xf32, #tpu.memory_space<vmem>>, vector<1x16xf32>,
      %add3A_269 = arith.constant 96 : i32
      %add3A_270 = arith.addi %mul3A_220, %add3A_269 : i32
      %swap3A_271 = arith.constant 5 : i32
      %swap3A_272 = arith.index_cast %swap3A_271 : i32 to index
      %swap3A_273 = arith.index_cast %add3A_270 : i32 to index
      %swap3A_274 = tpu.vector_load %arg4[%swap3A_272, %swap3A_273] {strides = array<i32>} : memref<16x2440xf32, #tpu.memory_space<vmem>>, vector<1x16xf32>,
      %swap3A_275 = vector.shape_cast %swap3A_274 : vector<1x16xf32> to vector<16xf32>
      %swap3A_276 = vector.shape_cast %broadcast_in_dim3A_3 : vector<16xf32> to vector<1x16xf32>
      tpu.vector_store %arg4[%swap3A_272, %swap3A_273], %swap3A_276 {strides = array<i32>} : memref<16x2440xf32, #tpu.memory_space<vmem>>, vector<1x16xf32>,
      %add3A_277 = arith.constant 112 : i32
      %add3A_278 = arith.addi %mul3A_220, %add3A_277 : i32
      %swap3A_279 = arith.constant 5 : i32
      %swap3A_280 = arith.index_cast %swap3A_279 : i32 to index
      %swap3A_281 = arith.index_cast %add3A_278 : i32 to index
      %swap3A_282 = tpu.vector_load %arg4[%swap3A_280, %swap3A_281] {strides = array<i32>} : memref<16x2440xf32, #tpu.memory_space<vmem>>, vector<1x16xf32>,
      %swap3A_283 = vector.shape_cast %swap3A_282 : vector<1x16xf32> to vector<16xf32>
      %swap3A_284 = vector.shape_cast %broadcast_in_dim3A_3 : vector<16xf32> to vector<1x16xf32>
      tpu.vector_store %arg4[%swap3A_280, %swap3A_281], %swap3A_284 {strides = array<i32>} : memref<16x2440xf32, #tpu.memory_space<vmem>>, vector<1x16xf32>,
      %scan3A_285 = arith.constant 0 : i32
      scf.yield %scan3A_285 : i32
    }
    %scan3A_73 = arith.constant 19 : i32
    %swap3A_74 = arith.constant 5 : i32
    %swap3A_75 = arith.index_cast %swap3A_74 : i32 to index
    %swap3A_76 = arith.constant 2424 : index
    %swap3A_77 = tpu.vector_load %arg4[%swap3A_75, %swap3A_76] {strides = array<i32>} : memref<16x2440xf32, #tpu.memory_space<vmem>>, vector<1x16xf32>,
    %swap3A_78 = vector.shape_cast %swap3A_77 : vector<1x16xf32> to vector<16xf32>
    %swap3A_79 = vector.shape_cast %broadcast_in_dim3A_3 : vector<16xf32> to vector<1x16xf32>
    tpu.vector_store %arg4[%swap3A_75, %swap3A_76], %swap3A_79 {strides = array<i32>} : memref<16x2440xf32, #tpu.memory_space<vmem>>, vector<1x16xf32>,
    %scan3A_80 = arith.constant 0 : i32
    %scan3A_81 = arith.constant 0 : i32
    %scan3A_82 = arith.constant 19 : i32
    %scan3A_83 = arith.addi %scan3A_81, %scan3A_82 : i32
    %scan3A_84 = arith.constant 1 : i32
    %scan3A_85 = scf.for %scan3A_217 = %scan3A_81 to %scan3A_83 step %scan3A_84 iter_args(%scan3A_218 = %scan3A_80) -> (i32)  : i32 {
      %mul3A_219 = arith.constant 128 : i32
      %mul3A_220 = arith.muli %scan3A_217, %mul3A_219 : i32
      %add3A_221 = arith.constant 0 : i32
      %add3A_222 = arith.addi %mul3A_220, %add3A_221 : i32
      %swap3A_223 = arith.constant 6 : i32
      %swap3A_224 = arith.index_cast %swap3A_223 : i32 to index
      %swap3A_225 = arith.index_cast %add3A_222 : i32 to index
      %swap3A_226 = tpu.vector_load %arg4[%swap3A_224, %swap3A_225] {strides = array<i32>} : memref<16x2440xf32, #tpu.memory_space<vmem>>, vector<1x16xf32>,
      %swap3A_227 = vector.shape_cast %swap3A_226 : vector<1x16xf32> to vector<16xf32>
      %swap3A_228 = vector.shape_cast %broadcast_in_dim3A_3 : vector<16xf32> to vector<1x16xf32>
      tpu.vector_store %arg4[%swap3A_224, %swap3A_225], %swap3A_228 {strides = array<i32>} : memref<16x2440xf32, #tpu.memory_space<vmem>>, vector<1x16xf32>,
      %add3A_229 = arith.constant 16 : i32
      %add3A_230 = arith.addi %mul3A_220, %add3A_229 : i32
      %swap3A_231 = arith.constant 6 : i32
      %swap3A_232 = arith.index_cast %swap3A_231 : i32 to index
      %swap3A_233 = arith.index_cast %add3A_230 : i32 to index
      %swap3A_234 = tpu.vector_load %arg4[%swap3A_232, %swap3A_233] {strides = array<i32>} : memref<16x2440xf32, #tpu.memory_space<vmem>>, vector<1x16xf32>,
      %swap3A_235 = vector.shape_cast %swap3A_234 : vector<1x16xf32> to vector<16xf32>
      %swap3A_236 = vector.shape_cast %broadcast_in_dim3A_3 : vector<16xf32> to vector<1x16xf32>
      tpu.vector_store %arg4[%swap3A_232, %swap3A_233], %swap3A_236 {strides = array<i32>} : memref<16x2440xf32, #tpu.memory_space<vmem>>, vector<1x16xf32>,
      %add3A_237 = arith.constant 32 : i32
      %add3A_238 = arith.addi %mul3A_220, %add3A_237 : i32
      %swap3A_239 = arith.constant 6 : i32
      %swap3A_240 = arith.index_cast %swap3A_239 : i32 to index
      %swap3A_241 = arith.index_cast %add3A_238 : i32 to index
      %swap3A_242 = tpu.vector_load %arg4[%swap3A_240, %swap3A_241] {strides = array<i32>} : memref<16x2440xf32, #tpu.memory_space<vmem>>, vector<1x16xf32>,
      %swap3A_243 = vector.shape_cast %swap3A_242 : vector<1x16xf32> to vector<16xf32>
      %swap3A_244 = vector.shape_cast %broadcast_in_dim3A_3 : vector<16xf32> to vector<1x16xf32>
      tpu.vector_store %arg4[%swap3A_240, %swap3A_241], %swap3A_244 {strides = array<i32>} : memref<16x2440xf32, #tpu.memory_space<vmem>>, vector<1x16xf32>,
      %add3A_245 = arith.constant 48 : i32
      %add3A_246 = arith.addi %mul3A_220, %add3A_245 : i32
      %swap3A_247 = arith.constant 6 : i32
      %swap3A_248 = arith.index_cast %swap3A_247 : i32 to index
      %swap3A_249 = arith.index_cast %add3A_246 : i32 to index
      %swap3A_250 = tpu.vector_load %arg4[%swap3A_248, %swap3A_249] {strides = array<i32>} : memref<16x2440xf32, #tpu.memory_space<vmem>>, vector<1x16xf32>,
      %swap3A_251 = vector.shape_cast %swap3A_250 : vector<1x16xf32> to vector<16xf32>
      %swap3A_252 = vector.shape_cast %broadcast_in_dim3A_3 : vector<16xf32> to vector<1x16xf32>
      tpu.vector_store %arg4[%swap3A_248, %swap3A_249], %swap3A_252 {strides = array<i32>} : memref<16x2440xf32, #tpu.memory_space<vmem>>, vector<1x16xf32>,
      %add3A_253 = arith.constant 64 : i32
      %add3A_254 = arith.addi %mul3A_220, %add3A_253 : i32
      %swap3A_255 = arith.constant 6 : i32
      %swap3A_256 = arith.index_cast %swap3A_255 : i32 to index
      %swap3A_257 = arith.index_cast %add3A_254 : i32 to index
      %swap3A_258 = tpu.vector_load %arg4[%swap3A_256, %swap3A_257] {strides = array<i32>} : memref<16x2440xf32, #tpu.memory_space<vmem>>, vector<1x16xf32>,
      %swap3A_259 = vector.shape_cast %swap3A_258 : vector<1x16xf32> to vector<16xf32>
      %swap3A_260 = vector.shape_cast %broadcast_in_dim3A_3 : vector<16xf32> to vector<1x16xf32>
      tpu.vector_store %arg4[%swap3A_256, %swap3A_257], %swap3A_260 {strides = array<i32>} : memref<16x2440xf32, #tpu.memory_space<vmem>>, vector<1x16xf32>,
      %add3A_261 = arith.constant 80 : i32
      %add3A_262 = arith.addi %mul3A_220, %add3A_261 : i32
      %swap3A_263 = arith.constant 6 : i32
      %swap3A_264 = arith.index_cast %swap3A_263 : i32 to index
      %swap3A_265 = arith.index_cast %add3A_262 : i32 to index
      %swap3A_266 = tpu.vector_load %arg4[%swap3A_264, %swap3A_265] {strides = array<i32>} : memref<16x2440xf32, #tpu.memory_space<vmem>>, vector<1x16xf32>,
      %swap3A_267 = vector.shape_cast %swap3A_266 : vector<1x16xf32> to vector<16xf32>
      %swap3A_268 = vector.shape_cast %broadcast_in_dim3A_3 : vector<16xf32> to vector<1x16xf32>
      tpu.vector_store %arg4[%swap3A_264, %swap3A_265], %swap3A_268 {strides = array<i32>} : memref<16x2440xf32, #tpu.memory_space<vmem>>, vector<1x16xf32>,
      %add3A_269 = arith.constant 96 : i32
      %add3A_270 = arith.addi %mul3A_220, %add3A_269 : i32
      %swap3A_271 = arith.constant 6 : i32
      %swap3A_272 = arith.index_cast %swap3A_271 : i32 to index
      %swap3A_273 = arith.index_cast %add3A_270 : i32 to index
      %swap3A_274 = tpu.vector_load %arg4[%swap3A_272, %swap3A_273] {strides = array<i32>} : memref<16x2440xf32, #tpu.memory_space<vmem>>, vector<1x16xf32>,
      %swap3A_275 = vector.shape_cast %swap3A_274 : vector<1x16xf32> to vector<16xf32>
      %swap3A_276 = vector.shape_cast %broadcast_in_dim3A_3 : vector<16xf32> to vector<1x16xf32>
      tpu.vector_store %arg4[%swap3A_272, %swap3A_273], %swap3A_276 {strides = array<i32>} : memref<16x2440xf32, #tpu.memory_space<vmem>>, vector<1x16xf32>,
      %add3A_277 = arith.constant 112 : i32
      %add3A_278 = arith.addi %mul3A_220, %add3A_277 : i32
      %swap3A_279 = arith.constant 6 : i32
      %swap3A_280 = arith.index_cast %swap3A_279 : i32 to index
      %swap3A_281 = arith.index_cast %add3A_278 : i32 to index
      %swap3A_282 = tpu.vector_load %arg4[%swap3A_280, %swap3A_281] {strides = array<i32>} : memref<16x2440xf32, #tpu.memory_space<vmem>>, vector<1x16xf32>,
      %swap3A_283 = vector.shape_cast %swap3A_282 : vector<1x16xf32> to vector<16xf32>
      %swap3A_284 = vector.shape_cast %broadcast_in_dim3A_3 : vector<16xf32> to vector<1x16xf32>
      tpu.vector_store %arg4[%swap3A_280, %swap3A_281], %swap3A_284 {strides = array<i32>} : memref<16x2440xf32, #tpu.memory_space<vmem>>, vector<1x16xf32>,
      %scan3A_285 = arith.constant 0 : i32
      scf.yield %scan3A_285 : i32
    }
    %scan3A_86 = arith.constant 19 : i32
    %swap3A_87 = arith.constant 6 : i32
    %swap3A_88 = arith.index_cast %swap3A_87 : i32 to index
    %swap3A_89 = arith.constant 2424 : index
    %swap3A_90 = tpu.vector_load %arg4[%swap3A_88, %swap3A_89] {strides = array<i32>} : memref<16x2440xf32, #tpu.memory_space<vmem>>, vector<1x16xf32>,
    %swap3A_91 = vector.shape_cast %swap3A_90 : vector<1x16xf32> to vector<16xf32>
    %swap3A_92 = vector.shape_cast %broadcast_in_dim3A_3 : vector<16xf32> to vector<1x16xf32>
    tpu.vector_store %arg4[%swap3A_88, %swap3A_89], %swap3A_92 {strides = array<i32>} : memref<16x2440xf32, #tpu.memory_space<vmem>>, vector<1x16xf32>,
    %scan3A_93 = arith.constant 0 : i32
    %scan3A_94 = arith.constant 0 : i32
    %scan3A_95 = arith.constant 19 : i32
    %scan3A_96 = arith.addi %scan3A_94, %scan3A_95 : i32
    %scan3A_97 = arith.constant 1 : i32
    %scan3A_98 = scf.for %scan3A_217 = %scan3A_94 to %scan3A_96 step %scan3A_97 iter_args(%scan3A_218 = %scan3A_93) -> (i32)  : i32 {
      %mul3A_219 = arith.constant 128 : i32
      %mul3A_220 = arith.muli %scan3A_217, %mul3A_219 : i32
      %add3A_221 = arith.constant 0 : i32
      %add3A_222 = arith.addi %mul3A_220, %add3A_221 : i32
      %swap3A_223 = arith.constant 7 : i32
      %swap3A_224 = arith.index_cast %swap3A_223 : i32 to index
      %swap3A_225 = arith.index_cast %add3A_222 : i32 to index
      %swap3A_226 = tpu.vector_load %arg4[%swap3A_224, %swap3A_225] {strides = array<i32>} : memref<16x2440xf32, #tpu.memory_space<vmem>>, vector<1x16xf32>,
      %swap3A_227 = vector.shape_cast %swap3A_226 : vector<1x16xf32> to vector<16xf32>
      %swap3A_228 = vector.shape_cast %broadcast_in_dim3A_3 : vector<16xf32> to vector<1x16xf32>
      tpu.vector_store %arg4[%swap3A_224, %swap3A_225], %swap3A_228 {strides = array<i32>} : memref<16x2440xf32, #tpu.memory_space<vmem>>, vector<1x16xf32>,
      %add3A_229 = arith.constant 16 : i32
      %add3A_230 = arith.addi %mul3A_220, %add3A_229 : i32
      %swap3A_231 = arith.constant 7 : i32
      %swap3A_232 = arith.index_cast %swap3A_231 : i32 to index
      %swap3A_233 = arith.index_cast %add3A_230 : i32 to index
      %swap3A_234 = tpu.vector_load %arg4[%swap3A_232, %swap3A_233] {strides = array<i32>} : memref<16x2440xf32, #tpu.memory_space<vmem>>, vector<1x16xf32>,
      %swap3A_235 = vector.shape_cast %swap3A_234 : vector<1x16xf32> to vector<16xf32>
      %swap3A_236 = vector.shape_cast %broadcast_in_dim3A_3 : vector<16xf32> to vector<1x16xf32>
      tpu.vector_store %arg4[%swap3A_232, %swap3A_233], %swap3A_236 {strides = array<i32>} : memref<16x2440xf32, #tpu.memory_space<vmem>>, vector<1x16xf32>,
      %add3A_237 = arith.constant 32 : i32
      %add3A_238 = arith.addi %mul3A_220, %add3A_237 : i32
      %swap3A_239 = arith.constant 7 : i32
      %swap3A_240 = arith.index_cast %swap3A_239 : i32 to index
      %swap3A_241 = arith.index_cast %add3A_238 : i32 to index
      %swap3A_242 = tpu.vector_load %arg4[%swap3A_240, %swap3A_241] {strides = array<i32>} : memref<16x2440xf32, #tpu.memory_space<vmem>>, vector<1x16xf32>,
      %swap3A_243 = vector.shape_cast %swap3A_242 : vector<1x16xf32> to vector<16xf32>
      %swap3A_244 = vector.shape_cast %broadcast_in_dim3A_3 : vector<16xf32> to vector<1x16xf32>
      tpu.vector_store %arg4[%swap3A_240, %swap3A_241], %swap3A_244 {strides = array<i32>} : memref<16x2440xf32, #tpu.memory_space<vmem>>, vector<1x16xf32>,
      %add3A_245 = arith.constant 48 : i32
      %add3A_246 = arith.addi %mul3A_220, %add3A_245 : i32
      %swap3A_247 = arith.constant 7 : i32
      %swap3A_248 = arith.index_cast %swap3A_247 : i32 to index
      %swap3A_249 = arith.index_cast %add3A_246 : i32 to index
      %swap3A_250 = tpu.vector_load %arg4[%swap3A_248, %swap3A_249] {strides = array<i32>} : memref<16x2440xf32, #tpu.memory_space<vmem>>, vector<1x16xf32>,
      %swap3A_251 = vector.shape_cast %swap3A_250 : vector<1x16xf32> to vector<16xf32>
      %swap3A_252 = vector.shape_cast %broadcast_in_dim3A_3 : vector<16xf32> to vector<1x16xf32>
      tpu.vector_store %arg4[%swap3A_248, %swap3A_249], %swap3A_252 {strides = array<i32>} : memref<16x2440xf32, #tpu.memory_space<vmem>>, vector<1x16xf32>,
      %add3A_253 = arith.constant 64 : i32
      %add3A_254 = arith.addi %mul3A_220, %add3A_253 : i32
      %swap3A_255 = arith.constant 7 : i32
      %swap3A_256 = arith.index_cast %swap3A_255 : i32 to index
      %swap3A_257 = arith.index_cast %add3A_254 : i32 to index
      %swap3A_258 = tpu.vector_load %arg4[%swap3A_256, %swap3A_257] {strides = array<i32>} : memref<16x2440xf32, #tpu.memory_space<vmem>>, vector<1x16xf32>,
      %swap3A_259 = vector.shape_cast %swap3A_258 : vector<1x16xf32> to vector<16xf32>
      %swap3A_260 = vector.shape_cast %broadcast_in_dim3A_3 : vector<16xf32> to vector<1x16xf32>
      tpu.vector_store %arg4[%swap3A_256, %swap3A_257], %swap3A_260 {strides = array<i32>} : memref<16x2440xf32, #tpu.memory_space<vmem>>, vector<1x16xf32>,
      %add3A_261 = arith.constant 80 : i32
      %add3A_262 = arith.addi %mul3A_220, %add3A_261 : i32
      %swap3A_263 = arith.constant 7 : i32
      %swap3A_264 = arith.index_cast %swap3A_263 : i32 to index
      %swap3A_265 = arith.index_cast %add3A_262 : i32 to index
      %swap3A_266 = tpu.vector_load %arg4[%swap3A_264, %swap3A_265] {strides = array<i32>} : memref<16x2440xf32, #tpu.memory_space<vmem>>, vector<1x16xf32>,
      %swap3A_267 = vector.shape_cast %swap3A_266 : vector<1x16xf32> to vector<16xf32>
      %swap3A_268 = vector.shape_cast %broadcast_in_dim3A_3 : vector<16xf32> to vector<1x16xf32>
      tpu.vector_store %arg4[%swap3A_264, %swap3A_265], %swap3A_268 {strides = array<i32>} : memref<16x2440xf32, #tpu.memory_space<vmem>>, vector<1x16xf32>,
      %add3A_269 = arith.constant 96 : i32
      %add3A_270 = arith.addi %mul3A_220, %add3A_269 : i32
      %swap3A_271 = arith.constant 7 : i32
      %swap3A_272 = arith.index_cast %swap3A_271 : i32 to index
      %swap3A_273 = arith.index_cast %add3A_270 : i32 to index
      %swap3A_274 = tpu.vector_load %arg4[%swap3A_272, %swap3A_273] {strides = array<i32>} : memref<16x2440xf32, #tpu.memory_space<vmem>>, vector<1x16xf32>,
      %swap3A_275 = vector.shape_cast %swap3A_274 : vector<1x16xf32> to vector<16xf32>
      %swap3A_276 = vector.shape_cast %broadcast_in_dim3A_3 : vector<16xf32> to vector<1x16xf32>
      tpu.vector_store %arg4[%swap3A_272, %swap3A_273], %swap3A_276 {strides = array<i32>} : memref<16x2440xf32, #tpu.memory_space<vmem>>, vector<1x16xf32>,
      %add3A_277 = arith.constant 112 : i32
      %add3A_278 = arith.addi %mul3A_220, %add3A_277 : i32
      %swap3A_279 = arith.constant 7 : i32
      %swap3A_280 = arith.index_cast %swap3A_279 : i32 to index
      %swap3A_281 = arith.index_cast %add3A_278 : i32 to index
      %swap3A_282 = tpu.vector_load %arg4[%swap3A_280, %swap3A_281] {strides = array<i32>} : memref<16x2440xf32, #tpu.memory_space<vmem>>, vector<1x16xf32>,
      %swap3A_283 = vector.shape_cast %swap3A_282 : vector<1x16xf32> to vector<16xf32>
      %swap3A_284 = vector.shape_cast %broadcast_in_dim3A_3 : vector<16xf32> to vector<1x16xf32>
      tpu.vector_store %arg4[%swap3A_280, %swap3A_281], %swap3A_284 {strides = array<i32>} : memref<16x2440xf32, #tpu.memory_space<vmem>>, vector<1x16xf32>,
      %scan3A_285 = arith.constant 0 : i32
      scf.yield %scan3A_285 : i32
    }
    %scan3A_99 = arith.constant 19 : i32
    %swap3A_100 = arith.constant 7 : i32
    %swap3A_101 = arith.index_cast %swap3A_100 : i32 to index
    %swap3A_102 = arith.constant 2424 : index
    %swap3A_103 = tpu.vector_load %arg4[%swap3A_101, %swap3A_102] {strides = array<i32>} : memref<16x2440xf32, #tpu.memory_space<vmem>>, vector<1x16xf32>,
    %swap3A_104 = vector.shape_cast %swap3A_103 : vector<1x16xf32> to vector<16xf32>
    %swap3A_105 = vector.shape_cast %broadcast_in_dim3A_3 : vector<16xf32> to vector<1x16xf32>
    tpu.vector_store %arg4[%swap3A_101, %swap3A_102], %swap3A_105 {strides = array<i32>} : memref<16x2440xf32, #tpu.memory_space<vmem>>, vector<1x16xf32>,
    %scan3A_106 = arith.constant 0 : i32
    %scan3A_107 = arith.constant 0 : i32
    %scan3A_108 = arith.constant 19 : i32
    %scan3A_109 = arith.addi %scan3A_107, %scan3A_108 : i32
    %scan3A_110 = arith.constant 1 : i32
    %scan3A_111 = scf.for %scan3A_217 = %scan3A_107 to %scan3A_109 step %scan3A_110 iter_args(%scan3A_218 = %scan3A_106) -> (i32)  : i32 {
      %mul3A_219 = arith.constant 128 : i32
      %mul3A_220 = arith.muli %scan3A_217, %mul3A_219 : i32
      %add3A_221 = arith.constant 0 : i32
      %add3A_222 = arith.addi %mul3A_220, %add3A_221 : i32
      %swap3A_223 = arith.constant 8 : i32
      %swap3A_224 = arith.index_cast %swap3A_223 : i32 to index
      %swap3A_225 = arith.index_cast %add3A_222 : i32 to index
      %swap3A_226 = tpu.vector_load %arg4[%swap3A_224, %swap3A_225] {strides = array<i32>} : memref<16x2440xf32, #tpu.memory_space<vmem>>, vector<1x16xf32>,
      %swap3A_227 = vector.shape_cast %swap3A_226 : vector<1x16xf32> to vector<16xf32>
      %swap3A_228 = vector.shape_cast %broadcast_in_dim3A_3 : vector<16xf32> to vector<1x16xf32>
      tpu.vector_store %arg4[%swap3A_224, %swap3A_225], %swap3A_228 {strides = array<i32>} : memref<16x2440xf32, #tpu.memory_space<vmem>>, vector<1x16xf32>,
      %add3A_229 = arith.constant 16 : i32
      %add3A_230 = arith.addi %mul3A_220, %add3A_229 : i32
      %swap3A_231 = arith.constant 8 : i32
      %swap3A_232 = arith.index_cast %swap3A_231 : i32 to index
      %swap3A_233 = arith.index_cast %add3A_230 : i32 to index
      %swap3A_234 = tpu.vector_load %arg4[%swap3A_232, %swap3A_233] {strides = array<i32>} : memref<16x2440xf32, #tpu.memory_space<vmem>>, vector<1x16xf32>,
      %swap3A_235 = vector.shape_cast %swap3A_234 : vector<1x16xf32> to vector<16xf32>
      %swap3A_236 = vector.shape_cast %broadcast_in_dim3A_3 : vector<16xf32> to vector<1x16xf32>
      tpu.vector_store %arg4[%swap3A_232, %swap3A_233], %swap3A_236 {strides = array<i32>} : memref<16x2440xf32, #tpu.memory_space<vmem>>, vector<1x16xf32>,
      %add3A_237 = arith.constant 32 : i32
      %add3A_238 = arith.addi %mul3A_220, %add3A_237 : i32
      %swap3A_239 = arith.constant 8 : i32
      %swap3A_240 = arith.index_cast %swap3A_239 : i32 to index
      %swap3A_241 = arith.index_cast %add3A_238 : i32 to index
      %swap3A_242 = tpu.vector_load %arg4[%swap3A_240, %swap3A_241] {strides = array<i32>} : memref<16x2440xf32, #tpu.memory_space<vmem>>, vector<1x16xf32>,
      %swap3A_243 = vector.shape_cast %swap3A_242 : vector<1x16xf32> to vector<16xf32>
      %swap3A_244 = vector.shape_cast %broadcast_in_dim3A_3 : vector<16xf32> to vector<1x16xf32>
      tpu.vector_store %arg4[%swap3A_240, %swap3A_241], %swap3A_244 {strides = array<i32>} : memref<16x2440xf32, #tpu.memory_space<vmem>>, vector<1x16xf32>,
      %add3A_245 = arith.constant 48 : i32
      %add3A_246 = arith.addi %mul3A_220, %add3A_245 : i32
      %swap3A_247 = arith.constant 8 : i32
      %swap3A_248 = arith.index_cast %swap3A_247 : i32 to index
      %swap3A_249 = arith.index_cast %add3A_246 : i32 to index
      %swap3A_250 = tpu.vector_load %arg4[%swap3A_248, %swap3A_249] {strides = array<i32>} : memref<16x2440xf32, #tpu.memory_space<vmem>>, vector<1x16xf32>,
      %swap3A_251 = vector.shape_cast %swap3A_250 : vector<1x16xf32> to vector<16xf32>
      %swap3A_252 = vector.shape_cast %broadcast_in_dim3A_3 : vector<16xf32> to vector<1x16xf32>
      tpu.vector_store %arg4[%swap3A_248, %swap3A_249], %swap3A_252 {strides = array<i32>} : memref<16x2440xf32, #tpu.memory_space<vmem>>, vector<1x16xf32>,
      %add3A_253 = arith.constant 64 : i32
      %add3A_254 = arith.addi %mul3A_220, %add3A_253 : i32
      %swap3A_255 = arith.constant 8 : i32
      %swap3A_256 = arith.index_cast %swap3A_255 : i32 to index
      %swap3A_257 = arith.index_cast %add3A_254 : i32 to index
      %swap3A_258 = tpu.vector_load %arg4[%swap3A_256, %swap3A_257] {strides = array<i32>} : memref<16x2440xf32, #tpu.memory_space<vmem>>, vector<1x16xf32>,
      %swap3A_259 = vector.shape_cast %swap3A_258 : vector<1x16xf32> to vector<16xf32>
      %swap3A_260 = vector.shape_cast %broadcast_in_dim3A_3 : vector<16xf32> to vector<1x16xf32>
      tpu.vector_store %arg4[%swap3A_256, %swap3A_257], %swap3A_260 {strides = array<i32>} : memref<16x2440xf32, #tpu.memory_space<vmem>>, vector<1x16xf32>,
      %add3A_261 = arith.constant 80 : i32
      %add3A_262 = arith.addi %mul3A_220, %add3A_261 : i32
      %swap3A_263 = arith.constant 8 : i32
      %swap3A_264 = arith.index_cast %swap3A_263 : i32 to index
      %swap3A_265 = arith.index_cast %add3A_262 : i32 to index
      %swap3A_266 = tpu.vector_load %arg4[%swap3A_264, %swap3A_265] {strides = array<i32>} : memref<16x2440xf32, #tpu.memory_space<vmem>>, vector<1x16xf32>,
      %swap3A_267 = vector.shape_cast %swap3A_266 : vector<1x16xf32> to vector<16xf32>
      %swap3A_268 = vector.shape_cast %broadcast_in_dim3A_3 : vector<16xf32> to vector<1x16xf32>
      tpu.vector_store %arg4[%swap3A_264, %swap3A_265], %swap3A_268 {strides = array<i32>} : memref<16x2440xf32, #tpu.memory_space<vmem>>, vector<1x16xf32>,
      %add3A_269 = arith.constant 96 : i32
      %add3A_270 = arith.addi %mul3A_220, %add3A_269 : i32
      %swap3A_271 = arith.constant 8 : i32
      %swap3A_272 = arith.index_cast %swap3A_271 : i32 to index
      %swap3A_273 = arith.index_cast %add3A_270 : i32 to index
      %swap3A_274 = tpu.vector_load %arg4[%swap3A_272, %swap3A_273] {strides = array<i32>} : memref<16x2440xf32, #tpu.memory_space<vmem>>, vector<1x16xf32>,
      %swap3A_275 = vector.shape_cast %swap3A_274 : vector<1x16xf32> to vector<16xf32>
      %swap3A_276 = vector.shape_cast %broadcast_in_dim3A_3 : vector<16xf32> to vector<1x16xf32>
      tpu.vector_store %arg4[%swap3A_272, %swap3A_273], %swap3A_276 {strides = array<i32>} : memref<16x2440xf32, #tpu.memory_space<vmem>>, vector<1x16xf32>,
      %add3A_277 = arith.constant 112 : i32
      %add3A_278 = arith.addi %mul3A_220, %add3A_277 : i32
      %swap3A_279 = arith.constant 8 : i32
      %swap3A_280 = arith.index_cast %swap3A_279 : i32 to index
      %swap3A_281 = arith.index_cast %add3A_278 : i32 to index
      %swap3A_282 = tpu.vector_load %arg4[%swap3A_280, %swap3A_281] {strides = array<i32>} : memref<16x2440xf32, #tpu.memory_space<vmem>>, vector<1x16xf32>,
      %swap3A_283 = vector.shape_cast %swap3A_282 : vector<1x16xf32> to vector<16xf32>
      %swap3A_284 = vector.shape_cast %broadcast_in_dim3A_3 : vector<16xf32> to vector<1x16xf32>
      tpu.vector_store %arg4[%swap3A_280, %swap3A_281], %swap3A_284 {strides = array<i32>} : memref<16x2440xf32, #tpu.memory_space<vmem>>, vector<1x16xf32>,
      %scan3A_285 = arith.constant 0 : i32
      scf.yield %scan3A_285 : i32
    }
    %scan3A_112 = arith.constant 19 : i32
    %swap3A_113 = arith.constant 8 : i32
    %swap3A_114 = arith.index_cast %swap3A_113 : i32 to index
    %swap3A_115 = arith.constant 2424 : index
    %swap3A_116 = tpu.vector_load %arg4[%swap3A_114, %swap3A_115] {strides = array<i32>} : memref<16x2440xf32, #tpu.memory_space<vmem>>, vector<1x16xf32>,
    %swap3A_117 = vector.shape_cast %swap3A_116 : vector<1x16xf32> to vector<16xf32>
    %swap3A_118 = vector.shape_cast %broadcast_in_dim3A_3 : vector<16xf32> to vector<1x16xf32>
    tpu.vector_store %arg4[%swap3A_114, %swap3A_115], %swap3A_118 {strides = array<i32>} : memref<16x2440xf32, #tpu.memory_space<vmem>>, vector<1x16xf32>,
    %scan3A_119 = arith.constant 0 : i32
    %scan3A_120 = arith.constant 0 : i32
    %scan3A_121 = arith.constant 19 : i32
    %scan3A_122 = arith.addi %scan3A_120, %scan3A_121 : i32
    %scan3A_123 = arith.constant 1 : i32
    %scan3A_124 = scf.for %scan3A_217 = %scan3A_120 to %scan3A_122 step %scan3A_123 iter_args(%scan3A_218 = %scan3A_119) -> (i32)  : i32 {
      %mul3A_219 = arith.constant 128 : i32
      %mul3A_220 = arith.muli %scan3A_217, %mul3A_219 : i32
      %add3A_221 = arith.constant 0 : i32
      %add3A_222 = arith.addi %mul3A_220, %add3A_221 : i32
      %swap3A_223 = arith.constant 9 : i32
      %swap3A_224 = arith.index_cast %swap3A_223 : i32 to index
      %swap3A_225 = arith.index_cast %add3A_222 : i32 to index
      %swap3A_226 = tpu.vector_load %arg4[%swap3A_224, %swap3A_225] {strides = array<i32>} : memref<16x2440xf32, #tpu.memory_space<vmem>>, vector<1x16xf32>,
      %swap3A_227 = vector.shape_cast %swap3A_226 : vector<1x16xf32> to vector<16xf32>
      %swap3A_228 = vector.shape_cast %broadcast_in_dim3A_3 : vector<16xf32> to vector<1x16xf32>
      tpu.vector_store %arg4[%swap3A_224, %swap3A_225], %swap3A_228 {strides = array<i32>} : memref<16x2440xf32, #tpu.memory_space<vmem>>, vector<1x16xf32>,
      %add3A_229 = arith.constant 16 : i32
      %add3A_230 = arith.addi %mul3A_220, %add3A_229 : i32
      %swap3A_231 = arith.constant 9 : i32
      %swap3A_232 = arith.index_cast %swap3A_231 : i32 to index
      %swap3A_233 = arith.index_cast %add3A_230 : i32 to index
      %swap3A_234 = tpu.vector_load %arg4[%swap3A_232, %swap3A_233] {strides = array<i32>} : memref<16x2440xf32, #tpu.memory_space<vmem>>, vector<1x16xf32>,
      %swap3A_235 = vector.shape_cast %swap3A_234 : vector<1x16xf32> to vector<16xf32>
      %swap3A_236 = vector.shape_cast %broadcast_in_dim3A_3 : vector<16xf32> to vector<1x16xf32>
      tpu.vector_store %arg4[%swap3A_232, %swap3A_233], %swap3A_236 {strides = array<i32>} : memref<16x2440xf32, #tpu.memory_space<vmem>>, vector<1x16xf32>,
      %add3A_237 = arith.constant 32 : i32
      %add3A_238 = arith.addi %mul3A_220, %add3A_237 : i32
      %swap3A_239 = arith.constant 9 : i32
      %swap3A_240 = arith.index_cast %swap3A_239 : i32 to index
      %swap3A_241 = arith.index_cast %add3A_238 : i32 to index
      %swap3A_242 = tpu.vector_load %arg4[%swap3A_240, %swap3A_241] {strides = array<i32>} : memref<16x2440xf32, #tpu.memory_space<vmem>>, vector<1x16xf32>,
      %swap3A_243 = vector.shape_cast %swap3A_242 : vector<1x16xf32> to vector<16xf32>
      %swap3A_244 = vector.shape_cast %broadcast_in_dim3A_3 : vector<16xf32> to vector<1x16xf32>
      tpu.vector_store %arg4[%swap3A_240, %swap3A_241], %swap3A_244 {strides = array<i32>} : memref<16x2440xf32, #tpu.memory_space<vmem>>, vector<1x16xf32>,
      %add3A_245 = arith.constant 48 : i32
      %add3A_246 = arith.addi %mul3A_220, %add3A_245 : i32
      %swap3A_247 = arith.constant 9 : i32
      %swap3A_248 = arith.index_cast %swap3A_247 : i32 to index
      %swap3A_249 = arith.index_cast %add3A_246 : i32 to index
      %swap3A_250 = tpu.vector_load %arg4[%swap3A_248, %swap3A_249] {strides = array<i32>} : memref<16x2440xf32, #tpu.memory_space<vmem>>, vector<1x16xf32>,
      %swap3A_251 = vector.shape_cast %swap3A_250 : vector<1x16xf32> to vector<16xf32>
      %swap3A_252 = vector.shape_cast %broadcast_in_dim3A_3 : vector<16xf32> to vector<1x16xf32>
      tpu.vector_store %arg4[%swap3A_248, %swap3A_249], %swap3A_252 {strides = array<i32>} : memref<16x2440xf32, #tpu.memory_space<vmem>>, vector<1x16xf32>,
      %add3A_253 = arith.constant 64 : i32
      %add3A_254 = arith.addi %mul3A_220, %add3A_253 : i32
      %swap3A_255 = arith.constant 9 : i32
      %swap3A_256 = arith.index_cast %swap3A_255 : i32 to index
      %swap3A_257 = arith.index_cast %add3A_254 : i32 to index
      %swap3A_258 = tpu.vector_load %arg4[%swap3A_256, %swap3A_257] {strides = array<i32>} : memref<16x2440xf32, #tpu.memory_space<vmem>>, vector<1x16xf32>,
      %swap3A_259 = vector.shape_cast %swap3A_258 : vector<1x16xf32> to vector<16xf32>
      %swap3A_260 = vector.shape_cast %broadcast_in_dim3A_3 : vector<16xf32> to vector<1x16xf32>
      tpu.vector_store %arg4[%swap3A_256, %swap3A_257], %swap3A_260 {strides = array<i32>} : memref<16x2440xf32, #tpu.memory_space<vmem>>, vector<1x16xf32>,
      %add3A_261 = arith.constant 80 : i32
      %add3A_262 = arith.addi %mul3A_220, %add3A_261 : i32
      %swap3A_263 = arith.constant 9 : i32
      %swap3A_264 = arith.index_cast %swap3A_263 : i32 to index
      %swap3A_265 = arith.index_cast %add3A_262 : i32 to index
      %swap3A_266 = tpu.vector_load %arg4[%swap3A_264, %swap3A_265] {strides = array<i32>} : memref<16x2440xf32, #tpu.memory_space<vmem>>, vector<1x16xf32>,
      %swap3A_267 = vector.shape_cast %swap3A_266 : vector<1x16xf32> to vector<16xf32>
      %swap3A_268 = vector.shape_cast %broadcast_in_dim3A_3 : vector<16xf32> to vector<1x16xf32>
      tpu.vector_store %arg4[%swap3A_264, %swap3A_265], %swap3A_268 {strides = array<i32>} : memref<16x2440xf32, #tpu.memory_space<vmem>>, vector<1x16xf32>,
      %add3A_269 = arith.constant 96 : i32
      %add3A_270 = arith.addi %mul3A_220, %add3A_269 : i32
      %swap3A_271 = arith.constant 9 : i32
      %swap3A_272 = arith.index_cast %swap3A_271 : i32 to index
      %swap3A_273 = arith.index_cast %add3A_270 : i32 to index
      %swap3A_274 = tpu.vector_load %arg4[%swap3A_272, %swap3A_273] {strides = array<i32>} : memref<16x2440xf32, #tpu.memory_space<vmem>>, vector<1x16xf32>,
      %swap3A_275 = vector.shape_cast %swap3A_274 : vector<1x16xf32> to vector<16xf32>
      %swap3A_276 = vector.shape_cast %broadcast_in_dim3A_3 : vector<16xf32> to vector<1x16xf32>
      tpu.vector_store %arg4[%swap3A_272, %swap3A_273], %swap3A_276 {strides = array<i32>} : memref<16x2440xf32, #tpu.memory_space<vmem>>, vector<1x16xf32>,
      %add3A_277 = arith.constant 112 : i32
      %add3A_278 = arith.addi %mul3A_220, %add3A_277 : i32
      %swap3A_279 = arith.constant 9 : i32
      %swap3A_280 = arith.index_cast %swap3A_279 : i32 to index
      %swap3A_281 = arith.index_cast %add3A_278 : i32 to index
      %swap3A_282 = tpu.vector_load %arg4[%swap3A_280, %swap3A_281] {strides = array<i32>} : memref<16x2440xf32, #tpu.memory_space<vmem>>, vector<1x16xf32>,
      %swap3A_283 = vector.shape_cast %swap3A_282 : vector<1x16xf32> to vector<16xf32>
      %swap3A_284 = vector.shape_cast %broadcast_in_dim3A_3 : vector<16xf32> to vector<1x16xf32>
      tpu.vector_store %arg4[%swap3A_280, %swap3A_281], %swap3A_284 {strides = array<i32>} : memref<16x2440xf32, #tpu.memory_space<vmem>>, vector<1x16xf32>,
      %scan3A_285 = arith.constant 0 : i32
      scf.yield %scan3A_285 : i32
    }
    %scan3A_125 = arith.constant 19 : i32
    %swap3A_126 = arith.constant 9 : i32
    %swap3A_127 = arith.index_cast %swap3A_126 : i32 to index
    %swap3A_128 = arith.constant 2424 : index
    %swap3A_129 = tpu.vector_load %arg4[%swap3A_127, %swap3A_128] {strides = array<i32>} : memref<16x2440xf32, #tpu.memory_space<vmem>>, vector<1x16xf32>,
    %swap3A_130 = vector.shape_cast %swap3A_129 : vector<1x16xf32> to vector<16xf32>
    %swap3A_131 = vector.shape_cast %broadcast_in_dim3A_3 : vector<16xf32> to vector<1x16xf32>
    tpu.vector_store %arg4[%swap3A_127, %swap3A_128], %swap3A_131 {strides = array<i32>} : memref<16x2440xf32, #tpu.memory_space<vmem>>, vector<1x16xf32>,
    %scan3A_132 = arith.constant 0 : i32
    %scan3A_133 = arith.constant 0 : i32
    %scan3A_134 = arith.constant 19 : i32
    %scan3A_135 = arith.addi %scan3A_133, %scan3A_134 : i32
    %scan3A_136 = arith.constant 1 : i32
    %scan3A_137 = scf.for %scan3A_217 = %scan3A_133 to %scan3A_135 step %scan3A_136 iter_args(%scan3A_218 = %scan3A_132) -> (i32)  : i32 {
      %mul3A_219 = arith.constant 128 : i32
      %mul3A_220 = arith.muli %scan3A_217, %mul3A_219 : i32
      %add3A_221 = arith.constant 0 : i32
      %add3A_222 = arith.addi %mul3A_220, %add3A_221 : i32
      %swap3A_223 = arith.constant 10 : i32
      %swap3A_224 = arith.index_cast %swap3A_223 : i32 to index
      %swap3A_225 = arith.index_cast %add3A_222 : i32 to index
      %swap3A_226 = tpu.vector_load %arg4[%swap3A_224, %swap3A_225] {strides = array<i32>} : memref<16x2440xf32, #tpu.memory_space<vmem>>, vector<1x16xf32>,
      %swap3A_227 = vector.shape_cast %swap3A_226 : vector<1x16xf32> to vector<16xf32>
      %swap3A_228 = vector.shape_cast %broadcast_in_dim3A_3 : vector<16xf32> to vector<1x16xf32>
      tpu.vector_store %arg4[%swap3A_224, %swap3A_225], %swap3A_228 {strides = array<i32>} : memref<16x2440xf32, #tpu.memory_space<vmem>>, vector<1x16xf32>,
      %add3A_229 = arith.constant 16 : i32
      %add3A_230 = arith.addi %mul3A_220, %add3A_229 : i32
      %swap3A_231 = arith.constant 10 : i32
      %swap3A_232 = arith.index_cast %swap3A_231 : i32 to index
      %swap3A_233 = arith.index_cast %add3A_230 : i32 to index
      %swap3A_234 = tpu.vector_load %arg4[%swap3A_232, %swap3A_233] {strides = array<i32>} : memref<16x2440xf32, #tpu.memory_space<vmem>>, vector<1x16xf32>,
      %swap3A_235 = vector.shape_cast %swap3A_234 : vector<1x16xf32> to vector<16xf32>
      %swap3A_236 = vector.shape_cast %broadcast_in_dim3A_3 : vector<16xf32> to vector<1x16xf32>
      tpu.vector_store %arg4[%swap3A_232, %swap3A_233], %swap3A_236 {strides = array<i32>} : memref<16x2440xf32, #tpu.memory_space<vmem>>, vector<1x16xf32>,
      %add3A_237 = arith.constant 32 : i32
      %add3A_238 = arith.addi %mul3A_220, %add3A_237 : i32
      %swap3A_239 = arith.constant 10 : i32
      %swap3A_240 = arith.index_cast %swap3A_239 : i32 to index
      %swap3A_241 = arith.index_cast %add3A_238 : i32 to index
      %swap3A_242 = tpu.vector_load %arg4[%swap3A_240, %swap3A_241] {strides = array<i32>} : memref<16x2440xf32, #tpu.memory_space<vmem>>, vector<1x16xf32>,
      %swap3A_243 = vector.shape_cast %swap3A_242 : vector<1x16xf32> to vector<16xf32>
      %swap3A_244 = vector.shape_cast %broadcast_in_dim3A_3 : vector<16xf32> to vector<1x16xf32>
      tpu.vector_store %arg4[%swap3A_240, %swap3A_241], %swap3A_244 {strides = array<i32>} : memref<16x2440xf32, #tpu.memory_space<vmem>>, vector<1x16xf32>,
      %add3A_245 = arith.constant 48 : i32
      %add3A_246 = arith.addi %mul3A_220, %add3A_245 : i32
      %swap3A_247 = arith.constant 10 : i32
      %swap3A_248 = arith.index_cast %swap3A_247 : i32 to index
      %swap3A_249 = arith.index_cast %add3A_246 : i32 to index
      %swap3A_250 = tpu.vector_load %arg4[%swap3A_248, %swap3A_249] {strides = array<i32>} : memref<16x2440xf32, #tpu.memory_space<vmem>>, vector<1x16xf32>,
      %swap3A_251 = vector.shape_cast %swap3A_250 : vector<1x16xf32> to vector<16xf32>
      %swap3A_252 = vector.shape_cast %broadcast_in_dim3A_3 : vector<16xf32> to vector<1x16xf32>
      tpu.vector_store %arg4[%swap3A_248, %swap3A_249], %swap3A_252 {strides = array<i32>} : memref<16x2440xf32, #tpu.memory_space<vmem>>, vector<1x16xf32>,
      %add3A_253 = arith.constant 64 : i32
      %add3A_254 = arith.addi %mul3A_220, %add3A_253 : i32
      %swap3A_255 = arith.constant 10 : i32
      %swap3A_256 = arith.index_cast %swap3A_255 : i32 to index
      %swap3A_257 = arith.index_cast %add3A_254 : i32 to index
      %swap3A_258 = tpu.vector_load %arg4[%swap3A_256, %swap3A_257] {strides = array<i32>} : memref<16x2440xf32, #tpu.memory_space<vmem>>, vector<1x16xf32>,
      %swap3A_259 = vector.shape_cast %swap3A_258 : vector<1x16xf32> to vector<16xf32>
      %swap3A_260 = vector.shape_cast %broadcast_in_dim3A_3 : vector<16xf32> to vector<1x16xf32>
      tpu.vector_store %arg4[%swap3A_256, %swap3A_257], %swap3A_260 {strides = array<i32>} : memref<16x2440xf32, #tpu.memory_space<vmem>>, vector<1x16xf32>,
      %add3A_261 = arith.constant 80 : i32
      %add3A_262 = arith.addi %mul3A_220, %add3A_261 : i32
      %swap3A_263 = arith.constant 10 : i32
      %swap3A_264 = arith.index_cast %swap3A_263 : i32 to index
      %swap3A_265 = arith.index_cast %add3A_262 : i32 to index
      %swap3A_266 = tpu.vector_load %arg4[%swap3A_264, %swap3A_265] {strides = array<i32>} : memref<16x2440xf32, #tpu.memory_space<vmem>>, vector<1x16xf32>,
      %swap3A_267 = vector.shape_cast %swap3A_266 : vector<1x16xf32> to vector<16xf32>
      %swap3A_268 = vector.shape_cast %broadcast_in_dim3A_3 : vector<16xf32> to vector<1x16xf32>
      tpu.vector_store %arg4[%swap3A_264, %swap3A_265], %swap3A_268 {strides = array<i32>} : memref<16x2440xf32, #tpu.memory_space<vmem>>, vector<1x16xf32>,
      %add3A_269 = arith.constant 96 : i32
      %add3A_270 = arith.addi %mul3A_220, %add3A_269 : i32
      %swap3A_271 = arith.constant 10 : i32
      %swap3A_272 = arith.index_cast %swap3A_271 : i32 to index
      %swap3A_273 = arith.index_cast %add3A_270 : i32 to index
      %swap3A_274 = tpu.vector_load %arg4[%swap3A_272, %swap3A_273] {strides = array<i32>} : memref<16x2440xf32, #tpu.memory_space<vmem>>, vector<1x16xf32>,
      %swap3A_275 = vector.shape_cast %swap3A_274 : vector<1x16xf32> to vector<16xf32>
      %swap3A_276 = vector.shape_cast %broadcast_in_dim3A_3 : vector<16xf32> to vector<1x16xf32>
      tpu.vector_store %arg4[%swap3A_272, %swap3A_273], %swap3A_276 {strides = array<i32>} : memref<16x2440xf32, #tpu.memory_space<vmem>>, vector<1x16xf32>,
      %add3A_277 = arith.constant 112 : i32
      %add3A_278 = arith.addi %mul3A_220, %add3A_277 : i32
      %swap3A_279 = arith.constant 10 : i32
      %swap3A_280 = arith.index_cast %swap3A_279 : i32 to index
      %swap3A_281 = arith.index_cast %add3A_278 : i32 to index
      %swap3A_282 = tpu.vector_load %arg4[%swap3A_280, %swap3A_281] {strides = array<i32>} : memref<16x2440xf32, #tpu.memory_space<vmem>>, vector<1x16xf32>,
      %swap3A_283 = vector.shape_cast %swap3A_282 : vector<1x16xf32> to vector<16xf32>
      %swap3A_284 = vector.shape_cast %broadcast_in_dim3A_3 : vector<16xf32> to vector<1x16xf32>
      tpu.vector_store %arg4[%swap3A_280, %swap3A_281], %swap3A_284 {strides = array<i32>} : memref<16x2440xf32, #tpu.memory_space<vmem>>, vector<1x16xf32>,
      %scan3A_285 = arith.constant 0 : i32
      scf.yield %scan3A_285 : i32
    }
    %scan3A_138 = arith.constant 19 : i32
    %swap3A_139 = arith.constant 10 : i32
    %swap3A_140 = arith.index_cast %swap3A_139 : i32 to index
    %swap3A_141 = arith.constant 2424 : index
    %swap3A_142 = tpu.vector_load %arg4[%swap3A_140, %swap3A_141] {strides = array<i32>} : memref<16x2440xf32, #tpu.memory_space<vmem>>, vector<1x16xf32>,
    %swap3A_143 = vector.shape_cast %swap3A_142 : vector<1x16xf32> to vector<16xf32>
    %swap3A_144 = vector.shape_cast %broadcast_in_dim3A_3 : vector<16xf32> to vector<1x16xf32>
    tpu.vector_store %arg4[%swap3A_140, %swap3A_141], %swap3A_144 {strides = array<i32>} : memref<16x2440xf32, #tpu.memory_space<vmem>>, vector<1x16xf32>,
    %scan3A_145 = arith.constant 0 : i32
    %scan3A_146 = arith.constant 0 : i32
    %scan3A_147 = arith.constant 19 : i32
    %scan3A_148 = arith.addi %scan3A_146, %scan3A_147 : i32
    %scan3A_149 = arith.constant 1 : i32
    %scan3A_150 = scf.for %scan3A_217 = %scan3A_146 to %scan3A_148 step %scan3A_149 iter_args(%scan3A_218 = %scan3A_145) -> (i32)  : i32 {
      %mul3A_219 = arith.constant 128 : i32
      %mul3A_220 = arith.muli %scan3A_217, %mul3A_219 : i32
      %add3A_221 = arith.constant 0 : i32
      %add3A_222 = arith.addi %mul3A_220, %add3A_221 : i32
      %swap3A_223 = arith.constant 11 : i32
      %swap3A_224 = arith.index_cast %swap3A_223 : i32 to index
      %swap3A_225 = arith.index_cast %add3A_222 : i32 to index
      %swap3A_226 = tpu.vector_load %arg4[%swap3A_224, %swap3A_225] {strides = array<i32>} : memref<16x2440xf32, #tpu.memory_space<vmem>>, vector<1x16xf32>,
      %swap3A_227 = vector.shape_cast %swap3A_226 : vector<1x16xf32> to vector<16xf32>
      %swap3A_228 = vector.shape_cast %broadcast_in_dim3A_3 : vector<16xf32> to vector<1x16xf32>
      tpu.vector_store %arg4[%swap3A_224, %swap3A_225], %swap3A_228 {strides = array<i32>} : memref<16x2440xf32, #tpu.memory_space<vmem>>, vector<1x16xf32>,
      %add3A_229 = arith.constant 16 : i32
      %add3A_230 = arith.addi %mul3A_220, %add3A_229 : i32
      %swap3A_231 = arith.constant 11 : i32
      %swap3A_232 = arith.index_cast %swap3A_231 : i32 to index
      %swap3A_233 = arith.index_cast %add3A_230 : i32 to index
      %swap3A_234 = tpu.vector_load %arg4[%swap3A_232, %swap3A_233] {strides = array<i32>} : memref<16x2440xf32, #tpu.memory_space<vmem>>, vector<1x16xf32>,
      %swap3A_235 = vector.shape_cast %swap3A_234 : vector<1x16xf32> to vector<16xf32>
      %swap3A_236 = vector.shape_cast %broadcast_in_dim3A_3 : vector<16xf32> to vector<1x16xf32>
      tpu.vector_store %arg4[%swap3A_232, %swap3A_233], %swap3A_236 {strides = array<i32>} : memref<16x2440xf32, #tpu.memory_space<vmem>>, vector<1x16xf32>,
      %add3A_237 = arith.constant 32 : i32
      %add3A_238 = arith.addi %mul3A_220, %add3A_237 : i32
      %swap3A_239 = arith.constant 11 : i32
      %swap3A_240 = arith.index_cast %swap3A_239 : i32 to index
      %swap3A_241 = arith.index_cast %add3A_238 : i32 to index
      %swap3A_242 = tpu.vector_load %arg4[%swap3A_240, %swap3A_241] {strides = array<i32>} : memref<16x2440xf32, #tpu.memory_space<vmem>>, vector<1x16xf32>,
      %swap3A_243 = vector.shape_cast %swap3A_242 : vector<1x16xf32> to vector<16xf32>
      %swap3A_244 = vector.shape_cast %broadcast_in_dim3A_3 : vector<16xf32> to vector<1x16xf32>
      tpu.vector_store %arg4[%swap3A_240, %swap3A_241], %swap3A_244 {strides = array<i32>} : memref<16x2440xf32, #tpu.memory_space<vmem>>, vector<1x16xf32>,
      %add3A_245 = arith.constant 48 : i32
      %add3A_246 = arith.addi %mul3A_220, %add3A_245 : i32
      %swap3A_247 = arith.constant 11 : i32
      %swap3A_248 = arith.index_cast %swap3A_247 : i32 to index
      %swap3A_249 = arith.index_cast %add3A_246 : i32 to index
      %swap3A_250 = tpu.vector_load %arg4[%swap3A_248, %swap3A_249] {strides = array<i32>} : memref<16x2440xf32, #tpu.memory_space<vmem>>, vector<1x16xf32>,
      %swap3A_251 = vector.shape_cast %swap3A_250 : vector<1x16xf32> to vector<16xf32>
      %swap3A_252 = vector.shape_cast %broadcast_in_dim3A_3 : vector<16xf32> to vector<1x16xf32>
      tpu.vector_store %arg4[%swap3A_248, %swap3A_249], %swap3A_252 {strides = array<i32>} : memref<16x2440xf32, #tpu.memory_space<vmem>>, vector<1x16xf32>,
      %add3A_253 = arith.constant 64 : i32
      %add3A_254 = arith.addi %mul3A_220, %add3A_253 : i32
      %swap3A_255 = arith.constant 11 : i32
      %swap3A_256 = arith.index_cast %swap3A_255 : i32 to index
      %swap3A_257 = arith.index_cast %add3A_254 : i32 to index
      %swap3A_258 = tpu.vector_load %arg4[%swap3A_256, %swap3A_257] {strides = array<i32>} : memref<16x2440xf32, #tpu.memory_space<vmem>>, vector<1x16xf32>,
      %swap3A_259 = vector.shape_cast %swap3A_258 : vector<1x16xf32> to vector<16xf32>
      %swap3A_260 = vector.shape_cast %broadcast_in_dim3A_3 : vector<16xf32> to vector<1x16xf32>
      tpu.vector_store %arg4[%swap3A_256, %swap3A_257], %swap3A_260 {strides = array<i32>} : memref<16x2440xf32, #tpu.memory_space<vmem>>, vector<1x16xf32>,
      %add3A_261 = arith.constant 80 : i32
      %add3A_262 = arith.addi %mul3A_220, %add3A_261 : i32
      %swap3A_263 = arith.constant 11 : i32
      %swap3A_264 = arith.index_cast %swap3A_263 : i32 to index
      %swap3A_265 = arith.index_cast %add3A_262 : i32 to index
      %swap3A_266 = tpu.vector_load %arg4[%swap3A_264, %swap3A_265] {strides = array<i32>} : memref<16x2440xf32, #tpu.memory_space<vmem>>, vector<1x16xf32>,
      %swap3A_267 = vector.shape_cast %swap3A_266 : vector<1x16xf32> to vector<16xf32>
      %swap3A_268 = vector.shape_cast %broadcast_in_dim3A_3 : vector<16xf32> to vector<1x16xf32>
      tpu.vector_store %arg4[%swap3A_264, %swap3A_265], %swap3A_268 {strides = array<i32>} : memref<16x2440xf32, #tpu.memory_space<vmem>>, vector<1x16xf32>,
      %add3A_269 = arith.constant 96 : i32
      %add3A_270 = arith.addi %mul3A_220, %add3A_269 : i32
      %swap3A_271 = arith.constant 11 : i32
      %swap3A_272 = arith.index_cast %swap3A_271 : i32 to index
      %swap3A_273 = arith.index_cast %add3A_270 : i32 to index
      %swap3A_274 = tpu.vector_load %arg4[%swap3A_272, %swap3A_273] {strides = array<i32>} : memref<16x2440xf32, #tpu.memory_space<vmem>>, vector<1x16xf32>,
      %swap3A_275 = vector.shape_cast %swap3A_274 : vector<1x16xf32> to vector<16xf32>
      %swap3A_276 = vector.shape_cast %broadcast_in_dim3A_3 : vector<16xf32> to vector<1x16xf32>
      tpu.vector_store %arg4[%swap3A_272, %swap3A_273], %swap3A_276 {strides = array<i32>} : memref<16x2440xf32, #tpu.memory_space<vmem>>, vector<1x16xf32>,
      %add3A_277 = arith.constant 112 : i32
      %add3A_278 = arith.addi %mul3A_220, %add3A_277 : i32
      %swap3A_279 = arith.constant 11 : i32
      %swap3A_280 = arith.index_cast %swap3A_279 : i32 to index
      %swap3A_281 = arith.index_cast %add3A_278 : i32 to index
      %swap3A_282 = tpu.vector_load %arg4[%swap3A_280, %swap3A_281] {strides = array<i32>} : memref<16x2440xf32, #tpu.memory_space<vmem>>, vector<1x16xf32>,
      %swap3A_283 = vector.shape_cast %swap3A_282 : vector<1x16xf32> to vector<16xf32>
      %swap3A_284 = vector.shape_cast %broadcast_in_dim3A_3 : vector<16xf32> to vector<1x16xf32>
      tpu.vector_store %arg4[%swap3A_280, %swap3A_281], %swap3A_284 {strides = array<i32>} : memref<16x2440xf32, #tpu.memory_space<vmem>>, vector<1x16xf32>,
      %scan3A_285 = arith.constant 0 : i32
      scf.yield %scan3A_285 : i32
    }
    %scan3A_151 = arith.constant 19 : i32
    %swap3A_152 = arith.constant 11 : i32
    %swap3A_153 = arith.index_cast %swap3A_152 : i32 to index
    %swap3A_154 = arith.constant 2424 : index
    %swap3A_155 = tpu.vector_load %arg4[%swap3A_153, %swap3A_154] {strides = array<i32>} : memref<16x2440xf32, #tpu.memory_space<vmem>>, vector<1x16xf32>,
    %swap3A_156 = vector.shape_cast %swap3A_155 : vector<1x16xf32> to vector<16xf32>
    %swap3A_157 = vector.shape_cast %broadcast_in_dim3A_3 : vector<16xf32> to vector<1x16xf32>
    tpu.vector_store %arg4[%swap3A_153, %swap3A_154], %swap3A_157 {strides = array<i32>} : memref<16x2440xf32, #tpu.memory_space<vmem>>, vector<1x16xf32>,
    %scan3A_158 = arith.constant 0 : i32
    %scan3A_159 = arith.constant 0 : i32
    %scan3A_160 = arith.constant 19 : i32
    %scan3A_161 = arith.addi %scan3A_159, %scan3A_160 : i32
    %scan3A_162 = arith.constant 1 : i32
    %scan3A_163 = scf.for %scan3A_217 = %scan3A_159 to %scan3A_161 step %scan3A_162 iter_args(%scan3A_218 = %scan3A_158) -> (i32)  : i32 {
      %mul3A_219 = arith.constant 128 : i32
      %mul3A_220 = arith.muli %scan3A_217, %mul3A_219 : i32
      %add3A_221 = arith.constant 0 : i32
      %add3A_222 = arith.addi %mul3A_220, %add3A_221 : i32
      %swap3A_223 = arith.constant 12 : i32
      %swap3A_224 = arith.index_cast %swap3A_223 : i32 to index
      %swap3A_225 = arith.index_cast %add3A_222 : i32 to index
      %swap3A_226 = tpu.vector_load %arg4[%swap3A_224, %swap3A_225] {strides = array<i32>} : memref<16x2440xf32, #tpu.memory_space<vmem>>, vector<1x16xf32>,
      %swap3A_227 = vector.shape_cast %swap3A_226 : vector<1x16xf32> to vector<16xf32>
      %swap3A_228 = vector.shape_cast %broadcast_in_dim3A_3 : vector<16xf32> to vector<1x16xf32>
      tpu.vector_store %arg4[%swap3A_224, %swap3A_225], %swap3A_228 {strides = array<i32>} : memref<16x2440xf32, #tpu.memory_space<vmem>>, vector<1x16xf32>,
      %add3A_229 = arith.constant 16 : i32
      %add3A_230 = arith.addi %mul3A_220, %add3A_229 : i32
      %swap3A_231 = arith.constant 12 : i32
      %swap3A_232 = arith.index_cast %swap3A_231 : i32 to index
      %swap3A_233 = arith.index_cast %add3A_230 : i32 to index
      %swap3A_234 = tpu.vector_load %arg4[%swap3A_232, %swap3A_233] {strides = array<i32>} : memref<16x2440xf32, #tpu.memory_space<vmem>>, vector<1x16xf32>,
      %swap3A_235 = vector.shape_cast %swap3A_234 : vector<1x16xf32> to vector<16xf32>
      %swap3A_236 = vector.shape_cast %broadcast_in_dim3A_3 : vector<16xf32> to vector<1x16xf32>
      tpu.vector_store %arg4[%swap3A_232, %swap3A_233], %swap3A_236 {strides = array<i32>} : memref<16x2440xf32, #tpu.memory_space<vmem>>, vector<1x16xf32>,
      %add3A_237 = arith.constant 32 : i32
      %add3A_238 = arith.addi %mul3A_220, %add3A_237 : i32
      %swap3A_239 = arith.constant 12 : i32
      %swap3A_240 = arith.index_cast %swap3A_239 : i32 to index
      %swap3A_241 = arith.index_cast %add3A_238 : i32 to index
      %swap3A_242 = tpu.vector_load %arg4[%swap3A_240, %swap3A_241] {strides = array<i32>} : memref<16x2440xf32, #tpu.memory_space<vmem>>, vector<1x16xf32>,
      %swap3A_243 = vector.shape_cast %swap3A_242 : vector<1x16xf32> to vector<16xf32>
      %swap3A_244 = vector.shape_cast %broadcast_in_dim3A_3 : vector<16xf32> to vector<1x16xf32>
      tpu.vector_store %arg4[%swap3A_240, %swap3A_241], %swap3A_244 {strides = array<i32>} : memref<16x2440xf32, #tpu.memory_space<vmem>>, vector<1x16xf32>,
      %add3A_245 = arith.constant 48 : i32
      %add3A_246 = arith.addi %mul3A_220, %add3A_245 : i32
      %swap3A_247 = arith.constant 12 : i32
      %swap3A_248 = arith.index_cast %swap3A_247 : i32 to index
      %swap3A_249 = arith.index_cast %add3A_246 : i32 to index
      %swap3A_250 = tpu.vector_load %arg4[%swap3A_248, %swap3A_249] {strides = array<i32>} : memref<16x2440xf32, #tpu.memory_space<vmem>>, vector<1x16xf32>,
      %swap3A_251 = vector.shape_cast %swap3A_250 : vector<1x16xf32> to vector<16xf32>
      %swap3A_252 = vector.shape_cast %broadcast_in_dim3A_3 : vector<16xf32> to vector<1x16xf32>
      tpu.vector_store %arg4[%swap3A_248, %swap3A_249], %swap3A_252 {strides = array<i32>} : memref<16x2440xf32, #tpu.memory_space<vmem>>, vector<1x16xf32>,
      %add3A_253 = arith.constant 64 : i32
      %add3A_254 = arith.addi %mul3A_220, %add3A_253 : i32
      %swap3A_255 = arith.constant 12 : i32
      %swap3A_256 = arith.index_cast %swap3A_255 : i32 to index
      %swap3A_257 = arith.index_cast %add3A_254 : i32 to index
      %swap3A_258 = tpu.vector_load %arg4[%swap3A_256, %swap3A_257] {strides = array<i32>} : memref<16x2440xf32, #tpu.memory_space<vmem>>, vector<1x16xf32>,
      %swap3A_259 = vector.shape_cast %swap3A_258 : vector<1x16xf32> to vector<16xf32>
      %swap3A_260 = vector.shape_cast %broadcast_in_dim3A_3 : vector<16xf32> to vector<1x16xf32>
      tpu.vector_store %arg4[%swap3A_256, %swap3A_257], %swap3A_260 {strides = array<i32>} : memref<16x2440xf32, #tpu.memory_space<vmem>>, vector<1x16xf32>,
      %add3A_261 = arith.constant 80 : i32
      %add3A_262 = arith.addi %mul3A_220, %add3A_261 : i32
      %swap3A_263 = arith.constant 12 : i32
      %swap3A_264 = arith.index_cast %swap3A_263 : i32 to index
      %swap3A_265 = arith.index_cast %add3A_262 : i32 to index
      %swap3A_266 = tpu.vector_load %arg4[%swap3A_264, %swap3A_265] {strides = array<i32>} : memref<16x2440xf32, #tpu.memory_space<vmem>>, vector<1x16xf32>,
      %swap3A_267 = vector.shape_cast %swap3A_266 : vector<1x16xf32> to vector<16xf32>
      %swap3A_268 = vector.shape_cast %broadcast_in_dim3A_3 : vector<16xf32> to vector<1x16xf32>
      tpu.vector_store %arg4[%swap3A_264, %swap3A_265], %swap3A_268 {strides = array<i32>} : memref<16x2440xf32, #tpu.memory_space<vmem>>, vector<1x16xf32>,
      %add3A_269 = arith.constant 96 : i32
      %add3A_270 = arith.addi %mul3A_220, %add3A_269 : i32
      %swap3A_271 = arith.constant 12 : i32
      %swap3A_272 = arith.index_cast %swap3A_271 : i32 to index
      %swap3A_273 = arith.index_cast %add3A_270 : i32 to index
      %swap3A_274 = tpu.vector_load %arg4[%swap3A_272, %swap3A_273] {strides = array<i32>} : memref<16x2440xf32, #tpu.memory_space<vmem>>, vector<1x16xf32>,
      %swap3A_275 = vector.shape_cast %swap3A_274 : vector<1x16xf32> to vector<16xf32>
      %swap3A_276 = vector.shape_cast %broadcast_in_dim3A_3 : vector<16xf32> to vector<1x16xf32>
      tpu.vector_store %arg4[%swap3A_272, %swap3A_273], %swap3A_276 {strides = array<i32>} : memref<16x2440xf32, #tpu.memory_space<vmem>>, vector<1x16xf32>,
      %add3A_277 = arith.constant 112 : i32
      %add3A_278 = arith.addi %mul3A_220, %add3A_277 : i32
      %swap3A_279 = arith.constant 12 : i32
      %swap3A_280 = arith.index_cast %swap3A_279 : i32 to index
      %swap3A_281 = arith.index_cast %add3A_278 : i32 to index
      %swap3A_282 = tpu.vector_load %arg4[%swap3A_280, %swap3A_281] {strides = array<i32>} : memref<16x2440xf32, #tpu.memory_space<vmem>>, vector<1x16xf32>,
      %swap3A_283 = vector.shape_cast %swap3A_282 : vector<1x16xf32> to vector<16xf32>
      %swap3A_284 = vector.shape_cast %broadcast_in_dim3A_3 : vector<16xf32> to vector<1x16xf32>
      tpu.vector_store %arg4[%swap3A_280, %swap3A_281], %swap3A_284 {strides = array<i32>} : memref<16x2440xf32, #tpu.memory_space<vmem>>, vector<1x16xf32>,
      %scan3A_285 = arith.constant 0 : i32
      scf.yield %scan3A_285 : i32
    }
    %scan3A_164 = arith.constant 19 : i32
    %swap3A_165 = arith.constant 12 : i32
    %swap3A_166 = arith.index_cast %swap3A_165 : i32 to index
    %swap3A_167 = arith.constant 2424 : index
    %swap3A_168 = tpu.vector_load %arg4[%swap3A_166, %swap3A_167] {strides = array<i32>} : memref<16x2440xf32, #tpu.memory_space<vmem>>, vector<1x16xf32>,
    %swap3A_169 = vector.shape_cast %swap3A_168 : vector<1x16xf32> to vector<16xf32>
    %swap3A_170 = vector.shape_cast %broadcast_in_dim3A_3 : vector<16xf32> to vector<1x16xf32>
    tpu.vector_store %arg4[%swap3A_166, %swap3A_167], %swap3A_170 {strides = array<i32>} : memref<16x2440xf32, #tpu.memory_space<vmem>>, vector<1x16xf32>,
    %scan3A_171 = arith.constant 0 : i32
    %scan3A_172 = arith.constant 0 : i32
    %scan3A_173 = arith.constant 19 : i32
    %scan3A_174 = arith.addi %scan3A_172, %scan3A_173 : i32
    %scan3A_175 = arith.constant 1 : i32
    %scan3A_176 = scf.for %scan3A_217 = %scan3A_172 to %scan3A_174 step %scan3A_175 iter_args(%scan3A_218 = %scan3A_171) -> (i32)  : i32 {
      %mul3A_219 = arith.constant 128 : i32
      %mul3A_220 = arith.muli %scan3A_217, %mul3A_219 : i32
      %add3A_221 = arith.constant 0 : i32
      %add3A_222 = arith.addi %mul3A_220, %add3A_221 : i32
      %swap3A_223 = arith.constant 13 : i32
      %swap3A_224 = arith.index_cast %swap3A_223 : i32 to index
      %swap3A_225 = arith.index_cast %add3A_222 : i32 to index
      %swap3A_226 = tpu.vector_load %arg4[%swap3A_224, %swap3A_225] {strides = array<i32>} : memref<16x2440xf32, #tpu.memory_space<vmem>>, vector<1x16xf32>,
      %swap3A_227 = vector.shape_cast %swap3A_226 : vector<1x16xf32> to vector<16xf32>
      %swap3A_228 = vector.shape_cast %broadcast_in_dim3A_3 : vector<16xf32> to vector<1x16xf32>
      tpu.vector_store %arg4[%swap3A_224, %swap3A_225], %swap3A_228 {strides = array<i32>} : memref<16x2440xf32, #tpu.memory_space<vmem>>, vector<1x16xf32>,
      %add3A_229 = arith.constant 16 : i32
      %add3A_230 = arith.addi %mul3A_220, %add3A_229 : i32
      %swap3A_231 = arith.constant 13 : i32
      %swap3A_232 = arith.index_cast %swap3A_231 : i32 to index
      %swap3A_233 = arith.index_cast %add3A_230 : i32 to index
      %swap3A_234 = tpu.vector_load %arg4[%swap3A_232, %swap3A_233] {strides = array<i32>} : memref<16x2440xf32, #tpu.memory_space<vmem>>, vector<1x16xf32>,
      %swap3A_235 = vector.shape_cast %swap3A_234 : vector<1x16xf32> to vector<16xf32>
      %swap3A_236 = vector.shape_cast %broadcast_in_dim3A_3 : vector<16xf32> to vector<1x16xf32>
      tpu.vector_store %arg4[%swap3A_232, %swap3A_233], %swap3A_236 {strides = array<i32>} : memref<16x2440xf32, #tpu.memory_space<vmem>>, vector<1x16xf32>,
      %add3A_237 = arith.constant 32 : i32
      %add3A_238 = arith.addi %mul3A_220, %add3A_237 : i32
      %swap3A_239 = arith.constant 13 : i32
      %swap3A_240 = arith.index_cast %swap3A_239 : i32 to index
      %swap3A_241 = arith.index_cast %add3A_238 : i32 to index
      %swap3A_242 = tpu.vector_load %arg4[%swap3A_240, %swap3A_241] {strides = array<i32>} : memref<16x2440xf32, #tpu.memory_space<vmem>>, vector<1x16xf32>,
      %swap3A_243 = vector.shape_cast %swap3A_242 : vector<1x16xf32> to vector<16xf32>
      %swap3A_244 = vector.shape_cast %broadcast_in_dim3A_3 : vector<16xf32> to vector<1x16xf32>
      tpu.vector_store %arg4[%swap3A_240, %swap3A_241], %swap3A_244 {strides = array<i32>} : memref<16x2440xf32, #tpu.memory_space<vmem>>, vector<1x16xf32>,
      %add3A_245 = arith.constant 48 : i32
      %add3A_246 = arith.addi %mul3A_220, %add3A_245 : i32
      %swap3A_247 = arith.constant 13 : i32
      %swap3A_248 = arith.index_cast %swap3A_247 : i32 to index
      %swap3A_249 = arith.index_cast %add3A_246 : i32 to index
      %swap3A_250 = tpu.vector_load %arg4[%swap3A_248, %swap3A_249] {strides = array<i32>} : memref<16x2440xf32, #tpu.memory_space<vmem>>, vector<1x16xf32>,
      %swap3A_251 = vector.shape_cast %swap3A_250 : vector<1x16xf32> to vector<16xf32>
      %swap3A_252 = vector.shape_cast %broadcast_in_dim3A_3 : vector<16xf32> to vector<1x16xf32>
      tpu.vector_store %arg4[%swap3A_248, %swap3A_249], %swap3A_252 {strides = array<i32>} : memref<16x2440xf32, #tpu.memory_space<vmem>>, vector<1x16xf32>,
      %add3A_253 = arith.constant 64 : i32
      %add3A_254 = arith.addi %mul3A_220, %add3A_253 : i32
      %swap3A_255 = arith.constant 13 : i32
      %swap3A_256 = arith.index_cast %swap3A_255 : i32 to index
      %swap3A_257 = arith.index_cast %add3A_254 : i32 to index
      %swap3A_258 = tpu.vector_load %arg4[%swap3A_256, %swap3A_257] {strides = array<i32>} : memref<16x2440xf32, #tpu.memory_space<vmem>>, vector<1x16xf32>,
      %swap3A_259 = vector.shape_cast %swap3A_258 : vector<1x16xf32> to vector<16xf32>
      %swap3A_260 = vector.shape_cast %broadcast_in_dim3A_3 : vector<16xf32> to vector<1x16xf32>
      tpu.vector_store %arg4[%swap3A_256, %swap3A_257], %swap3A_260 {strides = array<i32>} : memref<16x2440xf32, #tpu.memory_space<vmem>>, vector<1x16xf32>,
      %add3A_261 = arith.constant 80 : i32
      %add3A_262 = arith.addi %mul3A_220, %add3A_261 : i32
      %swap3A_263 = arith.constant 13 : i32
      %swap3A_264 = arith.index_cast %swap3A_263 : i32 to index
      %swap3A_265 = arith.index_cast %add3A_262 : i32 to index
      %swap3A_266 = tpu.vector_load %arg4[%swap3A_264, %swap3A_265] {strides = array<i32>} : memref<16x2440xf32, #tpu.memory_space<vmem>>, vector<1x16xf32>,
      %swap3A_267 = vector.shape_cast %swap3A_266 : vector<1x16xf32> to vector<16xf32>
      %swap3A_268 = vector.shape_cast %broadcast_in_dim3A_3 : vector<16xf32> to vector<1x16xf32>
      tpu.vector_store %arg4[%swap3A_264, %swap3A_265], %swap3A_268 {strides = array<i32>} : memref<16x2440xf32, #tpu.memory_space<vmem>>, vector<1x16xf32>,
      %add3A_269 = arith.constant 96 : i32
      %add3A_270 = arith.addi %mul3A_220, %add3A_269 : i32
      %swap3A_271 = arith.constant 13 : i32
      %swap3A_272 = arith.index_cast %swap3A_271 : i32 to index
      %swap3A_273 = arith.index_cast %add3A_270 : i32 to index
      %swap3A_274 = tpu.vector_load %arg4[%swap3A_272, %swap3A_273] {strides = array<i32>} : memref<16x2440xf32, #tpu.memory_space<vmem>>, vector<1x16xf32>,
      %swap3A_275 = vector.shape_cast %swap3A_274 : vector<1x16xf32> to vector<16xf32>
      %swap3A_276 = vector.shape_cast %broadcast_in_dim3A_3 : vector<16xf32> to vector<1x16xf32>
      tpu.vector_store %arg4[%swap3A_272, %swap3A_273], %swap3A_276 {strides = array<i32>} : memref<16x2440xf32, #tpu.memory_space<vmem>>, vector<1x16xf32>,
      %add3A_277 = arith.constant 112 : i32
      %add3A_278 = arith.addi %mul3A_220, %add3A_277 : i32
      %swap3A_279 = arith.constant 13 : i32
      %swap3A_280 = arith.index_cast %swap3A_279 : i32 to index
      %swap3A_281 = arith.index_cast %add3A_278 : i32 to index
      %swap3A_282 = tpu.vector_load %arg4[%swap3A_280, %swap3A_281] {strides = array<i32>} : memref<16x2440xf32, #tpu.memory_space<vmem>>, vector<1x16xf32>,
      %swap3A_283 = vector.shape_cast %swap3A_282 : vector<1x16xf32> to vector<16xf32>
      %swap3A_284 = vector.shape_cast %broadcast_in_dim3A_3 : vector<16xf32> to vector<1x16xf32>
      tpu.vector_store %arg4[%swap3A_280, %swap3A_281], %swap3A_284 {strides = array<i32>} : memref<16x2440xf32, #tpu.memory_space<vmem>>, vector<1x16xf32>,
      %scan3A_285 = arith.constant 0 : i32
      scf.yield %scan3A_285 : i32
    }
    %scan3A_177 = arith.constant 19 : i32
    %swap3A_178 = arith.constant 13 : i32
    %swap3A_179 = arith.index_cast %swap3A_178 : i32 to index
    %swap3A_180 = arith.constant 2424 : index
    %swap3A_181 = tpu.vector_load %arg4[%swap3A_179, %swap3A_180] {strides = array<i32>} : memref<16x2440xf32, #tpu.memory_space<vmem>>, vector<1x16xf32>,
    %swap3A_182 = vector.shape_cast %swap3A_181 : vector<1x16xf32> to vector<16xf32>
    %swap3A_183 = vector.shape_cast %broadcast_in_dim3A_3 : vector<16xf32> to vector<1x16xf32>
    tpu.vector_store %arg4[%swap3A_179, %swap3A_180], %swap3A_183 {strides = array<i32>} : memref<16x2440xf32, #tpu.memory_space<vmem>>, vector<1x16xf32>,
    %scan3A_184 = arith.constant 0 : i32
    %scan3A_185 = arith.constant 0 : i32
    %scan3A_186 = arith.constant 19 : i32
    %scan3A_187 = arith.addi %scan3A_185, %scan3A_186 : i32
    %scan3A_188 = arith.constant 1 : i32
    %scan3A_189 = scf.for %scan3A_217 = %scan3A_185 to %scan3A_187 step %scan3A_188 iter_args(%scan3A_218 = %scan3A_184) -> (i32)  : i32 {
      %mul3A_219 = arith.constant 128 : i32
      %mul3A_220 = arith.muli %scan3A_217, %mul3A_219 : i32
      %add3A_221 = arith.constant 0 : i32
      %add3A_222 = arith.addi %mul3A_220, %add3A_221 : i32
      %swap3A_223 = arith.constant 14 : i32
      %swap3A_224 = arith.index_cast %swap3A_223 : i32 to index
      %swap3A_225 = arith.index_cast %add3A_222 : i32 to index
      %swap3A_226 = tpu.vector_load %arg4[%swap3A_224, %swap3A_225] {strides = array<i32>} : memref<16x2440xf32, #tpu.memory_space<vmem>>, vector<1x16xf32>,
      %swap3A_227 = vector.shape_cast %swap3A_226 : vector<1x16xf32> to vector<16xf32>
      %swap3A_228 = vector.shape_cast %broadcast_in_dim3A_3 : vector<16xf32> to vector<1x16xf32>
      tpu.vector_store %arg4[%swap3A_224, %swap3A_225], %swap3A_228 {strides = array<i32>} : memref<16x2440xf32, #tpu.memory_space<vmem>>, vector<1x16xf32>,
      %add3A_229 = arith.constant 16 : i32
      %add3A_230 = arith.addi %mul3A_220, %add3A_229 : i32
      %swap3A_231 = arith.constant 14 : i32
      %swap3A_232 = arith.index_cast %swap3A_231 : i32 to index
      %swap3A_233 = arith.index_cast %add3A_230 : i32 to index
      %swap3A_234 = tpu.vector_load %arg4[%swap3A_232, %swap3A_233] {strides = array<i32>} : memref<16x2440xf32, #tpu.memory_space<vmem>>, vector<1x16xf32>,
      %swap3A_235 = vector.shape_cast %swap3A_234 : vector<1x16xf32> to vector<16xf32>
      %swap3A_236 = vector.shape_cast %broadcast_in_dim3A_3 : vector<16xf32> to vector<1x16xf32>
      tpu.vector_store %arg4[%swap3A_232, %swap3A_233], %swap3A_236 {strides = array<i32>} : memref<16x2440xf32, #tpu.memory_space<vmem>>, vector<1x16xf32>,
      %add3A_237 = arith.constant 32 : i32
      %add3A_238 = arith.addi %mul3A_220, %add3A_237 : i32
      %swap3A_239 = arith.constant 14 : i32
      %swap3A_240 = arith.index_cast %swap3A_239 : i32 to index
      %swap3A_241 = arith.index_cast %add3A_238 : i32 to index
      %swap3A_242 = tpu.vector_load %arg4[%swap3A_240, %swap3A_241] {strides = array<i32>} : memref<16x2440xf32, #tpu.memory_space<vmem>>, vector<1x16xf32>,
      %swap3A_243 = vector.shape_cast %swap3A_242 : vector<1x16xf32> to vector<16xf32>
      %swap3A_244 = vector.shape_cast %broadcast_in_dim3A_3 : vector<16xf32> to vector<1x16xf32>
      tpu.vector_store %arg4[%swap3A_240, %swap3A_241], %swap3A_244 {strides = array<i32>} : memref<16x2440xf32, #tpu.memory_space<vmem>>, vector<1x16xf32>,
      %add3A_245 = arith.constant 48 : i32
      %add3A_246 = arith.addi %mul3A_220, %add3A_245 : i32
      %swap3A_247 = arith.constant 14 : i32
      %swap3A_248 = arith.index_cast %swap3A_247 : i32 to index
      %swap3A_249 = arith.index_cast %add3A_246 : i32 to index
      %swap3A_250 = tpu.vector_load %arg4[%swap3A_248, %swap3A_249] {strides = array<i32>} : memref<16x2440xf32, #tpu.memory_space<vmem>>, vector<1x16xf32>,
      %swap3A_251 = vector.shape_cast %swap3A_250 : vector<1x16xf32> to vector<16xf32>
      %swap3A_252 = vector.shape_cast %broadcast_in_dim3A_3 : vector<16xf32> to vector<1x16xf32>
      tpu.vector_store %arg4[%swap3A_248, %swap3A_249], %swap3A_252 {strides = array<i32>} : memref<16x2440xf32, #tpu.memory_space<vmem>>, vector<1x16xf32>,
      %add3A_253 = arith.constant 64 : i32
      %add3A_254 = arith.addi %mul3A_220, %add3A_253 : i32
      %swap3A_255 = arith.constant 14 : i32
      %swap3A_256 = arith.index_cast %swap3A_255 : i32 to index
      %swap3A_257 = arith.index_cast %add3A_254 : i32 to index
      %swap3A_258 = tpu.vector_load %arg4[%swap3A_256, %swap3A_257] {strides = array<i32>} : memref<16x2440xf32, #tpu.memory_space<vmem>>, vector<1x16xf32>,
      %swap3A_259 = vector.shape_cast %swap3A_258 : vector<1x16xf32> to vector<16xf32>
      %swap3A_260 = vector.shape_cast %broadcast_in_dim3A_3 : vector<16xf32> to vector<1x16xf32>
      tpu.vector_store %arg4[%swap3A_256, %swap3A_257], %swap3A_260 {strides = array<i32>} : memref<16x2440xf32, #tpu.memory_space<vmem>>, vector<1x16xf32>,
      %add3A_261 = arith.constant 80 : i32
      %add3A_262 = arith.addi %mul3A_220, %add3A_261 : i32
      %swap3A_263 = arith.constant 14 : i32
      %swap3A_264 = arith.index_cast %swap3A_263 : i32 to index
      %swap3A_265 = arith.index_cast %add3A_262 : i32 to index
      %swap3A_266 = tpu.vector_load %arg4[%swap3A_264, %swap3A_265] {strides = array<i32>} : memref<16x2440xf32, #tpu.memory_space<vmem>>, vector<1x16xf32>,
      %swap3A_267 = vector.shape_cast %swap3A_266 : vector<1x16xf32> to vector<16xf32>
      %swap3A_268 = vector.shape_cast %broadcast_in_dim3A_3 : vector<16xf32> to vector<1x16xf32>
      tpu.vector_store %arg4[%swap3A_264, %swap3A_265], %swap3A_268 {strides = array<i32>} : memref<16x2440xf32, #tpu.memory_space<vmem>>, vector<1x16xf32>,
      %add3A_269 = arith.constant 96 : i32
      %add3A_270 = arith.addi %mul3A_220, %add3A_269 : i32
      %swap3A_271 = arith.constant 14 : i32
      %swap3A_272 = arith.index_cast %swap3A_271 : i32 to index
      %swap3A_273 = arith.index_cast %add3A_270 : i32 to index
      %swap3A_274 = tpu.vector_load %arg4[%swap3A_272, %swap3A_273] {strides = array<i32>} : memref<16x2440xf32, #tpu.memory_space<vmem>>, vector<1x16xf32>,
      %swap3A_275 = vector.shape_cast %swap3A_274 : vector<1x16xf32> to vector<16xf32>
      %swap3A_276 = vector.shape_cast %broadcast_in_dim3A_3 : vector<16xf32> to vector<1x16xf32>
      tpu.vector_store %arg4[%swap3A_272, %swap3A_273], %swap3A_276 {strides = array<i32>} : memref<16x2440xf32, #tpu.memory_space<vmem>>, vector<1x16xf32>,
      %add3A_277 = arith.constant 112 : i32
      %add3A_278 = arith.addi %mul3A_220, %add3A_277 : i32
      %swap3A_279 = arith.constant 14 : i32
      %swap3A_280 = arith.index_cast %swap3A_279 : i32 to index
      %swap3A_281 = arith.index_cast %add3A_278 : i32 to index
      %swap3A_282 = tpu.vector_load %arg4[%swap3A_280, %swap3A_281] {strides = array<i32>} : memref<16x2440xf32, #tpu.memory_space<vmem>>, vector<1x16xf32>,
      %swap3A_283 = vector.shape_cast %swap3A_282 : vector<1x16xf32> to vector<16xf32>
      %swap3A_284 = vector.shape_cast %broadcast_in_dim3A_3 : vector<16xf32> to vector<1x16xf32>
      tpu.vector_store %arg4[%swap3A_280, %swap3A_281], %swap3A_284 {strides = array<i32>} : memref<16x2440xf32, #tpu.memory_space<vmem>>, vector<1x16xf32>,
      %scan3A_285 = arith.constant 0 : i32
      scf.yield %scan3A_285 : i32
    }
    %scan3A_190 = arith.constant 19 : i32
    %swap3A_191 = arith.constant 14 : i32
    %swap3A_192 = arith.index_cast %swap3A_191 : i32 to index
    %swap3A_193 = arith.constant 2424 : index
    %swap3A_194 = tpu.vector_load %arg4[%swap3A_192, %swap3A_193] {strides = array<i32>} : memref<16x2440xf32, #tpu.memory_space<vmem>>, vector<1x16xf32>,
    %swap3A_195 = vector.shape_cast %swap3A_194 : vector<1x16xf32> to vector<16xf32>
    %swap3A_196 = vector.shape_cast %broadcast_in_dim3A_3 : vector<16xf32> to vector<1x16xf32>
    tpu.vector_store %arg4[%swap3A_192, %swap3A_193], %swap3A_196 {strides = array<i32>} : memref<16x2440xf32, #tpu.memory_space<vmem>>, vector<1x16xf32>,
    %scan3A_197 = arith.constant 0 : i32
    %scan3A_198 = arith.constant 0 : i32
    %scan3A_199 = arith.constant 19 : i32
    %scan3A_200 = arith.addi %scan3A_198, %scan3A_199 : i32
    %scan3A_201 = arith.constant 1 : i32
    %scan3A_202 = scf.for %scan3A_217 = %scan3A_198 to %scan3A_200 step %scan3A_201 iter_args(%scan3A_218 = %scan3A_197) -> (i32)  : i32 {
      %mul3A_219 = arith.constant 128 : i32
      %mul3A_220 = arith.muli %scan3A_217, %mul3A_219 : i32
      %add3A_221 = arith.constant 0 : i32
      %add3A_222 = arith.addi %mul3A_220, %add3A_221 : i32
      %swap3A_223 = arith.constant 15 : i32
      %swap3A_224 = arith.index_cast %swap3A_223 : i32 to index
      %swap3A_225 = arith.index_cast %add3A_222 : i32 to index
      %swap3A_226 = tpu.vector_load %arg4[%swap3A_224, %swap3A_225] {strides = array<i32>} : memref<16x2440xf32, #tpu.memory_space<vmem>>, vector<1x16xf32>,
      %swap3A_227 = vector.shape_cast %swap3A_226 : vector<1x16xf32> to vector<16xf32>
      %swap3A_228 = vector.shape_cast %broadcast_in_dim3A_3 : vector<16xf32> to vector<1x16xf32>
      tpu.vector_store %arg4[%swap3A_224, %swap3A_225], %swap3A_228 {strides = array<i32>} : memref<16x2440xf32, #tpu.memory_space<vmem>>, vector<1x16xf32>,
      %add3A_229 = arith.constant 16 : i32
      %add3A_230 = arith.addi %mul3A_220, %add3A_229 : i32
      %swap3A_231 = arith.constant 15 : i32
      %swap3A_232 = arith.index_cast %swap3A_231 : i32 to index
      %swap3A_233 = arith.index_cast %add3A_230 : i32 to index
      %swap3A_234 = tpu.vector_load %arg4[%swap3A_232, %swap3A_233] {strides = array<i32>} : memref<16x2440xf32, #tpu.memory_space<vmem>>, vector<1x16xf32>,
      %swap3A_235 = vector.shape_cast %swap3A_234 : vector<1x16xf32> to vector<16xf32>
      %swap3A_236 = vector.shape_cast %broadcast_in_dim3A_3 : vector<16xf32> to vector<1x16xf32>
      tpu.vector_store %arg4[%swap3A_232, %swap3A_233], %swap3A_236 {strides = array<i32>} : memref<16x2440xf32, #tpu.memory_space<vmem>>, vector<1x16xf32>,
      %add3A_237 = arith.constant 32 : i32
      %add3A_238 = arith.addi %mul3A_220, %add3A_237 : i32
      %swap3A_239 = arith.constant 15 : i32
      %swap3A_240 = arith.index_cast %swap3A_239 : i32 to index
      %swap3A_241 = arith.index_cast %add3A_238 : i32 to index
      %swap3A_242 = tpu.vector_load %arg4[%swap3A_240, %swap3A_241] {strides = array<i32>} : memref<16x2440xf32, #tpu.memory_space<vmem>>, vector<1x16xf32>,
      %swap3A_243 = vector.shape_cast %swap3A_242 : vector<1x16xf32> to vector<16xf32>
      %swap3A_244 = vector.shape_cast %broadcast_in_dim3A_3 : vector<16xf32> to vector<1x16xf32>
      tpu.vector_store %arg4[%swap3A_240, %swap3A_241], %swap3A_244 {strides = array<i32>} : memref<16x2440xf32, #tpu.memory_space<vmem>>, vector<1x16xf32>,
      %add3A_245 = arith.constant 48 : i32
      %add3A_246 = arith.addi %mul3A_220, %add3A_245 : i32
      %swap3A_247 = arith.constant 15 : i32
      %swap3A_248 = arith.index_cast %swap3A_247 : i32 to index
      %swap3A_249 = arith.index_cast %add3A_246 : i32 to index
      %swap3A_250 = tpu.vector_load %arg4[%swap3A_248, %swap3A_249] {strides = array<i32>} : memref<16x2440xf32, #tpu.memory_space<vmem>>, vector<1x16xf32>,
      %swap3A_251 = vector.shape_cast %swap3A_250 : vector<1x16xf32> to vector<16xf32>
      %swap3A_252 = vector.shape_cast %broadcast_in_dim3A_3 : vector<16xf32> to vector<1x16xf32>
      tpu.vector_store %arg4[%swap3A_248, %swap3A_249], %swap3A_252 {strides = array<i32>} : memref<16x2440xf32, #tpu.memory_space<vmem>>, vector<1x16xf32>,
      %add3A_253 = arith.constant 64 : i32
      %add3A_254 = arith.addi %mul3A_220, %add3A_253 : i32
      %swap3A_255 = arith.constant 15 : i32
      %swap3A_256 = arith.index_cast %swap3A_255 : i32 to index
      %swap3A_257 = arith.index_cast %add3A_254 : i32 to index
      %swap3A_258 = tpu.vector_load %arg4[%swap3A_256, %swap3A_257] {strides = array<i32>} : memref<16x2440xf32, #tpu.memory_space<vmem>>, vector<1x16xf32>,
      %swap3A_259 = vector.shape_cast %swap3A_258 : vector<1x16xf32> to vector<16xf32>
      %swap3A_260 = vector.shape_cast %broadcast_in_dim3A_3 : vector<16xf32> to vector<1x16xf32>
      tpu.vector_store %arg4[%swap3A_256, %swap3A_257], %swap3A_260 {strides = array<i32>} : memref<16x2440xf32, #tpu.memory_space<vmem>>, vector<1x16xf32>,
      %add3A_261 = arith.constant 80 : i32
      %add3A_262 = arith.addi %mul3A_220, %add3A_261 : i32
      %swap3A_263 = arith.constant 15 : i32
      %swap3A_264 = arith.index_cast %swap3A_263 : i32 to index
      %swap3A_265 = arith.index_cast %add3A_262 : i32 to index
      %swap3A_266 = tpu.vector_load %arg4[%swap3A_264, %swap3A_265] {strides = array<i32>} : memref<16x2440xf32, #tpu.memory_space<vmem>>, vector<1x16xf32>,
      %swap3A_267 = vector.shape_cast %swap3A_266 : vector<1x16xf32> to vector<16xf32>
      %swap3A_268 = vector.shape_cast %broadcast_in_dim3A_3 : vector<16xf32> to vector<1x16xf32>
      tpu.vector_store %arg4[%swap3A_264, %swap3A_265], %swap3A_268 {strides = array<i32>} : memref<16x2440xf32, #tpu.memory_space<vmem>>, vector<1x16xf32>,
      %add3A_269 = arith.constant 96 : i32
      %add3A_270 = arith.addi %mul3A_220, %add3A_269 : i32
      %swap3A_271 = arith.constant 15 : i32
      %swap3A_272 = arith.index_cast %swap3A_271 : i32 to index
      %swap3A_273 = arith.index_cast %add3A_270 : i32 to index
      %swap3A_274 = tpu.vector_load %arg4[%swap3A_272, %swap3A_273] {strides = array<i32>} : memref<16x2440xf32, #tpu.memory_space<vmem>>, vector<1x16xf32>,
      %swap3A_275 = vector.shape_cast %swap3A_274 : vector<1x16xf32> to vector<16xf32>
      %swap3A_276 = vector.shape_cast %broadcast_in_dim3A_3 : vector<16xf32> to vector<1x16xf32>
      tpu.vector_store %arg4[%swap3A_272, %swap3A_273], %swap3A_276 {strides = array<i32>} : memref<16x2440xf32, #tpu.memory_space<vmem>>, vector<1x16xf32>,
      %add3A_277 = arith.constant 112 : i32
      %add3A_278 = arith.addi %mul3A_220, %add3A_277 : i32
      %swap3A_279 = arith.constant 15 : i32
      %swap3A_280 = arith.index_cast %swap3A_279 : i32 to index
      %swap3A_281 = arith.index_cast %add3A_278 : i32 to index
      %swap3A_282 = tpu.vector_load %arg4[%swap3A_280, %swap3A_281] {strides = array<i32>} : memref<16x2440xf32, #tpu.memory_space<vmem>>, vector<1x16xf32>,
      %swap3A_283 = vector.shape_cast %swap3A_282 : vector<1x16xf32> to vector<16xf32>
      %swap3A_284 = vector.shape_cast %broadcast_in_dim3A_3 : vector<16xf32> to vector<1x16xf32>
      tpu.vector_store %arg4[%swap3A_280, %swap3A_281], %swap3A_284 {strides = array<i32>} : memref<16x2440xf32, #tpu.memory_space<vmem>>, vector<1x16xf32>,
      %scan3A_285 = arith.constant 0 : i32
      scf.yield %scan3A_285 : i32
    }
    %scan3A_203 = arith.constant 19 : i32
    %swap3A_204 = arith.constant 15 : i32
    %swap3A_205 = arith.index_cast %swap3A_204 : i32 to index
    %swap3A_206 = arith.constant 2424 : index
    %swap3A_207 = tpu.vector_load %arg4[%swap3A_205, %swap3A_206] {strides = array<i32>} : memref<16x2440xf32, #tpu.memory_space<vmem>>, vector<1x16xf32>,
    %swap3A_208 = vector.shape_cast %swap3A_207 : vector<1x16xf32> to vector<16xf32>
    %swap3A_209 = vector.shape_cast %broadcast_in_dim3A_3 : vector<16xf32> to vector<1x16xf32>
    tpu.vector_store %arg4[%swap3A_205, %swap3A_206], %swap3A_209 {strides = array<i32>} : memref<16x2440xf32, #tpu.memory_space<vmem>>, vector<1x16xf32>,
    %scan3A_210 = arith.constant 0 : i32
    %scan3A_211 = arith.constant 0 : i32
    %scan3A_212 = arith.constant 8 : i32
    %scan3A_213 = arith.addi %scan3A_211, %scan3A_212 : i32
    %scan3A_214 = arith.constant 1 : i32
    %scan3A_215 = scf.for %scan3A_217 = %scan3A_211 to %scan3A_213 step %scan3A_214 iter_args(%scan3A_218 = %scan3A_210) -> (i32)  : i32 {
      %mul3A_219 = arith.constant 16 : i32
      %mul3A_220 = arith.muli %scan3A_217, %mul3A_219 : i32
      %add3A_221 = arith.addi %mul3A_2, %mul3A_220 : i32
      %iota3A_222 = tpu.iota {dimensions = array<i32: 0>} : vector<16xi32>
      %add3A_223 = vector.broadcast %add3A_221 : i32 to vector<16xi32>
      %add3A_224 = arith.addi %add3A_223, %iota3A_222 : vector<16xi32>
      %mul3A_225 = arith.constant 25 : i32
      %mul3A_226 = vector.broadcast %mul3A_225 : i32 to vector<16xi32>
      %mul3A_227 = arith.muli %add3A_224, %mul3A_226 : vector<16xi32>
      %broadcast_in_dim3A_228 = arith.constant -1 : i32
      %broadcast_in_dim3A_229 = vector.broadcast %broadcast_in_dim3A_228 : i32 to vector<16xi32>
      %broadcast_in_dim3A_230 = arith.constant 0 : i32
      %broadcast_in_dim3A_231 = vector.broadcast %broadcast_in_dim3A_230 : i32 to vector<16xi32>
      %broadcast_in_dim3A_232 = arith.constant 0 : i32
      %broadcast_in_dim3A_233 = vector.broadcast %broadcast_in_dim3A_232 : i32 to vector<16xi32>
      %scan3A_234 = arith.constant 0 : i32
      %scan3A_235 = arith.constant 25 : i32
      %scan3A_236 = arith.addi %scan3A_234, %scan3A_235 : i32
      %scan3A_237 = arith.constant 1 : i32
      %scan3A_238:3 = scf.for %scan3A_1167 = %scan3A_234 to %scan3A_236 step %scan3A_237 iter_args(%scan3A_1168 = %broadcast_in_dim3A_229, %scan3A_1169 = %broadcast_in_dim3A_231, %scan3A_1170 = %broadcast_in_dim3A_233) -> (vector<16xi32>, vector<16xi32>, vector<16xi32>)  : i32 {
        %add3A_1171 = arith.addi %mul3A_227, %scan3A_1170 : vector<16xi32>
        %broadcast_in_dim3A_1172 = arith.constant 0 : i32
        %broadcast_in_dim3A_1173 = vector.broadcast %broadcast_in_dim3A_1172 : i32 to vector<16xi32>
        %add3A_1174 = arith.constant 0 : i32
        %add3A_1175 = vector.broadcast %add3A_1174 : i32 to vector<16xi32>
        %add3A_1176 = arith.addi %broadcast_in_dim3A_1173, %add3A_1175 : vector<16xi32>
        %add3A_1177 = arith.constant 42 : i32
        %add3A_1178 = vector.broadcast %add3A_1177 : i32 to vector<16xi32>
        %add3A_1179 = arith.addi %add3A_1171, %add3A_1178 : vector<16xi32>
        %add3A_1180 = arith.addi %add3A_1176, %add3A_1179 : vector<16xi32>
        %shift_left3A = arith.constant 13 : i32
        %shift_left3A_1181 = vector.broadcast %shift_left3A : i32 to vector<16xi32>
        %shift_left3A_1182 = arith.shli %add3A_1179, %shift_left3A_1181 : vector<16xi32>
        %shift_right_logical3A = arith.constant 19 : i32
        %shift_right_logical3A_1183 = vector.broadcast %shift_right_logical3A : i32 to vector<16xi32>
        %shift_right_logical3A_1184 = arith.shrui %add3A_1179, %shift_right_logical3A_1183 : vector<16xi32>
        %or3A = arith.ori %shift_left3A_1182, %shift_right_logical3A_1184 : vector<16xi32>
        %xor3A = arith.xori %or3A, %add3A_1180 : vector<16xi32>
        %add3A_1185 = arith.addi %add3A_1180, %xor3A : vector<16xi32>
        %shift_left3A_1186 = arith.constant 15 : i32
        %shift_left3A_1187 = vector.broadcast %shift_left3A_1186 : i32 to vector<16xi32>
        %shift_left3A_1188 = arith.shli %xor3A, %shift_left3A_1187 : vector<16xi32>
        %shift_right_logical3A_1189 = arith.constant 17 : i32
        %shift_right_logical3A_1190 = vector.broadcast %shift_right_logical3A_1189 : i32 to vector<16xi32>
        %shift_right_logical3A_1191 = arith.shrui %xor3A, %shift_right_logical3A_1190 : vector<16xi32>
        %or3A_1192 = arith.ori %shift_left3A_1188, %shift_right_logical3A_1191 : vector<16xi32>
        %xor3A_1193 = arith.xori %or3A_1192, %add3A_1185 : vector<16xi32>
        %add3A_1194 = arith.addi %add3A_1185, %xor3A_1193 : vector<16xi32>
        %shift_left3A_1195 = arith.constant 26 : i32
        %shift_left3A_1196 = vector.broadcast %shift_left3A_1195 : i32 to vector<16xi32>
        %shift_left3A_1197 = arith.shli %xor3A_1193, %shift_left3A_1196 : vector<16xi32>
        %shift_right_logical3A_1198 = arith.constant 6 : i32
        %shift_right_logical3A_1199 = vector.broadcast %shift_right_logical3A_1198 : i32 to vector<16xi32>
        %shift_right_logical3A_1200 = arith.shrui %xor3A_1193, %shift_right_logical3A_1199 : vector<16xi32>
        %or3A_1201 = arith.ori %shift_left3A_1197, %shift_right_logical3A_1200 : vector<16xi32>
        %xor3A_1202 = arith.xori %or3A_1201, %add3A_1194 : vector<16xi32>
        %add3A_1203 = arith.addi %add3A_1194, %xor3A_1202 : vector<16xi32>
        %shift_left3A_1204 = arith.constant 6 : i32
        %shift_left3A_1205 = vector.broadcast %shift_left3A_1204 : i32 to vector<16xi32>
        %shift_left3A_1206 = arith.shli %xor3A_1202, %shift_left3A_1205 : vector<16xi32>
        %shift_right_logical3A_1207 = arith.constant 26 : i32
        %shift_right_logical3A_1208 = vector.broadcast %shift_right_logical3A_1207 : i32 to vector<16xi32>
        %shift_right_logical3A_1209 = arith.shrui %xor3A_1202, %shift_right_logical3A_1208 : vector<16xi32>
        %or3A_1210 = arith.ori %shift_left3A_1206, %shift_right_logical3A_1209 : vector<16xi32>
        %xor3A_1211 = arith.xori %or3A_1210, %add3A_1203 : vector<16xi32>
        %add3A_1212 = arith.constant 42 : i32
        %add3A_1213 = vector.broadcast %add3A_1212 : i32 to vector<16xi32>
        %add3A_1214 = arith.addi %add3A_1203, %add3A_1213 : vector<16xi32>
        %add3A_1215 = arith.constant 466689008 : i32
        %add3A_1216 = vector.broadcast %add3A_1215 : i32 to vector<16xi32>
        %add3A_1217 = arith.addi %xor3A_1211, %add3A_1216 : vector<16xi32>
        %add3A_1218 = arith.constant 1 : i32
        %add3A_1219 = vector.broadcast %add3A_1218 : i32 to vector<16xi32>
        %add3A_1220 = arith.addi %add3A_1217, %add3A_1219 : vector<16xi32>
        %add3A_1221 = arith.addi %add3A_1214, %add3A_1220 : vector<16xi32>
        %shift_left3A_1222 = arith.constant 17 : i32
        %shift_left3A_1223 = vector.broadcast %shift_left3A_1222 : i32 to vector<16xi32>
        %shift_left3A_1224 = arith.shli %add3A_1220, %shift_left3A_1223 : vector<16xi32>
        %shift_right_logical3A_1225 = arith.constant 15 : i32
        %shift_right_logical3A_1226 = vector.broadcast %shift_right_logical3A_1225 : i32 to vector<16xi32>
        %shift_right_logical3A_1227 = arith.shrui %add3A_1220, %shift_right_logical3A_1226 : vector<16xi32>
        %or3A_1228 = arith.ori %shift_left3A_1224, %shift_right_logical3A_1227 : vector<16xi32>
        %xor3A_1229 = arith.xori %or3A_1228, %add3A_1221 : vector<16xi32>
        %add3A_1230 = arith.addi %add3A_1221, %xor3A_1229 : vector<16xi32>
        %shift_left3A_1231 = arith.constant 29 : i32
        %shift_left3A_1232 = vector.broadcast %shift_left3A_1231 : i32 to vector<16xi32>
        %shift_left3A_1233 = arith.shli %xor3A_1229, %shift_left3A_1232 : vector<16xi32>
        %shift_right_logical3A_1234 = arith.constant 3 : i32
        %shift_right_logical3A_1235 = vector.broadcast %shift_right_logical3A_1234 : i32 to vector<16xi32>
        %shift_right_logical3A_1236 = arith.shrui %xor3A_1229, %shift_right_logical3A_1235 : vector<16xi32>
        %or3A_1237 = arith.ori %shift_left3A_1233, %shift_right_logical3A_1236 : vector<16xi32>
        %xor3A_1238 = arith.xori %or3A_1237, %add3A_1230 : vector<16xi32>
        %add3A_1239 = arith.addi %add3A_1230, %xor3A_1238 : vector<16xi32>
        %shift_left3A_1240 = arith.constant 16 : i32
        %shift_left3A_1241 = vector.broadcast %shift_left3A_1240 : i32 to vector<16xi32>
        %shift_left3A_1242 = arith.shli %xor3A_1238, %shift_left3A_1241 : vector<16xi32>
        %shift_right_logical3A_1243 = arith.constant 16 : i32
        %shift_right_logical3A_1244 = vector.broadcast %shift_right_logical3A_1243 : i32 to vector<16xi32>
        %shift_right_logical3A_1245 = arith.shrui %xor3A_1238, %shift_right_logical3A_1244 : vector<16xi32>
        %or3A_1246 = arith.ori %shift_left3A_1242, %shift_right_logical3A_1245 : vector<16xi32>
        %xor3A_1247 = arith.xori %or3A_1246, %add3A_1239 : vector<16xi32>
        %add3A_1248 = arith.addi %add3A_1239, %xor3A_1247 : vector<16xi32>
        %shift_left3A_1249 = arith.constant 24 : i32
        %shift_left3A_1250 = vector.broadcast %shift_left3A_1249 : i32 to vector<16xi32>
        %shift_left3A_1251 = arith.shli %xor3A_1247, %shift_left3A_1250 : vector<16xi32>
        %shift_right_logical3A_1252 = arith.constant 8 : i32
        %shift_right_logical3A_1253 = vector.broadcast %shift_right_logical3A_1252 : i32 to vector<16xi32>
        %shift_right_logical3A_1254 = arith.shrui %xor3A_1247, %shift_right_logical3A_1253 : vector<16xi32>
        %or3A_1255 = arith.ori %shift_left3A_1251, %shift_right_logical3A_1254 : vector<16xi32>
        %xor3A_1256 = arith.xori %or3A_1255, %add3A_1248 : vector<16xi32>
        %add3A_1257 = arith.constant 466689008 : i32
        %add3A_1258 = vector.broadcast %add3A_1257 : i32 to vector<16xi32>
        %add3A_1259 = arith.addi %add3A_1248, %add3A_1258 : vector<16xi32>
        %add3A_1260 = arith.constant 0 : i32
        %add3A_1261 = vector.broadcast %add3A_1260 : i32 to vector<16xi32>
        %add3A_1262 = arith.addi %xor3A_1256, %add3A_1261 : vector<16xi32>
        %add3A_1263 = arith.constant 2 : i32
        %add3A_1264 = vector.broadcast %add3A_1263 : i32 to vector<16xi32>
        %add3A_1265 = arith.addi %add3A_1262, %add3A_1264 : vector<16xi32>
        %add3A_1266 = arith.addi %add3A_1259, %add3A_1265 : vector<16xi32>
        %shift_left3A_1267 = arith.constant 13 : i32
        %shift_left3A_1268 = vector.broadcast %shift_left3A_1267 : i32 to vector<16xi32>
        %shift_left3A_1269 = arith.shli %add3A_1265, %shift_left3A_1268 : vector<16xi32>
        %shift_right_logical3A_1270 = arith.constant 19 : i32
        %shift_right_logical3A_1271 = vector.broadcast %shift_right_logical3A_1270 : i32 to vector<16xi32>
        %shift_right_logical3A_1272 = arith.shrui %add3A_1265, %shift_right_logical3A_1271 : vector<16xi32>
        %or3A_1273 = arith.ori %shift_left3A_1269, %shift_right_logical3A_1272 : vector<16xi32>
        %xor3A_1274 = arith.xori %or3A_1273, %add3A_1266 : vector<16xi32>
        %add3A_1275 = arith.addi %add3A_1266, %xor3A_1274 : vector<16xi32>
        %shift_left3A_1276 = arith.constant 15 : i32
        %shift_left3A_1277 = vector.broadcast %shift_left3A_1276 : i32 to vector<16xi32>
        %shift_left3A_1278 = arith.shli %xor3A_1274, %shift_left3A_1277 : vector<16xi32>
        %shift_right_logical3A_1279 = arith.constant 17 : i32
        %shift_right_logical3A_1280 = vector.broadcast %shift_right_logical3A_1279 : i32 to vector<16xi32>
        %shift_right_logical3A_1281 = arith.shrui %xor3A_1274, %shift_right_logical3A_1280 : vector<16xi32>
        %or3A_1282 = arith.ori %shift_left3A_1278, %shift_right_logical3A_1281 : vector<16xi32>
        %xor3A_1283 = arith.xori %or3A_1282, %add3A_1275 : vector<16xi32>
        %add3A_1284 = arith.addi %add3A_1275, %xor3A_1283 : vector<16xi32>
        %shift_left3A_1285 = arith.constant 26 : i32
        %shift_left3A_1286 = vector.broadcast %shift_left3A_1285 : i32 to vector<16xi32>
        %shift_left3A_1287 = arith.shli %xor3A_1283, %shift_left3A_1286 : vector<16xi32>
        %shift_right_logical3A_1288 = arith.constant 6 : i32
        %shift_right_logical3A_1289 = vector.broadcast %shift_right_logical3A_1288 : i32 to vector<16xi32>
        %shift_right_logical3A_1290 = arith.shrui %xor3A_1283, %shift_right_logical3A_1289 : vector<16xi32>
        %or3A_1291 = arith.ori %shift_left3A_1287, %shift_right_logical3A_1290 : vector<16xi32>
        %xor3A_1292 = arith.xori %or3A_1291, %add3A_1284 : vector<16xi32>
        %add3A_1293 = arith.addi %add3A_1284, %xor3A_1292 : vector<16xi32>
        %shift_left3A_1294 = arith.constant 6 : i32
        %shift_left3A_1295 = vector.broadcast %shift_left3A_1294 : i32 to vector<16xi32>
        %shift_left3A_1296 = arith.shli %xor3A_1292, %shift_left3A_1295 : vector<16xi32>
        %shift_right_logical3A_1297 = arith.constant 26 : i32
        %shift_right_logical3A_1298 = vector.broadcast %shift_right_logical3A_1297 : i32 to vector<16xi32>
        %shift_right_logical3A_1299 = arith.shrui %xor3A_1292, %shift_right_logical3A_1298 : vector<16xi32>
        %or3A_1300 = arith.ori %shift_left3A_1296, %shift_right_logical3A_1299 : vector<16xi32>
        %xor3A_1301 = arith.xori %or3A_1300, %add3A_1293 : vector<16xi32>
        %add3A_1302 = arith.constant 0 : i32
        %add3A_1303 = vector.broadcast %add3A_1302 : i32 to vector<16xi32>
        %add3A_1304 = arith.addi %add3A_1293, %add3A_1303 : vector<16xi32>
        %add3A_1305 = arith.constant 42 : i32
        %add3A_1306 = vector.broadcast %add3A_1305 : i32 to vector<16xi32>
        %add3A_1307 = arith.addi %xor3A_1301, %add3A_1306 : vector<16xi32>
        %add3A_1308 = arith.constant 3 : i32
        %add3A_1309 = vector.broadcast %add3A_1308 : i32 to vector<16xi32>
        %add3A_1310 = arith.addi %add3A_1307, %add3A_1309 : vector<16xi32>
        %add3A_1311 = arith.addi %add3A_1304, %add3A_1310 : vector<16xi32>
        %shift_left3A_1312 = arith.constant 17 : i32
        %shift_left3A_1313 = vector.broadcast %shift_left3A_1312 : i32 to vector<16xi32>
        %shift_left3A_1314 = arith.shli %add3A_1310, %shift_left3A_1313 : vector<16xi32>
        %shift_right_logical3A_1315 = arith.constant 15 : i32
        %shift_right_logical3A_1316 = vector.broadcast %shift_right_logical3A_1315 : i32 to vector<16xi32>
        %shift_right_logical3A_1317 = arith.shrui %add3A_1310, %shift_right_logical3A_1316 : vector<16xi32>
        %or3A_1318 = arith.ori %shift_left3A_1314, %shift_right_logical3A_1317 : vector<16xi32>
        %xor3A_1319 = arith.xori %or3A_1318, %add3A_1311 : vector<16xi32>
        %add3A_1320 = arith.addi %add3A_1311, %xor3A_1319 : vector<16xi32>
        %shift_left3A_1321 = arith.constant 29 : i32
        %shift_left3A_1322 = vector.broadcast %shift_left3A_1321 : i32 to vector<16xi32>
        %shift_left3A_1323 = arith.shli %xor3A_1319, %shift_left3A_1322 : vector<16xi32>
        %shift_right_logical3A_1324 = arith.constant 3 : i32
        %shift_right_logical3A_1325 = vector.broadcast %shift_right_logical3A_1324 : i32 to vector<16xi32>
        %shift_right_logical3A_1326 = arith.shrui %xor3A_1319, %shift_right_logical3A_1325 : vector<16xi32>
        %or3A_1327 = arith.ori %shift_left3A_1323, %shift_right_logical3A_1326 : vector<16xi32>
        %xor3A_1328 = arith.xori %or3A_1327, %add3A_1320 : vector<16xi32>
        %add3A_1329 = arith.addi %add3A_1320, %xor3A_1328 : vector<16xi32>
        %shift_left3A_1330 = arith.constant 16 : i32
        %shift_left3A_1331 = vector.broadcast %shift_left3A_1330 : i32 to vector<16xi32>
        %shift_left3A_1332 = arith.shli %xor3A_1328, %shift_left3A_1331 : vector<16xi32>
        %shift_right_logical3A_1333 = arith.constant 16 : i32
        %shift_right_logical3A_1334 = vector.broadcast %shift_right_logical3A_1333 : i32 to vector<16xi32>
        %shift_right_logical3A_1335 = arith.shrui %xor3A_1328, %shift_right_logical3A_1334 : vector<16xi32>
        %or3A_1336 = arith.ori %shift_left3A_1332, %shift_right_logical3A_1335 : vector<16xi32>
        %xor3A_1337 = arith.xori %or3A_1336, %add3A_1329 : vector<16xi32>
        %add3A_1338 = arith.addi %add3A_1329, %xor3A_1337 : vector<16xi32>
        %shift_left3A_1339 = arith.constant 24 : i32
        %shift_left3A_1340 = vector.broadcast %shift_left3A_1339 : i32 to vector<16xi32>
        %shift_left3A_1341 = arith.shli %xor3A_1337, %shift_left3A_1340 : vector<16xi32>
        %shift_right_logical3A_1342 = arith.constant 8 : i32
        %shift_right_logical3A_1343 = vector.broadcast %shift_right_logical3A_1342 : i32 to vector<16xi32>
        %shift_right_logical3A_1344 = arith.shrui %xor3A_1337, %shift_right_logical3A_1343 : vector<16xi32>
        %or3A_1345 = arith.ori %shift_left3A_1341, %shift_right_logical3A_1344 : vector<16xi32>
        %xor3A_1346 = arith.xori %or3A_1345, %add3A_1338 : vector<16xi32>
        %add3A_1347 = arith.constant 42 : i32
        %add3A_1348 = vector.broadcast %add3A_1347 : i32 to vector<16xi32>
        %add3A_1349 = arith.addi %add3A_1338, %add3A_1348 : vector<16xi32>
        %add3A_1350 = arith.constant 466689008 : i32
        %add3A_1351 = vector.broadcast %add3A_1350 : i32 to vector<16xi32>
        %add3A_1352 = arith.addi %xor3A_1346, %add3A_1351 : vector<16xi32>
        %add3A_1353 = arith.constant 4 : i32
        %add3A_1354 = vector.broadcast %add3A_1353 : i32 to vector<16xi32>
        %add3A_1355 = arith.addi %add3A_1352, %add3A_1354 : vector<16xi32>
        %add3A_1356 = arith.addi %add3A_1349, %add3A_1355 : vector<16xi32>
        %shift_left3A_1357 = arith.constant 13 : i32
        %shift_left3A_1358 = vector.broadcast %shift_left3A_1357 : i32 to vector<16xi32>
        %shift_left3A_1359 = arith.shli %add3A_1355, %shift_left3A_1358 : vector<16xi32>
        %shift_right_logical3A_1360 = arith.constant 19 : i32
        %shift_right_logical3A_1361 = vector.broadcast %shift_right_logical3A_1360 : i32 to vector<16xi32>
        %shift_right_logical3A_1362 = arith.shrui %add3A_1355, %shift_right_logical3A_1361 : vector<16xi32>
        %or3A_1363 = arith.ori %shift_left3A_1359, %shift_right_logical3A_1362 : vector<16xi32>
        %xor3A_1364 = arith.xori %or3A_1363, %add3A_1356 : vector<16xi32>
        %add3A_1365 = arith.addi %add3A_1356, %xor3A_1364 : vector<16xi32>
        %shift_left3A_1366 = arith.constant 15 : i32
        %shift_left3A_1367 = vector.broadcast %shift_left3A_1366 : i32 to vector<16xi32>
        %shift_left3A_1368 = arith.shli %xor3A_1364, %shift_left3A_1367 : vector<16xi32>
        %shift_right_logical3A_1369 = arith.constant 17 : i32
        %shift_right_logical3A_1370 = vector.broadcast %shift_right_logical3A_1369 : i32 to vector<16xi32>
        %shift_right_logical3A_1371 = arith.shrui %xor3A_1364, %shift_right_logical3A_1370 : vector<16xi32>
        %or3A_1372 = arith.ori %shift_left3A_1368, %shift_right_logical3A_1371 : vector<16xi32>
        %xor3A_1373 = arith.xori %or3A_1372, %add3A_1365 : vector<16xi32>
        %add3A_1374 = arith.addi %add3A_1365, %xor3A_1373 : vector<16xi32>
        %shift_left3A_1375 = arith.constant 26 : i32
        %shift_left3A_1376 = vector.broadcast %shift_left3A_1375 : i32 to vector<16xi32>
        %shift_left3A_1377 = arith.shli %xor3A_1373, %shift_left3A_1376 : vector<16xi32>
        %shift_right_logical3A_1378 = arith.constant 6 : i32
        %shift_right_logical3A_1379 = vector.broadcast %shift_right_logical3A_1378 : i32 to vector<16xi32>
        %shift_right_logical3A_1380 = arith.shrui %xor3A_1373, %shift_right_logical3A_1379 : vector<16xi32>
        %or3A_1381 = arith.ori %shift_left3A_1377, %shift_right_logical3A_1380 : vector<16xi32>
        %xor3A_1382 = arith.xori %or3A_1381, %add3A_1374 : vector<16xi32>
        %add3A_1383 = arith.addi %add3A_1374, %xor3A_1382 : vector<16xi32>
        %shift_left3A_1384 = arith.constant 6 : i32
        %shift_left3A_1385 = vector.broadcast %shift_left3A_1384 : i32 to vector<16xi32>
        %shift_left3A_1386 = arith.shli %xor3A_1382, %shift_left3A_1385 : vector<16xi32>
        %shift_right_logical3A_1387 = arith.constant 26 : i32
        %shift_right_logical3A_1388 = vector.broadcast %shift_right_logical3A_1387 : i32 to vector<16xi32>
        %shift_right_logical3A_1389 = arith.shrui %xor3A_1382, %shift_right_logical3A_1388 : vector<16xi32>
        %or3A_1390 = arith.ori %shift_left3A_1386, %shift_right_logical3A_1389 : vector<16xi32>
        %xor3A_1391 = arith.xori %or3A_1390, %add3A_1383 : vector<16xi32>
        %add3A_1392 = arith.constant 466689008 : i32
        %add3A_1393 = vector.broadcast %add3A_1392 : i32 to vector<16xi32>
        %add3A_1394 = arith.addi %add3A_1383, %add3A_1393 : vector<16xi32>
        %add3A_1395 = arith.constant 0 : i32
        %add3A_1396 = vector.broadcast %add3A_1395 : i32 to vector<16xi32>
        %add3A_1397 = arith.addi %xor3A_1391, %add3A_1396 : vector<16xi32>
        %add3A_1398 = arith.constant 5 : i32
        %add3A_1399 = vector.broadcast %add3A_1398 : i32 to vector<16xi32>
        %add3A_1400 = arith.addi %add3A_1397, %add3A_1399 : vector<16xi32>
        %xor3A_1401 = arith.xori %add3A_1394, %add3A_1400 : vector<16xi32>
        %shift_right_logical3A_1402 = arith.constant 9 : i32
        %shift_right_logical3A_1403 = vector.broadcast %shift_right_logical3A_1402 : i32 to vector<16xi32>
        %shift_right_logical3A_1404 = arith.shrui %xor3A_1401, %shift_right_logical3A_1403 : vector<16xi32>
        %gt3A = arith.cmpi sgt, %shift_right_logical3A_1404, %scan3A_1168 : vector<16xi32>
        %select_n3A_1405 = arith.select %gt3A, %shift_right_logical3A_1404, %scan3A_1168 : vector<16xi1>, vector<16xi32>
        %select_n3A_1406 = arith.select %gt3A, %scan3A_1170, %scan3A_1169 : vector<16xi1>, vector<16xi32>
        %add3A_1407 = arith.constant 1 : i32
        %add3A_1408 = vector.broadcast %add3A_1407 : i32 to vector<16xi32>
        %add3A_1409 = arith.addi %scan3A_1170, %add3A_1408 : vector<16xi32>
        scf.yield %select_n3A_1405, %select_n3A_1406, %add3A_1409 : vector<16xi32>, vector<16xi32>, vector<16xi32>
      }
      %scan3A_239 = arith.constant 25 : i32
      %add3A_240 = arith.constant 1 : i32
      %add3A_241 = vector.broadcast %add3A_240 : i32 to vector<16xi32>
      %add3A_242 = arith.addi %scan3A_238#1, %add3A_241 : vector<16xi32>
      %slice3A = vector.extract_strided_slice %add3A_242 {offsets = [0], sizes = [1], strides = [1]} : vector<16xi32> to vector<1xi32>
      %squeeze3A = vector.extract %slice3A[0] : i32 from vector<1xi32>
      %add3A_243 = arith.constant 0 : i32
      %add3A_244 = vector.broadcast %add3A_243 : i32 to vector<16xi32>
      %add3A_245 = arith.addi %iota3A, %add3A_244 : vector<16xi32>
      %lt3A = vector.broadcast %squeeze3A : i32 to vector<16xi32>
      %lt3A_246 = arith.cmpi slt, %add3A_245, %lt3A : vector<16xi32>
      %jit3A = arith.constant 1.000000e+00 : f32
      %broadcast_in_dim3A_247 = vector.broadcast %jit3A : f32 to vector<16xf32>
      %select_n3A = arith.select %lt3A_246, %broadcast_in_dim3A_247, %broadcast_in_dim3A_3 : vector<16xi1>, vector<16xf32>
      %swap3A_248 = arith.constant 0 : i32
      %swap3A_249 = arith.index_cast %swap3A_248 : i32 to index
      %swap3A_250 = arith.constant 0 : index
      %swap3A_251 = tpu.vector_load %arg5[%swap3A_249, %swap3A_250] {strides = array<i32>} : memref<16x50xf32, #tpu.memory_space<vmem>>, vector<1x16xf32>,
      %swap3A_252 = vector.shape_cast %swap3A_251 : vector<1x16xf32> to vector<16xf32>
      %swap3A_253 = vector.shape_cast %select_n3A : vector<16xf32> to vector<1x16xf32>
      tpu.vector_store %arg5[%swap3A_249, %swap3A_250], %swap3A_253 {strides = array<i32>} : memref<16x50xf32, #tpu.memory_space<vmem>>, vector<1x16xf32>,
      %add3A_254 = arith.constant 16 : i32
      %add3A_255 = vector.broadcast %add3A_254 : i32 to vector<16xi32>
      %add3A_256 = arith.addi %iota3A, %add3A_255 : vector<16xi32>
      %lt3A_257 = vector.broadcast %squeeze3A : i32 to vector<16xi32>
      %lt3A_258 = arith.cmpi slt, %add3A_256, %lt3A_257 : vector<16xi32>
      %jit3A_259 = arith.constant 1.000000e+00 : f32
      %broadcast_in_dim3A_260 = vector.broadcast %jit3A_259 : f32 to vector<16xf32>
      %select_n3A_261 = arith.select %lt3A_258, %broadcast_in_dim3A_260, %broadcast_in_dim3A_3 : vector<16xi1>, vector<16xf32>
      %swap3A_262 = arith.constant 0 : i32
      %swap3A_263 = arith.index_cast %swap3A_262 : i32 to index
      %swap3A_264 = arith.constant 16 : index
      %swap3A_265 = tpu.vector_load %arg5[%swap3A_263, %swap3A_264] {strides = array<i32>} : memref<16x50xf32, #tpu.memory_space<vmem>>, vector<1x16xf32>,
      %swap3A_266 = vector.shape_cast %swap3A_265 : vector<1x16xf32> to vector<16xf32>
      %swap3A_267 = vector.shape_cast %select_n3A_261 : vector<16xf32> to vector<1x16xf32>
      tpu.vector_store %arg5[%swap3A_263, %swap3A_264], %swap3A_267 {strides = array<i32>} : memref<16x50xf32, #tpu.memory_space<vmem>>, vector<1x16xf32>,
      %add3A_268 = arith.constant 32 : i32
      %add3A_269 = vector.broadcast %add3A_268 : i32 to vector<16xi32>
      %add3A_270 = arith.addi %iota3A, %add3A_269 : vector<16xi32>
      %lt3A_271 = vector.broadcast %squeeze3A : i32 to vector<16xi32>
      %lt3A_272 = arith.cmpi slt, %add3A_270, %lt3A_271 : vector<16xi32>
      %jit3A_273 = arith.constant 1.000000e+00 : f32
      %broadcast_in_dim3A_274 = vector.broadcast %jit3A_273 : f32 to vector<16xf32>
      %select_n3A_275 = arith.select %lt3A_272, %broadcast_in_dim3A_274, %broadcast_in_dim3A_3 : vector<16xi1>, vector<16xf32>
      %swap3A_276 = arith.constant 0 : i32
      %swap3A_277 = arith.index_cast %swap3A_276 : i32 to index
      %swap3A_278 = arith.constant 32 : index
      %swap3A_279 = tpu.vector_load %arg5[%swap3A_277, %swap3A_278] {strides = array<i32>} : memref<16x50xf32, #tpu.memory_space<vmem>>, vector<1x16xf32>,
      %swap3A_280 = vector.shape_cast %swap3A_279 : vector<1x16xf32> to vector<16xf32>
      %swap3A_281 = vector.shape_cast %select_n3A_275 : vector<16xf32> to vector<1x16xf32>
      tpu.vector_store %arg5[%swap3A_277, %swap3A_278], %swap3A_281 {strides = array<i32>} : memref<16x50xf32, #tpu.memory_space<vmem>>, vector<1x16xf32>,
      %add3A_282 = arith.constant 34 : i32
      %add3A_283 = vector.broadcast %add3A_282 : i32 to vector<16xi32>
      %add3A_284 = arith.addi %iota3A, %add3A_283 : vector<16xi32>
      %lt3A_285 = vector.broadcast %squeeze3A : i32 to vector<16xi32>
      %lt3A_286 = arith.cmpi slt, %add3A_284, %lt3A_285 : vector<16xi32>
      %jit3A_287 = arith.constant 1.000000e+00 : f32
      %broadcast_in_dim3A_288 = vector.broadcast %jit3A_287 : f32 to vector<16xf32>
      %select_n3A_289 = arith.select %lt3A_286, %broadcast_in_dim3A_288, %broadcast_in_dim3A_3 : vector<16xi1>, vector<16xf32>
      %swap3A_290 = arith.constant 0 : i32
      %swap3A_291 = arith.index_cast %swap3A_290 : i32 to index
      %swap3A_292 = arith.constant 34 : index
      %swap3A_293 = tpu.vector_load %arg5[%swap3A_291, %swap3A_292] {strides = array<i32>} : memref<16x50xf32, #tpu.memory_space<vmem>>, vector<1x16xf32>,
      %swap3A_294 = vector.shape_cast %swap3A_293 : vector<1x16xf32> to vector<16xf32>
      %swap3A_295 = vector.shape_cast %select_n3A_289 : vector<16xf32> to vector<1x16xf32>
      tpu.vector_store %arg5[%swap3A_291, %swap3A_292], %swap3A_295 {strides = array<i32>} : memref<16x50xf32, #tpu.memory_space<vmem>>, vector<1x16xf32>,
      %slice3A_296 = vector.extract_strided_slice %add3A_242 {offsets = [1], sizes = [1], strides = [1]} : vector<16xi32> to vector<1xi32>
      %squeeze3A_297 = vector.extract %slice3A_296[0] : i32 from vector<1xi32>
      %add3A_298 = arith.constant 0 : i32
      %add3A_299 = vector.broadcast %add3A_298 : i32 to vector<16xi32>
      %add3A_300 = arith.addi %iota3A, %add3A_299 : vector<16xi32>
      %lt3A_301 = vector.broadcast %squeeze3A_297 : i32 to vector<16xi32>
      %lt3A_302 = arith.cmpi slt, %add3A_300, %lt3A_301 : vector<16xi32>
      %jit3A_303 = arith.constant 1.000000e+00 : f32
      %broadcast_in_dim3A_304 = vector.broadcast %jit3A_303 : f32 to vector<16xf32>
      %select_n3A_305 = arith.select %lt3A_302, %broadcast_in_dim3A_304, %broadcast_in_dim3A_3 : vector<16xi1>, vector<16xf32>
      %swap3A_306 = arith.constant 1 : i32
      %swap3A_307 = arith.index_cast %swap3A_306 : i32 to index
      %swap3A_308 = arith.constant 0 : index
      %swap3A_309 = tpu.vector_load %arg5[%swap3A_307, %swap3A_308] {strides = array<i32>} : memref<16x50xf32, #tpu.memory_space<vmem>>, vector<1x16xf32>,
      %swap3A_310 = vector.shape_cast %swap3A_309 : vector<1x16xf32> to vector<16xf32>
      %swap3A_311 = vector.shape_cast %select_n3A_305 : vector<16xf32> to vector<1x16xf32>
      tpu.vector_store %arg5[%swap3A_307, %swap3A_308], %swap3A_311 {strides = array<i32>} : memref<16x50xf32, #tpu.memory_space<vmem>>, vector<1x16xf32>,
      %add3A_312 = arith.constant 16 : i32
      %add3A_313 = vector.broadcast %add3A_312 : i32 to vector<16xi32>
      %add3A_314 = arith.addi %iota3A, %add3A_313 : vector<16xi32>
      %lt3A_315 = vector.broadcast %squeeze3A_297 : i32 to vector<16xi32>
      %lt3A_316 = arith.cmpi slt, %add3A_314, %lt3A_315 : vector<16xi32>
      %jit3A_317 = arith.constant 1.000000e+00 : f32
      %broadcast_in_dim3A_318 = vector.broadcast %jit3A_317 : f32 to vector<16xf32>
      %select_n3A_319 = arith.select %lt3A_316, %broadcast_in_dim3A_318, %broadcast_in_dim3A_3 : vector<16xi1>, vector<16xf32>
      %swap3A_320 = arith.constant 1 : i32
      %swap3A_321 = arith.index_cast %swap3A_320 : i32 to index
      %swap3A_322 = arith.constant 16 : index
      %swap3A_323 = tpu.vector_load %arg5[%swap3A_321, %swap3A_322] {strides = array<i32>} : memref<16x50xf32, #tpu.memory_space<vmem>>, vector<1x16xf32>,
      %swap3A_324 = vector.shape_cast %swap3A_323 : vector<1x16xf32> to vector<16xf32>
      %swap3A_325 = vector.shape_cast %select_n3A_319 : vector<16xf32> to vector<1x16xf32>
      tpu.vector_store %arg5[%swap3A_321, %swap3A_322], %swap3A_325 {strides = array<i32>} : memref<16x50xf32, #tpu.memory_space<vmem>>, vector<1x16xf32>,
      %add3A_326 = arith.constant 32 : i32
      %add3A_327 = vector.broadcast %add3A_326 : i32 to vector<16xi32>
      %add3A_328 = arith.addi %iota3A, %add3A_327 : vector<16xi32>
      %lt3A_329 = vector.broadcast %squeeze3A_297 : i32 to vector<16xi32>
      %lt3A_330 = arith.cmpi slt, %add3A_328, %lt3A_329 : vector<16xi32>
      %jit3A_331 = arith.constant 1.000000e+00 : f32
      %broadcast_in_dim3A_332 = vector.broadcast %jit3A_331 : f32 to vector<16xf32>
      %select_n3A_333 = arith.select %lt3A_330, %broadcast_in_dim3A_332, %broadcast_in_dim3A_3 : vector<16xi1>, vector<16xf32>
      %swap3A_334 = arith.constant 1 : i32
      %swap3A_335 = arith.index_cast %swap3A_334 : i32 to index
      %swap3A_336 = arith.constant 32 : index
      %swap3A_337 = tpu.vector_load %arg5[%swap3A_335, %swap3A_336] {strides = array<i32>} : memref<16x50xf32, #tpu.memory_space<vmem>>, vector<1x16xf32>,
      %swap3A_338 = vector.shape_cast %swap3A_337 : vector<1x16xf32> to vector<16xf32>
      %swap3A_339 = vector.shape_cast %select_n3A_333 : vector<16xf32> to vector<1x16xf32>
      tpu.vector_store %arg5[%swap3A_335, %swap3A_336], %swap3A_339 {strides = array<i32>} : memref<16x50xf32, #tpu.memory_space<vmem>>, vector<1x16xf32>,
      %add3A_340 = arith.constant 34 : i32
      %add3A_341 = vector.broadcast %add3A_340 : i32 to vector<16xi32>
      %add3A_342 = arith.addi %iota3A, %add3A_341 : vector<16xi32>
      %lt3A_343 = vector.broadcast %squeeze3A_297 : i32 to vector<16xi32>
      %lt3A_344 = arith.cmpi slt, %add3A_342, %lt3A_343 : vector<16xi32>
      %jit3A_345 = arith.constant 1.000000e+00 : f32
      %broadcast_in_dim3A_346 = vector.broadcast %jit3A_345 : f32 to vector<16xf32>
      %select_n3A_347 = arith.select %lt3A_344, %broadcast_in_dim3A_346, %broadcast_in_dim3A_3 : vector<16xi1>, vector<16xf32>
      %swap3A_348 = arith.constant 1 : i32
      %swap3A_349 = arith.index_cast %swap3A_348 : i32 to index
      %swap3A_350 = arith.constant 34 : index
      %swap3A_351 = tpu.vector_load %arg5[%swap3A_349, %swap3A_350] {strides = array<i32>} : memref<16x50xf32, #tpu.memory_space<vmem>>, vector<1x16xf32>,
      %swap3A_352 = vector.shape_cast %swap3A_351 : vector<1x16xf32> to vector<16xf32>
      %swap3A_353 = vector.shape_cast %select_n3A_347 : vector<16xf32> to vector<1x16xf32>
      tpu.vector_store %arg5[%swap3A_349, %swap3A_350], %swap3A_353 {strides = array<i32>} : memref<16x50xf32, #tpu.memory_space<vmem>>, vector<1x16xf32>,
      %slice3A_354 = vector.extract_strided_slice %add3A_242 {offsets = [2], sizes = [1], strides = [1]} : vector<16xi32> to vector<1xi32>
      %squeeze3A_355 = vector.extract %slice3A_354[0] : i32 from vector<1xi32>
      %add3A_356 = arith.constant 0 : i32
      %add3A_357 = vector.broadcast %add3A_356 : i32 to vector<16xi32>
      %add3A_358 = arith.addi %iota3A, %add3A_357 : vector<16xi32>
      %lt3A_359 = vector.broadcast %squeeze3A_355 : i32 to vector<16xi32>
      %lt3A_360 = arith.cmpi slt, %add3A_358, %lt3A_359 : vector<16xi32>
      %jit3A_361 = arith.constant 1.000000e+00 : f32
      %broadcast_in_dim3A_362 = vector.broadcast %jit3A_361 : f32 to vector<16xf32>
      %select_n3A_363 = arith.select %lt3A_360, %broadcast_in_dim3A_362, %broadcast_in_dim3A_3 : vector<16xi1>, vector<16xf32>
      %swap3A_364 = arith.constant 2 : i32
      %swap3A_365 = arith.index_cast %swap3A_364 : i32 to index
      %swap3A_366 = arith.constant 0 : index
      %swap3A_367 = tpu.vector_load %arg5[%swap3A_365, %swap3A_366] {strides = array<i32>} : memref<16x50xf32, #tpu.memory_space<vmem>>, vector<1x16xf32>,
      %swap3A_368 = vector.shape_cast %swap3A_367 : vector<1x16xf32> to vector<16xf32>
      %swap3A_369 = vector.shape_cast %select_n3A_363 : vector<16xf32> to vector<1x16xf32>
      tpu.vector_store %arg5[%swap3A_365, %swap3A_366], %swap3A_369 {strides = array<i32>} : memref<16x50xf32, #tpu.memory_space<vmem>>, vector<1x16xf32>,
      %add3A_370 = arith.constant 16 : i32
      %add3A_371 = vector.broadcast %add3A_370 : i32 to vector<16xi32>
      %add3A_372 = arith.addi %iota3A, %add3A_371 : vector<16xi32>
      %lt3A_373 = vector.broadcast %squeeze3A_355 : i32 to vector<16xi32>
      %lt3A_374 = arith.cmpi slt, %add3A_372, %lt3A_373 : vector<16xi32>
      %jit3A_375 = arith.constant 1.000000e+00 : f32
      %broadcast_in_dim3A_376 = vector.broadcast %jit3A_375 : f32 to vector<16xf32>
      %select_n3A_377 = arith.select %lt3A_374, %broadcast_in_dim3A_376, %broadcast_in_dim3A_3 : vector<16xi1>, vector<16xf32>
      %swap3A_378 = arith.constant 2 : i32
      %swap3A_379 = arith.index_cast %swap3A_378 : i32 to index
      %swap3A_380 = arith.constant 16 : index
      %swap3A_381 = tpu.vector_load %arg5[%swap3A_379, %swap3A_380] {strides = array<i32>} : memref<16x50xf32, #tpu.memory_space<vmem>>, vector<1x16xf32>,
      %swap3A_382 = vector.shape_cast %swap3A_381 : vector<1x16xf32> to vector<16xf32>
      %swap3A_383 = vector.shape_cast %select_n3A_377 : vector<16xf32> to vector<1x16xf32>
      tpu.vector_store %arg5[%swap3A_379, %swap3A_380], %swap3A_383 {strides = array<i32>} : memref<16x50xf32, #tpu.memory_space<vmem>>, vector<1x16xf32>,
      %add3A_384 = arith.constant 32 : i32
      %add3A_385 = vector.broadcast %add3A_384 : i32 to vector<16xi32>
      %add3A_386 = arith.addi %iota3A, %add3A_385 : vector<16xi32>
      %lt3A_387 = vector.broadcast %squeeze3A_355 : i32 to vector<16xi32>
      %lt3A_388 = arith.cmpi slt, %add3A_386, %lt3A_387 : vector<16xi32>
      %jit3A_389 = arith.constant 1.000000e+00 : f32
      %broadcast_in_dim3A_390 = vector.broadcast %jit3A_389 : f32 to vector<16xf32>
      %select_n3A_391 = arith.select %lt3A_388, %broadcast_in_dim3A_390, %broadcast_in_dim3A_3 : vector<16xi1>, vector<16xf32>
      %swap3A_392 = arith.constant 2 : i32
      %swap3A_393 = arith.index_cast %swap3A_392 : i32 to index
      %swap3A_394 = arith.constant 32 : index
      %swap3A_395 = tpu.vector_load %arg5[%swap3A_393, %swap3A_394] {strides = array<i32>} : memref<16x50xf32, #tpu.memory_space<vmem>>, vector<1x16xf32>,
      %swap3A_396 = vector.shape_cast %swap3A_395 : vector<1x16xf32> to vector<16xf32>
      %swap3A_397 = vector.shape_cast %select_n3A_391 : vector<16xf32> to vector<1x16xf32>
      tpu.vector_store %arg5[%swap3A_393, %swap3A_394], %swap3A_397 {strides = array<i32>} : memref<16x50xf32, #tpu.memory_space<vmem>>, vector<1x16xf32>,
      %add3A_398 = arith.constant 34 : i32
      %add3A_399 = vector.broadcast %add3A_398 : i32 to vector<16xi32>
      %add3A_400 = arith.addi %iota3A, %add3A_399 : vector<16xi32>
      %lt3A_401 = vector.broadcast %squeeze3A_355 : i32 to vector<16xi32>
      %lt3A_402 = arith.cmpi slt, %add3A_400, %lt3A_401 : vector<16xi32>
      %jit3A_403 = arith.constant 1.000000e+00 : f32
      %broadcast_in_dim3A_404 = vector.broadcast %jit3A_403 : f32 to vector<16xf32>
      %select_n3A_405 = arith.select %lt3A_402, %broadcast_in_dim3A_404, %broadcast_in_dim3A_3 : vector<16xi1>, vector<16xf32>
      %swap3A_406 = arith.constant 2 : i32
      %swap3A_407 = arith.index_cast %swap3A_406 : i32 to index
      %swap3A_408 = arith.constant 34 : index
      %swap3A_409 = tpu.vector_load %arg5[%swap3A_407, %swap3A_408] {strides = array<i32>} : memref<16x50xf32, #tpu.memory_space<vmem>>, vector<1x16xf32>,
      %swap3A_410 = vector.shape_cast %swap3A_409 : vector<1x16xf32> to vector<16xf32>
      %swap3A_411 = vector.shape_cast %select_n3A_405 : vector<16xf32> to vector<1x16xf32>
      tpu.vector_store %arg5[%swap3A_407, %swap3A_408], %swap3A_411 {strides = array<i32>} : memref<16x50xf32, #tpu.memory_space<vmem>>, vector<1x16xf32>,
      %slice3A_412 = vector.extract_strided_slice %add3A_242 {offsets = [3], sizes = [1], strides = [1]} : vector<16xi32> to vector<1xi32>
      %squeeze3A_413 = vector.extract %slice3A_412[0] : i32 from vector<1xi32>
      %add3A_414 = arith.constant 0 : i32
      %add3A_415 = vector.broadcast %add3A_414 : i32 to vector<16xi32>
      %add3A_416 = arith.addi %iota3A, %add3A_415 : vector<16xi32>
      %lt3A_417 = vector.broadcast %squeeze3A_413 : i32 to vector<16xi32>
      %lt3A_418 = arith.cmpi slt, %add3A_416, %lt3A_417 : vector<16xi32>
      %jit3A_419 = arith.constant 1.000000e+00 : f32
      %broadcast_in_dim3A_420 = vector.broadcast %jit3A_419 : f32 to vector<16xf32>
      %select_n3A_421 = arith.select %lt3A_418, %broadcast_in_dim3A_420, %broadcast_in_dim3A_3 : vector<16xi1>, vector<16xf32>
      %swap3A_422 = arith.constant 3 : i32
      %swap3A_423 = arith.index_cast %swap3A_422 : i32 to index
      %swap3A_424 = arith.constant 0 : index
      %swap3A_425 = tpu.vector_load %arg5[%swap3A_423, %swap3A_424] {strides = array<i32>} : memref<16x50xf32, #tpu.memory_space<vmem>>, vector<1x16xf32>,
      %swap3A_426 = vector.shape_cast %swap3A_425 : vector<1x16xf32> to vector<16xf32>
      %swap3A_427 = vector.shape_cast %select_n3A_421 : vector<16xf32> to vector<1x16xf32>
      tpu.vector_store %arg5[%swap3A_423, %swap3A_424], %swap3A_427 {strides = array<i32>} : memref<16x50xf32, #tpu.memory_space<vmem>>, vector<1x16xf32>,
      %add3A_428 = arith.constant 16 : i32
      %add3A_429 = vector.broadcast %add3A_428 : i32 to vector<16xi32>
      %add3A_430 = arith.addi %iota3A, %add3A_429 : vector<16xi32>
      %lt3A_431 = vector.broadcast %squeeze3A_413 : i32 to vector<16xi32>
      %lt3A_432 = arith.cmpi slt, %add3A_430, %lt3A_431 : vector<16xi32>
      %jit3A_433 = arith.constant 1.000000e+00 : f32
      %broadcast_in_dim3A_434 = vector.broadcast %jit3A_433 : f32 to vector<16xf32>
      %select_n3A_435 = arith.select %lt3A_432, %broadcast_in_dim3A_434, %broadcast_in_dim3A_3 : vector<16xi1>, vector<16xf32>
      %swap3A_436 = arith.constant 3 : i32
      %swap3A_437 = arith.index_cast %swap3A_436 : i32 to index
      %swap3A_438 = arith.constant 16 : index
      %swap3A_439 = tpu.vector_load %arg5[%swap3A_437, %swap3A_438] {strides = array<i32>} : memref<16x50xf32, #tpu.memory_space<vmem>>, vector<1x16xf32>,
      %swap3A_440 = vector.shape_cast %swap3A_439 : vector<1x16xf32> to vector<16xf32>
      %swap3A_441 = vector.shape_cast %select_n3A_435 : vector<16xf32> to vector<1x16xf32>
      tpu.vector_store %arg5[%swap3A_437, %swap3A_438], %swap3A_441 {strides = array<i32>} : memref<16x50xf32, #tpu.memory_space<vmem>>, vector<1x16xf32>,
      %add3A_442 = arith.constant 32 : i32
      %add3A_443 = vector.broadcast %add3A_442 : i32 to vector<16xi32>
      %add3A_444 = arith.addi %iota3A, %add3A_443 : vector<16xi32>
      %lt3A_445 = vector.broadcast %squeeze3A_413 : i32 to vector<16xi32>
      %lt3A_446 = arith.cmpi slt, %add3A_444, %lt3A_445 : vector<16xi32>
      %jit3A_447 = arith.constant 1.000000e+00 : f32
      %broadcast_in_dim3A_448 = vector.broadcast %jit3A_447 : f32 to vector<16xf32>
      %select_n3A_449 = arith.select %lt3A_446, %broadcast_in_dim3A_448, %broadcast_in_dim3A_3 : vector<16xi1>, vector<16xf32>
      %swap3A_450 = arith.constant 3 : i32
      %swap3A_451 = arith.index_cast %swap3A_450 : i32 to index
      %swap3A_452 = arith.constant 32 : index
      %swap3A_453 = tpu.vector_load %arg5[%swap3A_451, %swap3A_452] {strides = array<i32>} : memref<16x50xf32, #tpu.memory_space<vmem>>, vector<1x16xf32>,
      %swap3A_454 = vector.shape_cast %swap3A_453 : vector<1x16xf32> to vector<16xf32>
      %swap3A_455 = vector.shape_cast %select_n3A_449 : vector<16xf32> to vector<1x16xf32>
      tpu.vector_store %arg5[%swap3A_451, %swap3A_452], %swap3A_455 {strides = array<i32>} : memref<16x50xf32, #tpu.memory_space<vmem>>, vector<1x16xf32>,
      %add3A_456 = arith.constant 34 : i32
      %add3A_457 = vector.broadcast %add3A_456 : i32 to vector<16xi32>
      %add3A_458 = arith.addi %iota3A, %add3A_457 : vector<16xi32>
      %lt3A_459 = vector.broadcast %squeeze3A_413 : i32 to vector<16xi32>
      %lt3A_460 = arith.cmpi slt, %add3A_458, %lt3A_459 : vector<16xi32>
      %jit3A_461 = arith.constant 1.000000e+00 : f32
      %broadcast_in_dim3A_462 = vector.broadcast %jit3A_461 : f32 to vector<16xf32>
      %select_n3A_463 = arith.select %lt3A_460, %broadcast_in_dim3A_462, %broadcast_in_dim3A_3 : vector<16xi1>, vector<16xf32>
      %swap3A_464 = arith.constant 3 : i32
      %swap3A_465 = arith.index_cast %swap3A_464 : i32 to index
      %swap3A_466 = arith.constant 34 : index
      %swap3A_467 = tpu.vector_load %arg5[%swap3A_465, %swap3A_466] {strides = array<i32>} : memref<16x50xf32, #tpu.memory_space<vmem>>, vector<1x16xf32>,
      %swap3A_468 = vector.shape_cast %swap3A_467 : vector<1x16xf32> to vector<16xf32>
      %swap3A_469 = vector.shape_cast %select_n3A_463 : vector<16xf32> to vector<1x16xf32>
      tpu.vector_store %arg5[%swap3A_465, %swap3A_466], %swap3A_469 {strides = array<i32>} : memref<16x50xf32, #tpu.memory_space<vmem>>, vector<1x16xf32>,
      %slice3A_470 = vector.extract_strided_slice %add3A_242 {offsets = [4], sizes = [1], strides = [1]} : vector<16xi32> to vector<1xi32>
      %squeeze3A_471 = vector.extract %slice3A_470[0] : i32 from vector<1xi32>
      %add3A_472 = arith.constant 0 : i32
      %add3A_473 = vector.broadcast %add3A_472 : i32 to vector<16xi32>
      %add3A_474 = arith.addi %iota3A, %add3A_473 : vector<16xi32>
      %lt3A_475 = vector.broadcast %squeeze3A_471 : i32 to vector<16xi32>
      %lt3A_476 = arith.cmpi slt, %add3A_474, %lt3A_475 : vector<16xi32>
      %jit3A_477 = arith.constant 1.000000e+00 : f32
      %broadcast_in_dim3A_478 = vector.broadcast %jit3A_477 : f32 to vector<16xf32>
      %select_n3A_479 = arith.select %lt3A_476, %broadcast_in_dim3A_478, %broadcast_in_dim3A_3 : vector<16xi1>, vector<16xf32>
      %swap3A_480 = arith.constant 4 : i32
      %swap3A_481 = arith.index_cast %swap3A_480 : i32 to index
      %swap3A_482 = arith.constant 0 : index
      %swap3A_483 = tpu.vector_load %arg5[%swap3A_481, %swap3A_482] {strides = array<i32>} : memref<16x50xf32, #tpu.memory_space<vmem>>, vector<1x16xf32>,
      %swap3A_484 = vector.shape_cast %swap3A_483 : vector<1x16xf32> to vector<16xf32>
      %swap3A_485 = vector.shape_cast %select_n3A_479 : vector<16xf32> to vector<1x16xf32>
      tpu.vector_store %arg5[%swap3A_481, %swap3A_482], %swap3A_485 {strides = array<i32>} : memref<16x50xf32, #tpu.memory_space<vmem>>, vector<1x16xf32>,
      %add3A_486 = arith.constant 16 : i32
      %add3A_487 = vector.broadcast %add3A_486 : i32 to vector<16xi32>
      %add3A_488 = arith.addi %iota3A, %add3A_487 : vector<16xi32>
      %lt3A_489 = vector.broadcast %squeeze3A_471 : i32 to vector<16xi32>
      %lt3A_490 = arith.cmpi slt, %add3A_488, %lt3A_489 : vector<16xi32>
      %jit3A_491 = arith.constant 1.000000e+00 : f32
      %broadcast_in_dim3A_492 = vector.broadcast %jit3A_491 : f32 to vector<16xf32>
      %select_n3A_493 = arith.select %lt3A_490, %broadcast_in_dim3A_492, %broadcast_in_dim3A_3 : vector<16xi1>, vector<16xf32>
      %swap3A_494 = arith.constant 4 : i32
      %swap3A_495 = arith.index_cast %swap3A_494 : i32 to index
      %swap3A_496 = arith.constant 16 : index
      %swap3A_497 = tpu.vector_load %arg5[%swap3A_495, %swap3A_496] {strides = array<i32>} : memref<16x50xf32, #tpu.memory_space<vmem>>, vector<1x16xf32>,
      %swap3A_498 = vector.shape_cast %swap3A_497 : vector<1x16xf32> to vector<16xf32>
      %swap3A_499 = vector.shape_cast %select_n3A_493 : vector<16xf32> to vector<1x16xf32>
      tpu.vector_store %arg5[%swap3A_495, %swap3A_496], %swap3A_499 {strides = array<i32>} : memref<16x50xf32, #tpu.memory_space<vmem>>, vector<1x16xf32>,
      %add3A_500 = arith.constant 32 : i32
      %add3A_501 = vector.broadcast %add3A_500 : i32 to vector<16xi32>
      %add3A_502 = arith.addi %iota3A, %add3A_501 : vector<16xi32>
      %lt3A_503 = vector.broadcast %squeeze3A_471 : i32 to vector<16xi32>
      %lt3A_504 = arith.cmpi slt, %add3A_502, %lt3A_503 : vector<16xi32>
      %jit3A_505 = arith.constant 1.000000e+00 : f32
      %broadcast_in_dim3A_506 = vector.broadcast %jit3A_505 : f32 to vector<16xf32>
      %select_n3A_507 = arith.select %lt3A_504, %broadcast_in_dim3A_506, %broadcast_in_dim3A_3 : vector<16xi1>, vector<16xf32>
      %swap3A_508 = arith.constant 4 : i32
      %swap3A_509 = arith.index_cast %swap3A_508 : i32 to index
      %swap3A_510 = arith.constant 32 : index
      %swap3A_511 = tpu.vector_load %arg5[%swap3A_509, %swap3A_510] {strides = array<i32>} : memref<16x50xf32, #tpu.memory_space<vmem>>, vector<1x16xf32>,
      %swap3A_512 = vector.shape_cast %swap3A_511 : vector<1x16xf32> to vector<16xf32>
      %swap3A_513 = vector.shape_cast %select_n3A_507 : vector<16xf32> to vector<1x16xf32>
      tpu.vector_store %arg5[%swap3A_509, %swap3A_510], %swap3A_513 {strides = array<i32>} : memref<16x50xf32, #tpu.memory_space<vmem>>, vector<1x16xf32>,
      %add3A_514 = arith.constant 34 : i32
      %add3A_515 = vector.broadcast %add3A_514 : i32 to vector<16xi32>
      %add3A_516 = arith.addi %iota3A, %add3A_515 : vector<16xi32>
      %lt3A_517 = vector.broadcast %squeeze3A_471 : i32 to vector<16xi32>
      %lt3A_518 = arith.cmpi slt, %add3A_516, %lt3A_517 : vector<16xi32>
      %jit3A_519 = arith.constant 1.000000e+00 : f32
      %broadcast_in_dim3A_520 = vector.broadcast %jit3A_519 : f32 to vector<16xf32>
      %select_n3A_521 = arith.select %lt3A_518, %broadcast_in_dim3A_520, %broadcast_in_dim3A_3 : vector<16xi1>, vector<16xf32>
      %swap3A_522 = arith.constant 4 : i32
      %swap3A_523 = arith.index_cast %swap3A_522 : i32 to index
      %swap3A_524 = arith.constant 34 : index
      %swap3A_525 = tpu.vector_load %arg5[%swap3A_523, %swap3A_524] {strides = array<i32>} : memref<16x50xf32, #tpu.memory_space<vmem>>, vector<1x16xf32>,
      %swap3A_526 = vector.shape_cast %swap3A_525 : vector<1x16xf32> to vector<16xf32>
      %swap3A_527 = vector.shape_cast %select_n3A_521 : vector<16xf32> to vector<1x16xf32>
      tpu.vector_store %arg5[%swap3A_523, %swap3A_524], %swap3A_527 {strides = array<i32>} : memref<16x50xf32, #tpu.memory_space<vmem>>, vector<1x16xf32>,
      %slice3A_528 = vector.extract_strided_slice %add3A_242 {offsets = [5], sizes = [1], strides = [1]} : vector<16xi32> to vector<1xi32>
      %squeeze3A_529 = vector.extract %slice3A_528[0] : i32 from vector<1xi32>
      %add3A_530 = arith.constant 0 : i32
      %add3A_531 = vector.broadcast %add3A_530 : i32 to vector<16xi32>
      %add3A_532 = arith.addi %iota3A, %add3A_531 : vector<16xi32>
      %lt3A_533 = vector.broadcast %squeeze3A_529 : i32 to vector<16xi32>
      %lt3A_534 = arith.cmpi slt, %add3A_532, %lt3A_533 : vector<16xi32>
      %jit3A_535 = arith.constant 1.000000e+00 : f32
      %broadcast_in_dim3A_536 = vector.broadcast %jit3A_535 : f32 to vector<16xf32>
      %select_n3A_537 = arith.select %lt3A_534, %broadcast_in_dim3A_536, %broadcast_in_dim3A_3 : vector<16xi1>, vector<16xf32>
      %swap3A_538 = arith.constant 5 : i32
      %swap3A_539 = arith.index_cast %swap3A_538 : i32 to index
      %swap3A_540 = arith.constant 0 : index
      %swap3A_541 = tpu.vector_load %arg5[%swap3A_539, %swap3A_540] {strides = array<i32>} : memref<16x50xf32, #tpu.memory_space<vmem>>, vector<1x16xf32>,
      %swap3A_542 = vector.shape_cast %swap3A_541 : vector<1x16xf32> to vector<16xf32>
      %swap3A_543 = vector.shape_cast %select_n3A_537 : vector<16xf32> to vector<1x16xf32>
      tpu.vector_store %arg5[%swap3A_539, %swap3A_540], %swap3A_543 {strides = array<i32>} : memref<16x50xf32, #tpu.memory_space<vmem>>, vector<1x16xf32>,
      %add3A_544 = arith.constant 16 : i32
      %add3A_545 = vector.broadcast %add3A_544 : i32 to vector<16xi32>
      %add3A_546 = arith.addi %iota3A, %add3A_545 : vector<16xi32>
      %lt3A_547 = vector.broadcast %squeeze3A_529 : i32 to vector<16xi32>
      %lt3A_548 = arith.cmpi slt, %add3A_546, %lt3A_547 : vector<16xi32>
      %jit3A_549 = arith.constant 1.000000e+00 : f32
      %broadcast_in_dim3A_550 = vector.broadcast %jit3A_549 : f32 to vector<16xf32>
      %select_n3A_551 = arith.select %lt3A_548, %broadcast_in_dim3A_550, %broadcast_in_dim3A_3 : vector<16xi1>, vector<16xf32>
      %swap3A_552 = arith.constant 5 : i32
      %swap3A_553 = arith.index_cast %swap3A_552 : i32 to index
      %swap3A_554 = arith.constant 16 : index
      %swap3A_555 = tpu.vector_load %arg5[%swap3A_553, %swap3A_554] {strides = array<i32>} : memref<16x50xf32, #tpu.memory_space<vmem>>, vector<1x16xf32>,
      %swap3A_556 = vector.shape_cast %swap3A_555 : vector<1x16xf32> to vector<16xf32>
      %swap3A_557 = vector.shape_cast %select_n3A_551 : vector<16xf32> to vector<1x16xf32>
      tpu.vector_store %arg5[%swap3A_553, %swap3A_554], %swap3A_557 {strides = array<i32>} : memref<16x50xf32, #tpu.memory_space<vmem>>, vector<1x16xf32>,
      %add3A_558 = arith.constant 32 : i32
      %add3A_559 = vector.broadcast %add3A_558 : i32 to vector<16xi32>
      %add3A_560 = arith.addi %iota3A, %add3A_559 : vector<16xi32>
      %lt3A_561 = vector.broadcast %squeeze3A_529 : i32 to vector<16xi32>
      %lt3A_562 = arith.cmpi slt, %add3A_560, %lt3A_561 : vector<16xi32>
      %jit3A_563 = arith.constant 1.000000e+00 : f32
      %broadcast_in_dim3A_564 = vector.broadcast %jit3A_563 : f32 to vector<16xf32>
      %select_n3A_565 = arith.select %lt3A_562, %broadcast_in_dim3A_564, %broadcast_in_dim3A_3 : vector<16xi1>, vector<16xf32>
      %swap3A_566 = arith.constant 5 : i32
      %swap3A_567 = arith.index_cast %swap3A_566 : i32 to index
      %swap3A_568 = arith.constant 32 : index
      %swap3A_569 = tpu.vector_load %arg5[%swap3A_567, %swap3A_568] {strides = array<i32>} : memref<16x50xf32, #tpu.memory_space<vmem>>, vector<1x16xf32>,
      %swap3A_570 = vector.shape_cast %swap3A_569 : vector<1x16xf32> to vector<16xf32>
      %swap3A_571 = vector.shape_cast %select_n3A_565 : vector<16xf32> to vector<1x16xf32>
      tpu.vector_store %arg5[%swap3A_567, %swap3A_568], %swap3A_571 {strides = array<i32>} : memref<16x50xf32, #tpu.memory_space<vmem>>, vector<1x16xf32>,
      %add3A_572 = arith.constant 34 : i32
      %add3A_573 = vector.broadcast %add3A_572 : i32 to vector<16xi32>
      %add3A_574 = arith.addi %iota3A, %add3A_573 : vector<16xi32>
      %lt3A_575 = vector.broadcast %squeeze3A_529 : i32 to vector<16xi32>
      %lt3A_576 = arith.cmpi slt, %add3A_574, %lt3A_575 : vector<16xi32>
      %jit3A_577 = arith.constant 1.000000e+00 : f32
      %broadcast_in_dim3A_578 = vector.broadcast %jit3A_577 : f32 to vector<16xf32>
      %select_n3A_579 = arith.select %lt3A_576, %broadcast_in_dim3A_578, %broadcast_in_dim3A_3 : vector<16xi1>, vector<16xf32>
      %swap3A_580 = arith.constant 5 : i32
      %swap3A_581 = arith.index_cast %swap3A_580 : i32 to index
      %swap3A_582 = arith.constant 34 : index
      %swap3A_583 = tpu.vector_load %arg5[%swap3A_581, %swap3A_582] {strides = array<i32>} : memref<16x50xf32, #tpu.memory_space<vmem>>, vector<1x16xf32>,
      %swap3A_584 = vector.shape_cast %swap3A_583 : vector<1x16xf32> to vector<16xf32>
      %swap3A_585 = vector.shape_cast %select_n3A_579 : vector<16xf32> to vector<1x16xf32>
      tpu.vector_store %arg5[%swap3A_581, %swap3A_582], %swap3A_585 {strides = array<i32>} : memref<16x50xf32, #tpu.memory_space<vmem>>, vector<1x16xf32>,
      %slice3A_586 = vector.extract_strided_slice %add3A_242 {offsets = [6], sizes = [1], strides = [1]} : vector<16xi32> to vector<1xi32>
      %squeeze3A_587 = vector.extract %slice3A_586[0] : i32 from vector<1xi32>
      %add3A_588 = arith.constant 0 : i32
      %add3A_589 = vector.broadcast %add3A_588 : i32 to vector<16xi32>
      %add3A_590 = arith.addi %iota3A, %add3A_589 : vector<16xi32>
      %lt3A_591 = vector.broadcast %squeeze3A_587 : i32 to vector<16xi32>
      %lt3A_592 = arith.cmpi slt, %add3A_590, %lt3A_591 : vector<16xi32>
      %jit3A_593 = arith.constant 1.000000e+00 : f32
      %broadcast_in_dim3A_594 = vector.broadcast %jit3A_593 : f32 to vector<16xf32>
      %select_n3A_595 = arith.select %lt3A_592, %broadcast_in_dim3A_594, %broadcast_in_dim3A_3 : vector<16xi1>, vector<16xf32>
      %swap3A_596 = arith.constant 6 : i32
      %swap3A_597 = arith.index_cast %swap3A_596 : i32 to index
      %swap3A_598 = arith.constant 0 : index
      %swap3A_599 = tpu.vector_load %arg5[%swap3A_597, %swap3A_598] {strides = array<i32>} : memref<16x50xf32, #tpu.memory_space<vmem>>, vector<1x16xf32>,
      %swap3A_600 = vector.shape_cast %swap3A_599 : vector<1x16xf32> to vector<16xf32>
      %swap3A_601 = vector.shape_cast %select_n3A_595 : vector<16xf32> to vector<1x16xf32>
      tpu.vector_store %arg5[%swap3A_597, %swap3A_598], %swap3A_601 {strides = array<i32>} : memref<16x50xf32, #tpu.memory_space<vmem>>, vector<1x16xf32>,
      %add3A_602 = arith.constant 16 : i32
      %add3A_603 = vector.broadcast %add3A_602 : i32 to vector<16xi32>
      %add3A_604 = arith.addi %iota3A, %add3A_603 : vector<16xi32>
      %lt3A_605 = vector.broadcast %squeeze3A_587 : i32 to vector<16xi32>
      %lt3A_606 = arith.cmpi slt, %add3A_604, %lt3A_605 : vector<16xi32>
      %jit3A_607 = arith.constant 1.000000e+00 : f32
      %broadcast_in_dim3A_608 = vector.broadcast %jit3A_607 : f32 to vector<16xf32>
      %select_n3A_609 = arith.select %lt3A_606, %broadcast_in_dim3A_608, %broadcast_in_dim3A_3 : vector<16xi1>, vector<16xf32>
      %swap3A_610 = arith.constant 6 : i32
      %swap3A_611 = arith.index_cast %swap3A_610 : i32 to index
      %swap3A_612 = arith.constant 16 : index
      %swap3A_613 = tpu.vector_load %arg5[%swap3A_611, %swap3A_612] {strides = array<i32>} : memref<16x50xf32, #tpu.memory_space<vmem>>, vector<1x16xf32>,
      %swap3A_614 = vector.shape_cast %swap3A_613 : vector<1x16xf32> to vector<16xf32>
      %swap3A_615 = vector.shape_cast %select_n3A_609 : vector<16xf32> to vector<1x16xf32>
      tpu.vector_store %arg5[%swap3A_611, %swap3A_612], %swap3A_615 {strides = array<i32>} : memref<16x50xf32, #tpu.memory_space<vmem>>, vector<1x16xf32>,
      %add3A_616 = arith.constant 32 : i32
      %add3A_617 = vector.broadcast %add3A_616 : i32 to vector<16xi32>
      %add3A_618 = arith.addi %iota3A, %add3A_617 : vector<16xi32>
      %lt3A_619 = vector.broadcast %squeeze3A_587 : i32 to vector<16xi32>
      %lt3A_620 = arith.cmpi slt, %add3A_618, %lt3A_619 : vector<16xi32>
      %jit3A_621 = arith.constant 1.000000e+00 : f32
      %broadcast_in_dim3A_622 = vector.broadcast %jit3A_621 : f32 to vector<16xf32>
      %select_n3A_623 = arith.select %lt3A_620, %broadcast_in_dim3A_622, %broadcast_in_dim3A_3 : vector<16xi1>, vector<16xf32>
      %swap3A_624 = arith.constant 6 : i32
      %swap3A_625 = arith.index_cast %swap3A_624 : i32 to index
      %swap3A_626 = arith.constant 32 : index
      %swap3A_627 = tpu.vector_load %arg5[%swap3A_625, %swap3A_626] {strides = array<i32>} : memref<16x50xf32, #tpu.memory_space<vmem>>, vector<1x16xf32>,
      %swap3A_628 = vector.shape_cast %swap3A_627 : vector<1x16xf32> to vector<16xf32>
      %swap3A_629 = vector.shape_cast %select_n3A_623 : vector<16xf32> to vector<1x16xf32>
      tpu.vector_store %arg5[%swap3A_625, %swap3A_626], %swap3A_629 {strides = array<i32>} : memref<16x50xf32, #tpu.memory_space<vmem>>, vector<1x16xf32>,
      %add3A_630 = arith.constant 34 : i32
      %add3A_631 = vector.broadcast %add3A_630 : i32 to vector<16xi32>
      %add3A_632 = arith.addi %iota3A, %add3A_631 : vector<16xi32>
      %lt3A_633 = vector.broadcast %squeeze3A_587 : i32 to vector<16xi32>
      %lt3A_634 = arith.cmpi slt, %add3A_632, %lt3A_633 : vector<16xi32>
      %jit3A_635 = arith.constant 1.000000e+00 : f32
      %broadcast_in_dim3A_636 = vector.broadcast %jit3A_635 : f32 to vector<16xf32>
      %select_n3A_637 = arith.select %lt3A_634, %broadcast_in_dim3A_636, %broadcast_in_dim3A_3 : vector<16xi1>, vector<16xf32>
      %swap3A_638 = arith.constant 6 : i32
      %swap3A_639 = arith.index_cast %swap3A_638 : i32 to index
      %swap3A_640 = arith.constant 34 : index
      %swap3A_641 = tpu.vector_load %arg5[%swap3A_639, %swap3A_640] {strides = array<i32>} : memref<16x50xf32, #tpu.memory_space<vmem>>, vector<1x16xf32>,
      %swap3A_642 = vector.shape_cast %swap3A_641 : vector<1x16xf32> to vector<16xf32>
      %swap3A_643 = vector.shape_cast %select_n3A_637 : vector<16xf32> to vector<1x16xf32>
      tpu.vector_store %arg5[%swap3A_639, %swap3A_640], %swap3A_643 {strides = array<i32>} : memref<16x50xf32, #tpu.memory_space<vmem>>, vector<1x16xf32>,
      %slice3A_644 = vector.extract_strided_slice %add3A_242 {offsets = [7], sizes = [1], strides = [1]} : vector<16xi32> to vector<1xi32>
      %squeeze3A_645 = vector.extract %slice3A_644[0] : i32 from vector<1xi32>
      %add3A_646 = arith.constant 0 : i32
      %add3A_647 = vector.broadcast %add3A_646 : i32 to vector<16xi32>
      %add3A_648 = arith.addi %iota3A, %add3A_647 : vector<16xi32>
      %lt3A_649 = vector.broadcast %squeeze3A_645 : i32 to vector<16xi32>
      %lt3A_650 = arith.cmpi slt, %add3A_648, %lt3A_649 : vector<16xi32>
      %jit3A_651 = arith.constant 1.000000e+00 : f32
      %broadcast_in_dim3A_652 = vector.broadcast %jit3A_651 : f32 to vector<16xf32>
      %select_n3A_653 = arith.select %lt3A_650, %broadcast_in_dim3A_652, %broadcast_in_dim3A_3 : vector<16xi1>, vector<16xf32>
      %swap3A_654 = arith.constant 7 : i32
      %swap3A_655 = arith.index_cast %swap3A_654 : i32 to index
      %swap3A_656 = arith.constant 0 : index
      %swap3A_657 = tpu.vector_load %arg5[%swap3A_655, %swap3A_656] {strides = array<i32>} : memref<16x50xf32, #tpu.memory_space<vmem>>, vector<1x16xf32>,
      %swap3A_658 = vector.shape_cast %swap3A_657 : vector<1x16xf32> to vector<16xf32>
      %swap3A_659 = vector.shape_cast %select_n3A_653 : vector<16xf32> to vector<1x16xf32>
      tpu.vector_store %arg5[%swap3A_655, %swap3A_656], %swap3A_659 {strides = array<i32>} : memref<16x50xf32, #tpu.memory_space<vmem>>, vector<1x16xf32>,
      %add3A_660 = arith.constant 16 : i32
      %add3A_661 = vector.broadcast %add3A_660 : i32 to vector<16xi32>
      %add3A_662 = arith.addi %iota3A, %add3A_661 : vector<16xi32>
      %lt3A_663 = vector.broadcast %squeeze3A_645 : i32 to vector<16xi32>
      %lt3A_664 = arith.cmpi slt, %add3A_662, %lt3A_663 : vector<16xi32>
      %jit3A_665 = arith.constant 1.000000e+00 : f32
      %broadcast_in_dim3A_666 = vector.broadcast %jit3A_665 : f32 to vector<16xf32>
      %select_n3A_667 = arith.select %lt3A_664, %broadcast_in_dim3A_666, %broadcast_in_dim3A_3 : vector<16xi1>, vector<16xf32>
      %swap3A_668 = arith.constant 7 : i32
      %swap3A_669 = arith.index_cast %swap3A_668 : i32 to index
      %swap3A_670 = arith.constant 16 : index
      %swap3A_671 = tpu.vector_load %arg5[%swap3A_669, %swap3A_670] {strides = array<i32>} : memref<16x50xf32, #tpu.memory_space<vmem>>, vector<1x16xf32>,
      %swap3A_672 = vector.shape_cast %swap3A_671 : vector<1x16xf32> to vector<16xf32>
      %swap3A_673 = vector.shape_cast %select_n3A_667 : vector<16xf32> to vector<1x16xf32>
      tpu.vector_store %arg5[%swap3A_669, %swap3A_670], %swap3A_673 {strides = array<i32>} : memref<16x50xf32, #tpu.memory_space<vmem>>, vector<1x16xf32>,
      %add3A_674 = arith.constant 32 : i32
      %add3A_675 = vector.broadcast %add3A_674 : i32 to vector<16xi32>
      %add3A_676 = arith.addi %iota3A, %add3A_675 : vector<16xi32>
      %lt3A_677 = vector.broadcast %squeeze3A_645 : i32 to vector<16xi32>
      %lt3A_678 = arith.cmpi slt, %add3A_676, %lt3A_677 : vector<16xi32>
      %jit3A_679 = arith.constant 1.000000e+00 : f32
      %broadcast_in_dim3A_680 = vector.broadcast %jit3A_679 : f32 to vector<16xf32>
      %select_n3A_681 = arith.select %lt3A_678, %broadcast_in_dim3A_680, %broadcast_in_dim3A_3 : vector<16xi1>, vector<16xf32>
      %swap3A_682 = arith.constant 7 : i32
      %swap3A_683 = arith.index_cast %swap3A_682 : i32 to index
      %swap3A_684 = arith.constant 32 : index
      %swap3A_685 = tpu.vector_load %arg5[%swap3A_683, %swap3A_684] {strides = array<i32>} : memref<16x50xf32, #tpu.memory_space<vmem>>, vector<1x16xf32>,
      %swap3A_686 = vector.shape_cast %swap3A_685 : vector<1x16xf32> to vector<16xf32>
      %swap3A_687 = vector.shape_cast %select_n3A_681 : vector<16xf32> to vector<1x16xf32>
      tpu.vector_store %arg5[%swap3A_683, %swap3A_684], %swap3A_687 {strides = array<i32>} : memref<16x50xf32, #tpu.memory_space<vmem>>, vector<1x16xf32>,
      %add3A_688 = arith.constant 34 : i32
      %add3A_689 = vector.broadcast %add3A_688 : i32 to vector<16xi32>
      %add3A_690 = arith.addi %iota3A, %add3A_689 : vector<16xi32>
      %lt3A_691 = vector.broadcast %squeeze3A_645 : i32 to vector<16xi32>
      %lt3A_692 = arith.cmpi slt, %add3A_690, %lt3A_691 : vector<16xi32>
      %jit3A_693 = arith.constant 1.000000e+00 : f32
      %broadcast_in_dim3A_694 = vector.broadcast %jit3A_693 : f32 to vector<16xf32>
      %select_n3A_695 = arith.select %lt3A_692, %broadcast_in_dim3A_694, %broadcast_in_dim3A_3 : vector<16xi1>, vector<16xf32>
      %swap3A_696 = arith.constant 7 : i32
      %swap3A_697 = arith.index_cast %swap3A_696 : i32 to index
      %swap3A_698 = arith.constant 34 : index
      %swap3A_699 = tpu.vector_load %arg5[%swap3A_697, %swap3A_698] {strides = array<i32>} : memref<16x50xf32, #tpu.memory_space<vmem>>, vector<1x16xf32>,
      %swap3A_700 = vector.shape_cast %swap3A_699 : vector<1x16xf32> to vector<16xf32>
      %swap3A_701 = vector.shape_cast %select_n3A_695 : vector<16xf32> to vector<1x16xf32>
      tpu.vector_store %arg5[%swap3A_697, %swap3A_698], %swap3A_701 {strides = array<i32>} : memref<16x50xf32, #tpu.memory_space<vmem>>, vector<1x16xf32>,
      %slice3A_702 = vector.extract_strided_slice %add3A_242 {offsets = [8], sizes = [1], strides = [1]} : vector<16xi32> to vector<1xi32>
      %squeeze3A_703 = vector.extract %slice3A_702[0] : i32 from vector<1xi32>
      %add3A_704 = arith.constant 0 : i32
      %add3A_705 = vector.broadcast %add3A_704 : i32 to vector<16xi32>
      %add3A_706 = arith.addi %iota3A, %add3A_705 : vector<16xi32>
      %lt3A_707 = vector.broadcast %squeeze3A_703 : i32 to vector<16xi32>
      %lt3A_708 = arith.cmpi slt, %add3A_706, %lt3A_707 : vector<16xi32>
      %jit3A_709 = arith.constant 1.000000e+00 : f32
      %broadcast_in_dim3A_710 = vector.broadcast %jit3A_709 : f32 to vector<16xf32>
      %select_n3A_711 = arith.select %lt3A_708, %broadcast_in_dim3A_710, %broadcast_in_dim3A_3 : vector<16xi1>, vector<16xf32>
      %swap3A_712 = arith.constant 8 : i32
      %swap3A_713 = arith.index_cast %swap3A_712 : i32 to index
      %swap3A_714 = arith.constant 0 : index
      %swap3A_715 = tpu.vector_load %arg5[%swap3A_713, %swap3A_714] {strides = array<i32>} : memref<16x50xf32, #tpu.memory_space<vmem>>, vector<1x16xf32>,
      %swap3A_716 = vector.shape_cast %swap3A_715 : vector<1x16xf32> to vector<16xf32>
      %swap3A_717 = vector.shape_cast %select_n3A_711 : vector<16xf32> to vector<1x16xf32>
      tpu.vector_store %arg5[%swap3A_713, %swap3A_714], %swap3A_717 {strides = array<i32>} : memref<16x50xf32, #tpu.memory_space<vmem>>, vector<1x16xf32>,
      %add3A_718 = arith.constant 16 : i32
      %add3A_719 = vector.broadcast %add3A_718 : i32 to vector<16xi32>
      %add3A_720 = arith.addi %iota3A, %add3A_719 : vector<16xi32>
      %lt3A_721 = vector.broadcast %squeeze3A_703 : i32 to vector<16xi32>
      %lt3A_722 = arith.cmpi slt, %add3A_720, %lt3A_721 : vector<16xi32>
      %jit3A_723 = arith.constant 1.000000e+00 : f32
      %broadcast_in_dim3A_724 = vector.broadcast %jit3A_723 : f32 to vector<16xf32>
      %select_n3A_725 = arith.select %lt3A_722, %broadcast_in_dim3A_724, %broadcast_in_dim3A_3 : vector<16xi1>, vector<16xf32>
      %swap3A_726 = arith.constant 8 : i32
      %swap3A_727 = arith.index_cast %swap3A_726 : i32 to index
      %swap3A_728 = arith.constant 16 : index
      %swap3A_729 = tpu.vector_load %arg5[%swap3A_727, %swap3A_728] {strides = array<i32>} : memref<16x50xf32, #tpu.memory_space<vmem>>, vector<1x16xf32>,
      %swap3A_730 = vector.shape_cast %swap3A_729 : vector<1x16xf32> to vector<16xf32>
      %swap3A_731 = vector.shape_cast %select_n3A_725 : vector<16xf32> to vector<1x16xf32>
      tpu.vector_store %arg5[%swap3A_727, %swap3A_728], %swap3A_731 {strides = array<i32>} : memref<16x50xf32, #tpu.memory_space<vmem>>, vector<1x16xf32>,
      %add3A_732 = arith.constant 32 : i32
      %add3A_733 = vector.broadcast %add3A_732 : i32 to vector<16xi32>
      %add3A_734 = arith.addi %iota3A, %add3A_733 : vector<16xi32>
      %lt3A_735 = vector.broadcast %squeeze3A_703 : i32 to vector<16xi32>
      %lt3A_736 = arith.cmpi slt, %add3A_734, %lt3A_735 : vector<16xi32>
      %jit3A_737 = arith.constant 1.000000e+00 : f32
      %broadcast_in_dim3A_738 = vector.broadcast %jit3A_737 : f32 to vector<16xf32>
      %select_n3A_739 = arith.select %lt3A_736, %broadcast_in_dim3A_738, %broadcast_in_dim3A_3 : vector<16xi1>, vector<16xf32>
      %swap3A_740 = arith.constant 8 : i32
      %swap3A_741 = arith.index_cast %swap3A_740 : i32 to index
      %swap3A_742 = arith.constant 32 : index
      %swap3A_743 = tpu.vector_load %arg5[%swap3A_741, %swap3A_742] {strides = array<i32>} : memref<16x50xf32, #tpu.memory_space<vmem>>, vector<1x16xf32>,
      %swap3A_744 = vector.shape_cast %swap3A_743 : vector<1x16xf32> to vector<16xf32>
      %swap3A_745 = vector.shape_cast %select_n3A_739 : vector<16xf32> to vector<1x16xf32>
      tpu.vector_store %arg5[%swap3A_741, %swap3A_742], %swap3A_745 {strides = array<i32>} : memref<16x50xf32, #tpu.memory_space<vmem>>, vector<1x16xf32>,
      %add3A_746 = arith.constant 34 : i32
      %add3A_747 = vector.broadcast %add3A_746 : i32 to vector<16xi32>
      %add3A_748 = arith.addi %iota3A, %add3A_747 : vector<16xi32>
      %lt3A_749 = vector.broadcast %squeeze3A_703 : i32 to vector<16xi32>
      %lt3A_750 = arith.cmpi slt, %add3A_748, %lt3A_749 : vector<16xi32>
      %jit3A_751 = arith.constant 1.000000e+00 : f32
      %broadcast_in_dim3A_752 = vector.broadcast %jit3A_751 : f32 to vector<16xf32>
      %select_n3A_753 = arith.select %lt3A_750, %broadcast_in_dim3A_752, %broadcast_in_dim3A_3 : vector<16xi1>, vector<16xf32>
      %swap3A_754 = arith.constant 8 : i32
      %swap3A_755 = arith.index_cast %swap3A_754 : i32 to index
      %swap3A_756 = arith.constant 34 : index
      %swap3A_757 = tpu.vector_load %arg5[%swap3A_755, %swap3A_756] {strides = array<i32>} : memref<16x50xf32, #tpu.memory_space<vmem>>, vector<1x16xf32>,
      %swap3A_758 = vector.shape_cast %swap3A_757 : vector<1x16xf32> to vector<16xf32>
      %swap3A_759 = vector.shape_cast %select_n3A_753 : vector<16xf32> to vector<1x16xf32>
      tpu.vector_store %arg5[%swap3A_755, %swap3A_756], %swap3A_759 {strides = array<i32>} : memref<16x50xf32, #tpu.memory_space<vmem>>, vector<1x16xf32>,
      %slice3A_760 = vector.extract_strided_slice %add3A_242 {offsets = [9], sizes = [1], strides = [1]} : vector<16xi32> to vector<1xi32>
      %squeeze3A_761 = vector.extract %slice3A_760[0] : i32 from vector<1xi32>
      %add3A_762 = arith.constant 0 : i32
      %add3A_763 = vector.broadcast %add3A_762 : i32 to vector<16xi32>
      %add3A_764 = arith.addi %iota3A, %add3A_763 : vector<16xi32>
      %lt3A_765 = vector.broadcast %squeeze3A_761 : i32 to vector<16xi32>
      %lt3A_766 = arith.cmpi slt, %add3A_764, %lt3A_765 : vector<16xi32>
      %jit3A_767 = arith.constant 1.000000e+00 : f32
      %broadcast_in_dim3A_768 = vector.broadcast %jit3A_767 : f32 to vector<16xf32>
      %select_n3A_769 = arith.select %lt3A_766, %broadcast_in_dim3A_768, %broadcast_in_dim3A_3 : vector<16xi1>, vector<16xf32>
      %swap3A_770 = arith.constant 9 : i32
      %swap3A_771 = arith.index_cast %swap3A_770 : i32 to index
      %swap3A_772 = arith.constant 0 : index
      %swap3A_773 = tpu.vector_load %arg5[%swap3A_771, %swap3A_772] {strides = array<i32>} : memref<16x50xf32, #tpu.memory_space<vmem>>, vector<1x16xf32>,
      %swap3A_774 = vector.shape_cast %swap3A_773 : vector<1x16xf32> to vector<16xf32>
      %swap3A_775 = vector.shape_cast %select_n3A_769 : vector<16xf32> to vector<1x16xf32>
      tpu.vector_store %arg5[%swap3A_771, %swap3A_772], %swap3A_775 {strides = array<i32>} : memref<16x50xf32, #tpu.memory_space<vmem>>, vector<1x16xf32>,
      %add3A_776 = arith.constant 16 : i32
      %add3A_777 = vector.broadcast %add3A_776 : i32 to vector<16xi32>
      %add3A_778 = arith.addi %iota3A, %add3A_777 : vector<16xi32>
      %lt3A_779 = vector.broadcast %squeeze3A_761 : i32 to vector<16xi32>
      %lt3A_780 = arith.cmpi slt, %add3A_778, %lt3A_779 : vector<16xi32>
      %jit3A_781 = arith.constant 1.000000e+00 : f32
      %broadcast_in_dim3A_782 = vector.broadcast %jit3A_781 : f32 to vector<16xf32>
      %select_n3A_783 = arith.select %lt3A_780, %broadcast_in_dim3A_782, %broadcast_in_dim3A_3 : vector<16xi1>, vector<16xf32>
      %swap3A_784 = arith.constant 9 : i32
      %swap3A_785 = arith.index_cast %swap3A_784 : i32 to index
      %swap3A_786 = arith.constant 16 : index
      %swap3A_787 = tpu.vector_load %arg5[%swap3A_785, %swap3A_786] {strides = array<i32>} : memref<16x50xf32, #tpu.memory_space<vmem>>, vector<1x16xf32>,
      %swap3A_788 = vector.shape_cast %swap3A_787 : vector<1x16xf32> to vector<16xf32>
      %swap3A_789 = vector.shape_cast %select_n3A_783 : vector<16xf32> to vector<1x16xf32>
      tpu.vector_store %arg5[%swap3A_785, %swap3A_786], %swap3A_789 {strides = array<i32>} : memref<16x50xf32, #tpu.memory_space<vmem>>, vector<1x16xf32>,
      %add3A_790 = arith.constant 32 : i32
      %add3A_791 = vector.broadcast %add3A_790 : i32 to vector<16xi32>
      %add3A_792 = arith.addi %iota3A, %add3A_791 : vector<16xi32>
      %lt3A_793 = vector.broadcast %squeeze3A_761 : i32 to vector<16xi32>
      %lt3A_794 = arith.cmpi slt, %add3A_792, %lt3A_793 : vector<16xi32>
      %jit3A_795 = arith.constant 1.000000e+00 : f32
      %broadcast_in_dim3A_796 = vector.broadcast %jit3A_795 : f32 to vector<16xf32>
      %select_n3A_797 = arith.select %lt3A_794, %broadcast_in_dim3A_796, %broadcast_in_dim3A_3 : vector<16xi1>, vector<16xf32>
      %swap3A_798 = arith.constant 9 : i32
      %swap3A_799 = arith.index_cast %swap3A_798 : i32 to index
      %swap3A_800 = arith.constant 32 : index
      %swap3A_801 = tpu.vector_load %arg5[%swap3A_799, %swap3A_800] {strides = array<i32>} : memref<16x50xf32, #tpu.memory_space<vmem>>, vector<1x16xf32>,
      %swap3A_802 = vector.shape_cast %swap3A_801 : vector<1x16xf32> to vector<16xf32>
      %swap3A_803 = vector.shape_cast %select_n3A_797 : vector<16xf32> to vector<1x16xf32>
      tpu.vector_store %arg5[%swap3A_799, %swap3A_800], %swap3A_803 {strides = array<i32>} : memref<16x50xf32, #tpu.memory_space<vmem>>, vector<1x16xf32>,
      %add3A_804 = arith.constant 34 : i32
      %add3A_805 = vector.broadcast %add3A_804 : i32 to vector<16xi32>
      %add3A_806 = arith.addi %iota3A, %add3A_805 : vector<16xi32>
      %lt3A_807 = vector.broadcast %squeeze3A_761 : i32 to vector<16xi32>
      %lt3A_808 = arith.cmpi slt, %add3A_806, %lt3A_807 : vector<16xi32>
      %jit3A_809 = arith.constant 1.000000e+00 : f32
      %broadcast_in_dim3A_810 = vector.broadcast %jit3A_809 : f32 to vector<16xf32>
      %select_n3A_811 = arith.select %lt3A_808, %broadcast_in_dim3A_810, %broadcast_in_dim3A_3 : vector<16xi1>, vector<16xf32>
      %swap3A_812 = arith.constant 9 : i32
      %swap3A_813 = arith.index_cast %swap3A_812 : i32 to index
      %swap3A_814 = arith.constant 34 : index
      %swap3A_815 = tpu.vector_load %arg5[%swap3A_813, %swap3A_814] {strides = array<i32>} : memref<16x50xf32, #tpu.memory_space<vmem>>, vector<1x16xf32>,
      %swap3A_816 = vector.shape_cast %swap3A_815 : vector<1x16xf32> to vector<16xf32>
      %swap3A_817 = vector.shape_cast %select_n3A_811 : vector<16xf32> to vector<1x16xf32>
      tpu.vector_store %arg5[%swap3A_813, %swap3A_814], %swap3A_817 {strides = array<i32>} : memref<16x50xf32, #tpu.memory_space<vmem>>, vector<1x16xf32>,
      %slice3A_818 = vector.extract_strided_slice %add3A_242 {offsets = [10], sizes = [1], strides = [1]} : vector<16xi32> to vector<1xi32>
      %squeeze3A_819 = vector.extract %slice3A_818[0] : i32 from vector<1xi32>
      %add3A_820 = arith.constant 0 : i32
      %add3A_821 = vector.broadcast %add3A_820 : i32 to vector<16xi32>
      %add3A_822 = arith.addi %iota3A, %add3A_821 : vector<16xi32>
      %lt3A_823 = vector.broadcast %squeeze3A_819 : i32 to vector<16xi32>
      %lt3A_824 = arith.cmpi slt, %add3A_822, %lt3A_823 : vector<16xi32>
      %jit3A_825 = arith.constant 1.000000e+00 : f32
      %broadcast_in_dim3A_826 = vector.broadcast %jit3A_825 : f32 to vector<16xf32>
      %select_n3A_827 = arith.select %lt3A_824, %broadcast_in_dim3A_826, %broadcast_in_dim3A_3 : vector<16xi1>, vector<16xf32>
      %swap3A_828 = arith.constant 10 : i32
      %swap3A_829 = arith.index_cast %swap3A_828 : i32 to index
      %swap3A_830 = arith.constant 0 : index
      %swap3A_831 = tpu.vector_load %arg5[%swap3A_829, %swap3A_830] {strides = array<i32>} : memref<16x50xf32, #tpu.memory_space<vmem>>, vector<1x16xf32>,
      %swap3A_832 = vector.shape_cast %swap3A_831 : vector<1x16xf32> to vector<16xf32>
      %swap3A_833 = vector.shape_cast %select_n3A_827 : vector<16xf32> to vector<1x16xf32>
      tpu.vector_store %arg5[%swap3A_829, %swap3A_830], %swap3A_833 {strides = array<i32>} : memref<16x50xf32, #tpu.memory_space<vmem>>, vector<1x16xf32>,
      %add3A_834 = arith.constant 16 : i32
      %add3A_835 = vector.broadcast %add3A_834 : i32 to vector<16xi32>
      %add3A_836 = arith.addi %iota3A, %add3A_835 : vector<16xi32>
      %lt3A_837 = vector.broadcast %squeeze3A_819 : i32 to vector<16xi32>
      %lt3A_838 = arith.cmpi slt, %add3A_836, %lt3A_837 : vector<16xi32>
      %jit3A_839 = arith.constant 1.000000e+00 : f32
      %broadcast_in_dim3A_840 = vector.broadcast %jit3A_839 : f32 to vector<16xf32>
      %select_n3A_841 = arith.select %lt3A_838, %broadcast_in_dim3A_840, %broadcast_in_dim3A_3 : vector<16xi1>, vector<16xf32>
      %swap3A_842 = arith.constant 10 : i32
      %swap3A_843 = arith.index_cast %swap3A_842 : i32 to index
      %swap3A_844 = arith.constant 16 : index
      %swap3A_845 = tpu.vector_load %arg5[%swap3A_843, %swap3A_844] {strides = array<i32>} : memref<16x50xf32, #tpu.memory_space<vmem>>, vector<1x16xf32>,
      %swap3A_846 = vector.shape_cast %swap3A_845 : vector<1x16xf32> to vector<16xf32>
      %swap3A_847 = vector.shape_cast %select_n3A_841 : vector<16xf32> to vector<1x16xf32>
      tpu.vector_store %arg5[%swap3A_843, %swap3A_844], %swap3A_847 {strides = array<i32>} : memref<16x50xf32, #tpu.memory_space<vmem>>, vector<1x16xf32>,
      %add3A_848 = arith.constant 32 : i32
      %add3A_849 = vector.broadcast %add3A_848 : i32 to vector<16xi32>
      %add3A_850 = arith.addi %iota3A, %add3A_849 : vector<16xi32>
      %lt3A_851 = vector.broadcast %squeeze3A_819 : i32 to vector<16xi32>
      %lt3A_852 = arith.cmpi slt, %add3A_850, %lt3A_851 : vector<16xi32>
      %jit3A_853 = arith.constant 1.000000e+00 : f32
      %broadcast_in_dim3A_854 = vector.broadcast %jit3A_853 : f32 to vector<16xf32>
      %select_n3A_855 = arith.select %lt3A_852, %broadcast_in_dim3A_854, %broadcast_in_dim3A_3 : vector<16xi1>, vector<16xf32>
      %swap3A_856 = arith.constant 10 : i32
      %swap3A_857 = arith.index_cast %swap3A_856 : i32 to index
      %swap3A_858 = arith.constant 32 : index
      %swap3A_859 = tpu.vector_load %arg5[%swap3A_857, %swap3A_858] {strides = array<i32>} : memref<16x50xf32, #tpu.memory_space<vmem>>, vector<1x16xf32>,
      %swap3A_860 = vector.shape_cast %swap3A_859 : vector<1x16xf32> to vector<16xf32>
      %swap3A_861 = vector.shape_cast %select_n3A_855 : vector<16xf32> to vector<1x16xf32>
      tpu.vector_store %arg5[%swap3A_857, %swap3A_858], %swap3A_861 {strides = array<i32>} : memref<16x50xf32, #tpu.memory_space<vmem>>, vector<1x16xf32>,
      %add3A_862 = arith.constant 34 : i32
      %add3A_863 = vector.broadcast %add3A_862 : i32 to vector<16xi32>
      %add3A_864 = arith.addi %iota3A, %add3A_863 : vector<16xi32>
      %lt3A_865 = vector.broadcast %squeeze3A_819 : i32 to vector<16xi32>
      %lt3A_866 = arith.cmpi slt, %add3A_864, %lt3A_865 : vector<16xi32>
      %jit3A_867 = arith.constant 1.000000e+00 : f32
      %broadcast_in_dim3A_868 = vector.broadcast %jit3A_867 : f32 to vector<16xf32>
      %select_n3A_869 = arith.select %lt3A_866, %broadcast_in_dim3A_868, %broadcast_in_dim3A_3 : vector<16xi1>, vector<16xf32>
      %swap3A_870 = arith.constant 10 : i32
      %swap3A_871 = arith.index_cast %swap3A_870 : i32 to index
      %swap3A_872 = arith.constant 34 : index
      %swap3A_873 = tpu.vector_load %arg5[%swap3A_871, %swap3A_872] {strides = array<i32>} : memref<16x50xf32, #tpu.memory_space<vmem>>, vector<1x16xf32>,
      %swap3A_874 = vector.shape_cast %swap3A_873 : vector<1x16xf32> to vector<16xf32>
      %swap3A_875 = vector.shape_cast %select_n3A_869 : vector<16xf32> to vector<1x16xf32>
      tpu.vector_store %arg5[%swap3A_871, %swap3A_872], %swap3A_875 {strides = array<i32>} : memref<16x50xf32, #tpu.memory_space<vmem>>, vector<1x16xf32>,
      %slice3A_876 = vector.extract_strided_slice %add3A_242 {offsets = [11], sizes = [1], strides = [1]} : vector<16xi32> to vector<1xi32>
      %squeeze3A_877 = vector.extract %slice3A_876[0] : i32 from vector<1xi32>
      %add3A_878 = arith.constant 0 : i32
      %add3A_879 = vector.broadcast %add3A_878 : i32 to vector<16xi32>
      %add3A_880 = arith.addi %iota3A, %add3A_879 : vector<16xi32>
      %lt3A_881 = vector.broadcast %squeeze3A_877 : i32 to vector<16xi32>
      %lt3A_882 = arith.cmpi slt, %add3A_880, %lt3A_881 : vector<16xi32>
      %jit3A_883 = arith.constant 1.000000e+00 : f32
      %broadcast_in_dim3A_884 = vector.broadcast %jit3A_883 : f32 to vector<16xf32>
      %select_n3A_885 = arith.select %lt3A_882, %broadcast_in_dim3A_884, %broadcast_in_dim3A_3 : vector<16xi1>, vector<16xf32>
      %swap3A_886 = arith.constant 11 : i32
      %swap3A_887 = arith.index_cast %swap3A_886 : i32 to index
      %swap3A_888 = arith.constant 0 : index
      %swap3A_889 = tpu.vector_load %arg5[%swap3A_887, %swap3A_888] {strides = array<i32>} : memref<16x50xf32, #tpu.memory_space<vmem>>, vector<1x16xf32>,
      %swap3A_890 = vector.shape_cast %swap3A_889 : vector<1x16xf32> to vector<16xf32>
      %swap3A_891 = vector.shape_cast %select_n3A_885 : vector<16xf32> to vector<1x16xf32>
      tpu.vector_store %arg5[%swap3A_887, %swap3A_888], %swap3A_891 {strides = array<i32>} : memref<16x50xf32, #tpu.memory_space<vmem>>, vector<1x16xf32>,
      %add3A_892 = arith.constant 16 : i32
      %add3A_893 = vector.broadcast %add3A_892 : i32 to vector<16xi32>
      %add3A_894 = arith.addi %iota3A, %add3A_893 : vector<16xi32>
      %lt3A_895 = vector.broadcast %squeeze3A_877 : i32 to vector<16xi32>
      %lt3A_896 = arith.cmpi slt, %add3A_894, %lt3A_895 : vector<16xi32>
      %jit3A_897 = arith.constant 1.000000e+00 : f32
      %broadcast_in_dim3A_898 = vector.broadcast %jit3A_897 : f32 to vector<16xf32>
      %select_n3A_899 = arith.select %lt3A_896, %broadcast_in_dim3A_898, %broadcast_in_dim3A_3 : vector<16xi1>, vector<16xf32>
      %swap3A_900 = arith.constant 11 : i32
      %swap3A_901 = arith.index_cast %swap3A_900 : i32 to index
      %swap3A_902 = arith.constant 16 : index
      %swap3A_903 = tpu.vector_load %arg5[%swap3A_901, %swap3A_902] {strides = array<i32>} : memref<16x50xf32, #tpu.memory_space<vmem>>, vector<1x16xf32>,
      %swap3A_904 = vector.shape_cast %swap3A_903 : vector<1x16xf32> to vector<16xf32>
      %swap3A_905 = vector.shape_cast %select_n3A_899 : vector<16xf32> to vector<1x16xf32>
      tpu.vector_store %arg5[%swap3A_901, %swap3A_902], %swap3A_905 {strides = array<i32>} : memref<16x50xf32, #tpu.memory_space<vmem>>, vector<1x16xf32>,
      %add3A_906 = arith.constant 32 : i32
      %add3A_907 = vector.broadcast %add3A_906 : i32 to vector<16xi32>
      %add3A_908 = arith.addi %iota3A, %add3A_907 : vector<16xi32>
      %lt3A_909 = vector.broadcast %squeeze3A_877 : i32 to vector<16xi32>
      %lt3A_910 = arith.cmpi slt, %add3A_908, %lt3A_909 : vector<16xi32>
      %jit3A_911 = arith.constant 1.000000e+00 : f32
      %broadcast_in_dim3A_912 = vector.broadcast %jit3A_911 : f32 to vector<16xf32>
      %select_n3A_913 = arith.select %lt3A_910, %broadcast_in_dim3A_912, %broadcast_in_dim3A_3 : vector<16xi1>, vector<16xf32>
      %swap3A_914 = arith.constant 11 : i32
      %swap3A_915 = arith.index_cast %swap3A_914 : i32 to index
      %swap3A_916 = arith.constant 32 : index
      %swap3A_917 = tpu.vector_load %arg5[%swap3A_915, %swap3A_916] {strides = array<i32>} : memref<16x50xf32, #tpu.memory_space<vmem>>, vector<1x16xf32>,
      %swap3A_918 = vector.shape_cast %swap3A_917 : vector<1x16xf32> to vector<16xf32>
      %swap3A_919 = vector.shape_cast %select_n3A_913 : vector<16xf32> to vector<1x16xf32>
      tpu.vector_store %arg5[%swap3A_915, %swap3A_916], %swap3A_919 {strides = array<i32>} : memref<16x50xf32, #tpu.memory_space<vmem>>, vector<1x16xf32>,
      %add3A_920 = arith.constant 34 : i32
      %add3A_921 = vector.broadcast %add3A_920 : i32 to vector<16xi32>
      %add3A_922 = arith.addi %iota3A, %add3A_921 : vector<16xi32>
      %lt3A_923 = vector.broadcast %squeeze3A_877 : i32 to vector<16xi32>
      %lt3A_924 = arith.cmpi slt, %add3A_922, %lt3A_923 : vector<16xi32>
      %jit3A_925 = arith.constant 1.000000e+00 : f32
      %broadcast_in_dim3A_926 = vector.broadcast %jit3A_925 : f32 to vector<16xf32>
      %select_n3A_927 = arith.select %lt3A_924, %broadcast_in_dim3A_926, %broadcast_in_dim3A_3 : vector<16xi1>, vector<16xf32>
      %swap3A_928 = arith.constant 11 : i32
      %swap3A_929 = arith.index_cast %swap3A_928 : i32 to index
      %swap3A_930 = arith.constant 34 : index
      %swap3A_931 = tpu.vector_load %arg5[%swap3A_929, %swap3A_930] {strides = array<i32>} : memref<16x50xf32, #tpu.memory_space<vmem>>, vector<1x16xf32>,
      %swap3A_932 = vector.shape_cast %swap3A_931 : vector<1x16xf32> to vector<16xf32>
      %swap3A_933 = vector.shape_cast %select_n3A_927 : vector<16xf32> to vector<1x16xf32>
      tpu.vector_store %arg5[%swap3A_929, %swap3A_930], %swap3A_933 {strides = array<i32>} : memref<16x50xf32, #tpu.memory_space<vmem>>, vector<1x16xf32>,
      %slice3A_934 = vector.extract_strided_slice %add3A_242 {offsets = [12], sizes = [1], strides = [1]} : vector<16xi32> to vector<1xi32>
      %squeeze3A_935 = vector.extract %slice3A_934[0] : i32 from vector<1xi32>
      %add3A_936 = arith.constant 0 : i32
      %add3A_937 = vector.broadcast %add3A_936 : i32 to vector<16xi32>
      %add3A_938 = arith.addi %iota3A, %add3A_937 : vector<16xi32>
      %lt3A_939 = vector.broadcast %squeeze3A_935 : i32 to vector<16xi32>
      %lt3A_940 = arith.cmpi slt, %add3A_938, %lt3A_939 : vector<16xi32>
      %jit3A_941 = arith.constant 1.000000e+00 : f32
      %broadcast_in_dim3A_942 = vector.broadcast %jit3A_941 : f32 to vector<16xf32>
      %select_n3A_943 = arith.select %lt3A_940, %broadcast_in_dim3A_942, %broadcast_in_dim3A_3 : vector<16xi1>, vector<16xf32>
      %swap3A_944 = arith.constant 12 : i32
      %swap3A_945 = arith.index_cast %swap3A_944 : i32 to index
      %swap3A_946 = arith.constant 0 : index
      %swap3A_947 = tpu.vector_load %arg5[%swap3A_945, %swap3A_946] {strides = array<i32>} : memref<16x50xf32, #tpu.memory_space<vmem>>, vector<1x16xf32>,
      %swap3A_948 = vector.shape_cast %swap3A_947 : vector<1x16xf32> to vector<16xf32>
      %swap3A_949 = vector.shape_cast %select_n3A_943 : vector<16xf32> to vector<1x16xf32>
      tpu.vector_store %arg5[%swap3A_945, %swap3A_946], %swap3A_949 {strides = array<i32>} : memref<16x50xf32, #tpu.memory_space<vmem>>, vector<1x16xf32>,
      %add3A_950 = arith.constant 16 : i32
      %add3A_951 = vector.broadcast %add3A_950 : i32 to vector<16xi32>
      %add3A_952 = arith.addi %iota3A, %add3A_951 : vector<16xi32>
      %lt3A_953 = vector.broadcast %squeeze3A_935 : i32 to vector<16xi32>
      %lt3A_954 = arith.cmpi slt, %add3A_952, %lt3A_953 : vector<16xi32>
      %jit3A_955 = arith.constant 1.000000e+00 : f32
      %broadcast_in_dim3A_956 = vector.broadcast %jit3A_955 : f32 to vector<16xf32>
      %select_n3A_957 = arith.select %lt3A_954, %broadcast_in_dim3A_956, %broadcast_in_dim3A_3 : vector<16xi1>, vector<16xf32>
      %swap3A_958 = arith.constant 12 : i32
      %swap3A_959 = arith.index_cast %swap3A_958 : i32 to index
      %swap3A_960 = arith.constant 16 : index
      %swap3A_961 = tpu.vector_load %arg5[%swap3A_959, %swap3A_960] {strides = array<i32>} : memref<16x50xf32, #tpu.memory_space<vmem>>, vector<1x16xf32>,
      %swap3A_962 = vector.shape_cast %swap3A_961 : vector<1x16xf32> to vector<16xf32>
      %swap3A_963 = vector.shape_cast %select_n3A_957 : vector<16xf32> to vector<1x16xf32>
      tpu.vector_store %arg5[%swap3A_959, %swap3A_960], %swap3A_963 {strides = array<i32>} : memref<16x50xf32, #tpu.memory_space<vmem>>, vector<1x16xf32>,
      %add3A_964 = arith.constant 32 : i32
      %add3A_965 = vector.broadcast %add3A_964 : i32 to vector<16xi32>
      %add3A_966 = arith.addi %iota3A, %add3A_965 : vector<16xi32>
      %lt3A_967 = vector.broadcast %squeeze3A_935 : i32 to vector<16xi32>
      %lt3A_968 = arith.cmpi slt, %add3A_966, %lt3A_967 : vector<16xi32>
      %jit3A_969 = arith.constant 1.000000e+00 : f32
      %broadcast_in_dim3A_970 = vector.broadcast %jit3A_969 : f32 to vector<16xf32>
      %select_n3A_971 = arith.select %lt3A_968, %broadcast_in_dim3A_970, %broadcast_in_dim3A_3 : vector<16xi1>, vector<16xf32>
      %swap3A_972 = arith.constant 12 : i32
      %swap3A_973 = arith.index_cast %swap3A_972 : i32 to index
      %swap3A_974 = arith.constant 32 : index
      %swap3A_975 = tpu.vector_load %arg5[%swap3A_973, %swap3A_974] {strides = array<i32>} : memref<16x50xf32, #tpu.memory_space<vmem>>, vector<1x16xf32>,
      %swap3A_976 = vector.shape_cast %swap3A_975 : vector<1x16xf32> to vector<16xf32>
      %swap3A_977 = vector.shape_cast %select_n3A_971 : vector<16xf32> to vector<1x16xf32>
      tpu.vector_store %arg5[%swap3A_973, %swap3A_974], %swap3A_977 {strides = array<i32>} : memref<16x50xf32, #tpu.memory_space<vmem>>, vector<1x16xf32>,
      %add3A_978 = arith.constant 34 : i32
      %add3A_979 = vector.broadcast %add3A_978 : i32 to vector<16xi32>
      %add3A_980 = arith.addi %iota3A, %add3A_979 : vector<16xi32>
      %lt3A_981 = vector.broadcast %squeeze3A_935 : i32 to vector<16xi32>
      %lt3A_982 = arith.cmpi slt, %add3A_980, %lt3A_981 : vector<16xi32>
      %jit3A_983 = arith.constant 1.000000e+00 : f32
      %broadcast_in_dim3A_984 = vector.broadcast %jit3A_983 : f32 to vector<16xf32>
      %select_n3A_985 = arith.select %lt3A_982, %broadcast_in_dim3A_984, %broadcast_in_dim3A_3 : vector<16xi1>, vector<16xf32>
      %swap3A_986 = arith.constant 12 : i32
      %swap3A_987 = arith.index_cast %swap3A_986 : i32 to index
      %swap3A_988 = arith.constant 34 : index
      %swap3A_989 = tpu.vector_load %arg5[%swap3A_987, %swap3A_988] {strides = array<i32>} : memref<16x50xf32, #tpu.memory_space<vmem>>, vector<1x16xf32>,
      %swap3A_990 = vector.shape_cast %swap3A_989 : vector<1x16xf32> to vector<16xf32>
      %swap3A_991 = vector.shape_cast %select_n3A_985 : vector<16xf32> to vector<1x16xf32>
      tpu.vector_store %arg5[%swap3A_987, %swap3A_988], %swap3A_991 {strides = array<i32>} : memref<16x50xf32, #tpu.memory_space<vmem>>, vector<1x16xf32>,
      %slice3A_992 = vector.extract_strided_slice %add3A_242 {offsets = [13], sizes = [1], strides = [1]} : vector<16xi32> to vector<1xi32>
      %squeeze3A_993 = vector.extract %slice3A_992[0] : i32 from vector<1xi32>
      %add3A_994 = arith.constant 0 : i32
      %add3A_995 = vector.broadcast %add3A_994 : i32 to vector<16xi32>
      %add3A_996 = arith.addi %iota3A, %add3A_995 : vector<16xi32>
      %lt3A_997 = vector.broadcast %squeeze3A_993 : i32 to vector<16xi32>
      %lt3A_998 = arith.cmpi slt, %add3A_996, %lt3A_997 : vector<16xi32>
      %jit3A_999 = arith.constant 1.000000e+00 : f32
      %broadcast_in_dim3A_1000 = vector.broadcast %jit3A_999 : f32 to vector<16xf32>
      %select_n3A_1001 = arith.select %lt3A_998, %broadcast_in_dim3A_1000, %broadcast_in_dim3A_3 : vector<16xi1>, vector<16xf32>
      %swap3A_1002 = arith.constant 13 : i32
      %swap3A_1003 = arith.index_cast %swap3A_1002 : i32 to index
      %swap3A_1004 = arith.constant 0 : index
      %swap3A_1005 = tpu.vector_load %arg5[%swap3A_1003, %swap3A_1004] {strides = array<i32>} : memref<16x50xf32, #tpu.memory_space<vmem>>, vector<1x16xf32>,
      %swap3A_1006 = vector.shape_cast %swap3A_1005 : vector<1x16xf32> to vector<16xf32>
      %swap3A_1007 = vector.shape_cast %select_n3A_1001 : vector<16xf32> to vector<1x16xf32>
      tpu.vector_store %arg5[%swap3A_1003, %swap3A_1004], %swap3A_1007 {strides = array<i32>} : memref<16x50xf32, #tpu.memory_space<vmem>>, vector<1x16xf32>,
      %add3A_1008 = arith.constant 16 : i32
      %add3A_1009 = vector.broadcast %add3A_1008 : i32 to vector<16xi32>
      %add3A_1010 = arith.addi %iota3A, %add3A_1009 : vector<16xi32>
      %lt3A_1011 = vector.broadcast %squeeze3A_993 : i32 to vector<16xi32>
      %lt3A_1012 = arith.cmpi slt, %add3A_1010, %lt3A_1011 : vector<16xi32>
      %jit3A_1013 = arith.constant 1.000000e+00 : f32
      %broadcast_in_dim3A_1014 = vector.broadcast %jit3A_1013 : f32 to vector<16xf32>
      %select_n3A_1015 = arith.select %lt3A_1012, %broadcast_in_dim3A_1014, %broadcast_in_dim3A_3 : vector<16xi1>, vector<16xf32>
      %swap3A_1016 = arith.constant 13 : i32
      %swap3A_1017 = arith.index_cast %swap3A_1016 : i32 to index
      %swap3A_1018 = arith.constant 16 : index
      %swap3A_1019 = tpu.vector_load %arg5[%swap3A_1017, %swap3A_1018] {strides = array<i32>} : memref<16x50xf32, #tpu.memory_space<vmem>>, vector<1x16xf32>,
      %swap3A_1020 = vector.shape_cast %swap3A_1019 : vector<1x16xf32> to vector<16xf32>
      %swap3A_1021 = vector.shape_cast %select_n3A_1015 : vector<16xf32> to vector<1x16xf32>
      tpu.vector_store %arg5[%swap3A_1017, %swap3A_1018], %swap3A_1021 {strides = array<i32>} : memref<16x50xf32, #tpu.memory_space<vmem>>, vector<1x16xf32>,
      %add3A_1022 = arith.constant 32 : i32
      %add3A_1023 = vector.broadcast %add3A_1022 : i32 to vector<16xi32>
      %add3A_1024 = arith.addi %iota3A, %add3A_1023 : vector<16xi32>
      %lt3A_1025 = vector.broadcast %squeeze3A_993 : i32 to vector<16xi32>
      %lt3A_1026 = arith.cmpi slt, %add3A_1024, %lt3A_1025 : vector<16xi32>
      %jit3A_1027 = arith.constant 1.000000e+00 : f32
      %broadcast_in_dim3A_1028 = vector.broadcast %jit3A_1027 : f32 to vector<16xf32>
      %select_n3A_1029 = arith.select %lt3A_1026, %broadcast_in_dim3A_1028, %broadcast_in_dim3A_3 : vector<16xi1>, vector<16xf32>
      %swap3A_1030 = arith.constant 13 : i32
      %swap3A_1031 = arith.index_cast %swap3A_1030 : i32 to index
      %swap3A_1032 = arith.constant 32 : index
      %swap3A_1033 = tpu.vector_load %arg5[%swap3A_1031, %swap3A_1032] {strides = array<i32>} : memref<16x50xf32, #tpu.memory_space<vmem>>, vector<1x16xf32>,
      %swap3A_1034 = vector.shape_cast %swap3A_1033 : vector<1x16xf32> to vector<16xf32>
      %swap3A_1035 = vector.shape_cast %select_n3A_1029 : vector<16xf32> to vector<1x16xf32>
      tpu.vector_store %arg5[%swap3A_1031, %swap3A_1032], %swap3A_1035 {strides = array<i32>} : memref<16x50xf32, #tpu.memory_space<vmem>>, vector<1x16xf32>,
      %add3A_1036 = arith.constant 34 : i32
      %add3A_1037 = vector.broadcast %add3A_1036 : i32 to vector<16xi32>
      %add3A_1038 = arith.addi %iota3A, %add3A_1037 : vector<16xi32>
      %lt3A_1039 = vector.broadcast %squeeze3A_993 : i32 to vector<16xi32>
      %lt3A_1040 = arith.cmpi slt, %add3A_1038, %lt3A_1039 : vector<16xi32>
      %jit3A_1041 = arith.constant 1.000000e+00 : f32
      %broadcast_in_dim3A_1042 = vector.broadcast %jit3A_1041 : f32 to vector<16xf32>
      %select_n3A_1043 = arith.select %lt3A_1040, %broadcast_in_dim3A_1042, %broadcast_in_dim3A_3 : vector<16xi1>, vector<16xf32>
      %swap3A_1044 = arith.constant 13 : i32
      %swap3A_1045 = arith.index_cast %swap3A_1044 : i32 to index
      %swap3A_1046 = arith.constant 34 : index
      %swap3A_1047 = tpu.vector_load %arg5[%swap3A_1045, %swap3A_1046] {strides = array<i32>} : memref<16x50xf32, #tpu.memory_space<vmem>>, vector<1x16xf32>,
      %swap3A_1048 = vector.shape_cast %swap3A_1047 : vector<1x16xf32> to vector<16xf32>
      %swap3A_1049 = vector.shape_cast %select_n3A_1043 : vector<16xf32> to vector<1x16xf32>
      tpu.vector_store %arg5[%swap3A_1045, %swap3A_1046], %swap3A_1049 {strides = array<i32>} : memref<16x50xf32, #tpu.memory_space<vmem>>, vector<1x16xf32>,
      %slice3A_1050 = vector.extract_strided_slice %add3A_242 {offsets = [14], sizes = [1], strides = [1]} : vector<16xi32> to vector<1xi32>
      %squeeze3A_1051 = vector.extract %slice3A_1050[0] : i32 from vector<1xi32>
      %add3A_1052 = arith.constant 0 : i32
      %add3A_1053 = vector.broadcast %add3A_1052 : i32 to vector<16xi32>
      %add3A_1054 = arith.addi %iota3A, %add3A_1053 : vector<16xi32>
      %lt3A_1055 = vector.broadcast %squeeze3A_1051 : i32 to vector<16xi32>
      %lt3A_1056 = arith.cmpi slt, %add3A_1054, %lt3A_1055 : vector<16xi32>
      %jit3A_1057 = arith.constant 1.000000e+00 : f32
      %broadcast_in_dim3A_1058 = vector.broadcast %jit3A_1057 : f32 to vector<16xf32>
      %select_n3A_1059 = arith.select %lt3A_1056, %broadcast_in_dim3A_1058, %broadcast_in_dim3A_3 : vector<16xi1>, vector<16xf32>
      %swap3A_1060 = arith.constant 14 : i32
      %swap3A_1061 = arith.index_cast %swap3A_1060 : i32 to index
      %swap3A_1062 = arith.constant 0 : index
      %swap3A_1063 = tpu.vector_load %arg5[%swap3A_1061, %swap3A_1062] {strides = array<i32>} : memref<16x50xf32, #tpu.memory_space<vmem>>, vector<1x16xf32>,
      %swap3A_1064 = vector.shape_cast %swap3A_1063 : vector<1x16xf32> to vector<16xf32>
      %swap3A_1065 = vector.shape_cast %select_n3A_1059 : vector<16xf32> to vector<1x16xf32>
      tpu.vector_store %arg5[%swap3A_1061, %swap3A_1062], %swap3A_1065 {strides = array<i32>} : memref<16x50xf32, #tpu.memory_space<vmem>>, vector<1x16xf32>,
      %add3A_1066 = arith.constant 16 : i32
      %add3A_1067 = vector.broadcast %add3A_1066 : i32 to vector<16xi32>
      %add3A_1068 = arith.addi %iota3A, %add3A_1067 : vector<16xi32>
      %lt3A_1069 = vector.broadcast %squeeze3A_1051 : i32 to vector<16xi32>
      %lt3A_1070 = arith.cmpi slt, %add3A_1068, %lt3A_1069 : vector<16xi32>
      %jit3A_1071 = arith.constant 1.000000e+00 : f32
      %broadcast_in_dim3A_1072 = vector.broadcast %jit3A_1071 : f32 to vector<16xf32>
      %select_n3A_1073 = arith.select %lt3A_1070, %broadcast_in_dim3A_1072, %broadcast_in_dim3A_3 : vector<16xi1>, vector<16xf32>
      %swap3A_1074 = arith.constant 14 : i32
      %swap3A_1075 = arith.index_cast %swap3A_1074 : i32 to index
      %swap3A_1076 = arith.constant 16 : index
      %swap3A_1077 = tpu.vector_load %arg5[%swap3A_1075, %swap3A_1076] {strides = array<i32>} : memref<16x50xf32, #tpu.memory_space<vmem>>, vector<1x16xf32>,
      %swap3A_1078 = vector.shape_cast %swap3A_1077 : vector<1x16xf32> to vector<16xf32>
      %swap3A_1079 = vector.shape_cast %select_n3A_1073 : vector<16xf32> to vector<1x16xf32>
      tpu.vector_store %arg5[%swap3A_1075, %swap3A_1076], %swap3A_1079 {strides = array<i32>} : memref<16x50xf32, #tpu.memory_space<vmem>>, vector<1x16xf32>,
      %add3A_1080 = arith.constant 32 : i32
      %add3A_1081 = vector.broadcast %add3A_1080 : i32 to vector<16xi32>
      %add3A_1082 = arith.addi %iota3A, %add3A_1081 : vector<16xi32>
      %lt3A_1083 = vector.broadcast %squeeze3A_1051 : i32 to vector<16xi32>
      %lt3A_1084 = arith.cmpi slt, %add3A_1082, %lt3A_1083 : vector<16xi32>
      %jit3A_1085 = arith.constant 1.000000e+00 : f32
      %broadcast_in_dim3A_1086 = vector.broadcast %jit3A_1085 : f32 to vector<16xf32>
      %select_n3A_1087 = arith.select %lt3A_1084, %broadcast_in_dim3A_1086, %broadcast_in_dim3A_3 : vector<16xi1>, vector<16xf32>
      %swap3A_1088 = arith.constant 14 : i32
      %swap3A_1089 = arith.index_cast %swap3A_1088 : i32 to index
      %swap3A_1090 = arith.constant 32 : index
      %swap3A_1091 = tpu.vector_load %arg5[%swap3A_1089, %swap3A_1090] {strides = array<i32>} : memref<16x50xf32, #tpu.memory_space<vmem>>, vector<1x16xf32>,
      %swap3A_1092 = vector.shape_cast %swap3A_1091 : vector<1x16xf32> to vector<16xf32>
      %swap3A_1093 = vector.shape_cast %select_n3A_1087 : vector<16xf32> to vector<1x16xf32>
      tpu.vector_store %arg5[%swap3A_1089, %swap3A_1090], %swap3A_1093 {strides = array<i32>} : memref<16x50xf32, #tpu.memory_space<vmem>>, vector<1x16xf32>,
      %add3A_1094 = arith.constant 34 : i32
      %add3A_1095 = vector.broadcast %add3A_1094 : i32 to vector<16xi32>
      %add3A_1096 = arith.addi %iota3A, %add3A_1095 : vector<16xi32>
      %lt3A_1097 = vector.broadcast %squeeze3A_1051 : i32 to vector<16xi32>
      %lt3A_1098 = arith.cmpi slt, %add3A_1096, %lt3A_1097 : vector<16xi32>
      %jit3A_1099 = arith.constant 1.000000e+00 : f32
      %broadcast_in_dim3A_1100 = vector.broadcast %jit3A_1099 : f32 to vector<16xf32>
      %select_n3A_1101 = arith.select %lt3A_1098, %broadcast_in_dim3A_1100, %broadcast_in_dim3A_3 : vector<16xi1>, vector<16xf32>
      %swap3A_1102 = arith.constant 14 : i32
      %swap3A_1103 = arith.index_cast %swap3A_1102 : i32 to index
      %swap3A_1104 = arith.constant 34 : index
      %swap3A_1105 = tpu.vector_load %arg5[%swap3A_1103, %swap3A_1104] {strides = array<i32>} : memref<16x50xf32, #tpu.memory_space<vmem>>, vector<1x16xf32>,
      %swap3A_1106 = vector.shape_cast %swap3A_1105 : vector<1x16xf32> to vector<16xf32>
      %swap3A_1107 = vector.shape_cast %select_n3A_1101 : vector<16xf32> to vector<1x16xf32>
      tpu.vector_store %arg5[%swap3A_1103, %swap3A_1104], %swap3A_1107 {strides = array<i32>} : memref<16x50xf32, #tpu.memory_space<vmem>>, vector<1x16xf32>,
      %slice3A_1108 = vector.extract_strided_slice %add3A_242 {offsets = [15], sizes = [1], strides = [1]} : vector<16xi32> to vector<1xi32>
      %squeeze3A_1109 = vector.extract %slice3A_1108[0] : i32 from vector<1xi32>
      %add3A_1110 = arith.constant 0 : i32
      %add3A_1111 = vector.broadcast %add3A_1110 : i32 to vector<16xi32>
      %add3A_1112 = arith.addi %iota3A, %add3A_1111 : vector<16xi32>
      %lt3A_1113 = vector.broadcast %squeeze3A_1109 : i32 to vector<16xi32>
      %lt3A_1114 = arith.cmpi slt, %add3A_1112, %lt3A_1113 : vector<16xi32>
      %jit3A_1115 = arith.constant 1.000000e+00 : f32
      %broadcast_in_dim3A_1116 = vector.broadcast %jit3A_1115 : f32 to vector<16xf32>
      %select_n3A_1117 = arith.select %lt3A_1114, %broadcast_in_dim3A_1116, %broadcast_in_dim3A_3 : vector<16xi1>, vector<16xf32>
      %swap3A_1118 = arith.constant 15 : i32
      %swap3A_1119 = arith.index_cast %swap3A_1118 : i32 to index
      %swap3A_1120 = arith.constant 0 : index
      %swap3A_1121 = tpu.vector_load %arg5[%swap3A_1119, %swap3A_1120] {strides = array<i32>} : memref<16x50xf32, #tpu.memory_space<vmem>>, vector<1x16xf32>,
      %swap3A_1122 = vector.shape_cast %swap3A_1121 : vector<1x16xf32> to vector<16xf32>
      %swap3A_1123 = vector.shape_cast %select_n3A_1117 : vector<16xf32> to vector<1x16xf32>
      tpu.vector_store %arg5[%swap3A_1119, %swap3A_1120], %swap3A_1123 {strides = array<i32>} : memref<16x50xf32, #tpu.memory_space<vmem>>, vector<1x16xf32>,
      %add3A_1124 = arith.constant 16 : i32
      %add3A_1125 = vector.broadcast %add3A_1124 : i32 to vector<16xi32>
      %add3A_1126 = arith.addi %iota3A, %add3A_1125 : vector<16xi32>
      %lt3A_1127 = vector.broadcast %squeeze3A_1109 : i32 to vector<16xi32>
      %lt3A_1128 = arith.cmpi slt, %add3A_1126, %lt3A_1127 : vector<16xi32>
      %jit3A_1129 = arith.constant 1.000000e+00 : f32
      %broadcast_in_dim3A_1130 = vector.broadcast %jit3A_1129 : f32 to vector<16xf32>
      %select_n3A_1131 = arith.select %lt3A_1128, %broadcast_in_dim3A_1130, %broadcast_in_dim3A_3 : vector<16xi1>, vector<16xf32>
      %swap3A_1132 = arith.constant 15 : i32
      %swap3A_1133 = arith.index_cast %swap3A_1132 : i32 to index
      %swap3A_1134 = arith.constant 16 : index
      %swap3A_1135 = tpu.vector_load %arg5[%swap3A_1133, %swap3A_1134] {strides = array<i32>} : memref<16x50xf32, #tpu.memory_space<vmem>>, vector<1x16xf32>,
      %swap3A_1136 = vector.shape_cast %swap3A_1135 : vector<1x16xf32> to vector<16xf32>
      %swap3A_1137 = vector.shape_cast %select_n3A_1131 : vector<16xf32> to vector<1x16xf32>
      tpu.vector_store %arg5[%swap3A_1133, %swap3A_1134], %swap3A_1137 {strides = array<i32>} : memref<16x50xf32, #tpu.memory_space<vmem>>, vector<1x16xf32>,
      %add3A_1138 = arith.constant 32 : i32
      %add3A_1139 = vector.broadcast %add3A_1138 : i32 to vector<16xi32>
      %add3A_1140 = arith.addi %iota3A, %add3A_1139 : vector<16xi32>
      %lt3A_1141 = vector.broadcast %squeeze3A_1109 : i32 to vector<16xi32>
      %lt3A_1142 = arith.cmpi slt, %add3A_1140, %lt3A_1141 : vector<16xi32>
      %jit3A_1143 = arith.constant 1.000000e+00 : f32
      %broadcast_in_dim3A_1144 = vector.broadcast %jit3A_1143 : f32 to vector<16xf32>
      %select_n3A_1145 = arith.select %lt3A_1142, %broadcast_in_dim3A_1144, %broadcast_in_dim3A_3 : vector<16xi1>, vector<16xf32>
      %swap3A_1146 = arith.constant 15 : i32
      %swap3A_1147 = arith.index_cast %swap3A_1146 : i32 to index
      %swap3A_1148 = arith.constant 32 : index
      %swap3A_1149 = tpu.vector_load %arg5[%swap3A_1147, %swap3A_1148] {strides = array<i32>} : memref<16x50xf32, #tpu.memory_space<vmem>>, vector<1x16xf32>,
      %swap3A_1150 = vector.shape_cast %swap3A_1149 : vector<1x16xf32> to vector<16xf32>
      %swap3A_1151 = vector.shape_cast %select_n3A_1145 : vector<16xf32> to vector<1x16xf32>
      tpu.vector_store %arg5[%swap3A_1147, %swap3A_1148], %swap3A_1151 {strides = array<i32>} : memref<16x50xf32, #tpu.memory_space<vmem>>, vector<1x16xf32>,
      %add3A_1152 = arith.constant 34 : i32
      %add3A_1153 = vector.broadcast %add3A_1152 : i32 to vector<16xi32>
      %add3A_1154 = arith.addi %iota3A, %add3A_1153 : vector<16xi32>
      %lt3A_1155 = vector.broadcast %squeeze3A_1109 : i32 to vector<16xi32>
      %lt3A_1156 = arith.cmpi slt, %add3A_1154, %lt3A_1155 : vector<16xi32>
      %jit3A_1157 = arith.constant 1.000000e+00 : f32
      %broadcast_in_dim3A_1158 = vector.broadcast %jit3A_1157 : f32 to vector<16xf32>
      %select_n3A_1159 = arith.select %lt3A_1156, %broadcast_in_dim3A_1158, %broadcast_in_dim3A_3 : vector<16xi1>, vector<16xf32>
      %swap3A_1160 = arith.constant 15 : i32
      %swap3A_1161 = arith.index_cast %swap3A_1160 : i32 to index
      %swap3A_1162 = arith.constant 34 : index
      %swap3A_1163 = tpu.vector_load %arg5[%swap3A_1161, %swap3A_1162] {strides = array<i32>} : memref<16x50xf32, #tpu.memory_space<vmem>>, vector<1x16xf32>,
      %swap3A_1164 = vector.shape_cast %swap3A_1163 : vector<1x16xf32> to vector<16xf32>
      %swap3A_1165 = vector.shape_cast %select_n3A_1159 : vector<16xf32> to vector<1x16xf32>
      tpu.vector_store %arg5[%swap3A_1161, %swap3A_1162], %swap3A_1165 {strides = array<i32>} : memref<16x50xf32, #tpu.memory_space<vmem>>, vector<1x16xf32>,
      "tpu.region"() ({
        %run_scoped3A = tpu.sem_alloc : memref<!tpu.dma_semaphore, #tpu.memory_space<semaphore_mem>>
        %dma_start3A = arith.constant 0 : i32
        %dma_start3A_1167 = tpu.memref_slice %arg3[%add3A_221, %dma_start3A] : memref<4096x50xf32, #tpu.memory_space<hbm>> -> memref<16x50xf32, #tpu.memory_space<hbm>>
        %dma_start3A_1168 = arith.constant 0 : i32
        %dma_start3A_1169 = tpu.memref_slice %arg3[%add3A_221, %dma_start3A_1168] : memref<4096x50xf32, #tpu.memory_space<hbm>> -> memref<16x50xf32, #tpu.memory_space<hbm>>
        tpu.enqueue_dma source(%arg5 : memref<16x50xf32, #tpu.memory_space<vmem>>) target(%dma_start3A_1169 : memref<16x50xf32, #tpu.memory_space<hbm>>) target_semaphore(%run_scoped3A : memref<!tpu.dma_semaphore, #tpu.memory_space<semaphore_mem>>)
        %dma_wait3A = arith.constant 0 : i32
        %dma_wait3A_1170 = tpu.memref_slice %arg3[%add3A_221, %dma_wait3A] : memref<4096x50xf32, #tpu.memory_space<hbm>> -> memref<16x50xf32, #tpu.memory_space<hbm>>
        %dma_wait3A_1171 = arith.constant 0 : i32
        %dma_wait3A_1172 = tpu.memref_slice %arg3[%add3A_221, %dma_wait3A_1171] : memref<4096x50xf32, #tpu.memory_space<hbm>> -> memref<16x50xf32, #tpu.memory_space<hbm>>
        tpu.wait_dma2 semaphore(%run_scoped3A : memref<!tpu.dma_semaphore, #tpu.memory_space<semaphore_mem>>) src(%arg5 : memref<16x50xf32, #tpu.memory_space<vmem>>) dst(%dma_wait3A_1172 : memref<16x50xf32, #tpu.memory_space<hbm>>)
        tpu.yield
      }) : () -> ()
      "tpu.region"() ({
        %run_scoped3A = tpu.sem_alloc : memref<!tpu.dma_semaphore, #tpu.memory_space<semaphore_mem>>
        %dma_start3A = arith.constant 2560 : i32
        %dma_start3A_1167 = tpu.memref_slice %arg2[%add3A_221, %dma_start3A] : memref<4096x5000xf32, #tpu.memory_space<hbm>> -> memref<16x2440xf32, #tpu.memory_space<hbm>>
        %dma_start3A_1168 = arith.constant 2560 : i32
        %dma_start3A_1169 = tpu.memref_slice %arg2[%add3A_221, %dma_start3A_1168] : memref<4096x5000xf32, #tpu.memory_space<hbm>> -> memref<16x2440xf32, #tpu.memory_space<hbm>>
        tpu.enqueue_dma source(%arg4 : memref<16x2440xf32, #tpu.memory_space<vmem>>) target(%dma_start3A_1169 : memref<16x2440xf32, #tpu.memory_space<hbm>>) target_semaphore(%run_scoped3A : memref<!tpu.dma_semaphore, #tpu.memory_space<semaphore_mem>>)
        %dma_wait3A = arith.constant 2560 : i32
        %dma_wait3A_1170 = tpu.memref_slice %arg2[%add3A_221, %dma_wait3A] : memref<4096x5000xf32, #tpu.memory_space<hbm>> -> memref<16x2440xf32, #tpu.memory_space<hbm>>
        %dma_wait3A_1171 = arith.constant 2560 : i32
        %dma_wait3A_1172 = tpu.memref_slice %arg2[%add3A_221, %dma_wait3A_1171] : memref<4096x5000xf32, #tpu.memory_space<hbm>> -> memref<16x2440xf32, #tpu.memory_space<hbm>>
        tpu.wait_dma2 semaphore(%run_scoped3A : memref<!tpu.dma_semaphore, #tpu.memory_space<semaphore_mem>>) src(%arg4 : memref<16x2440xf32, #tpu.memory_space<vmem>>) dst(%dma_wait3A_1172 : memref<16x2440xf32, #tpu.memory_space<hbm>>)
        tpu.yield
      }) : () -> ()
      %scan3A_1166 = arith.constant 0 : i32
      scf.yield %scan3A_1166 : i32
    }
    %scan3A_216 = arith.constant 8 : i32
    return
  }
}

module attributes {stable_mosaic.version = 14 : i64} {
  func.func @_tc_body(%arg0: i32, %arg1: memref<512x2560xf32, #tpu.memory_space<vmem>>, %arg2: memref<4096x5000xf32, #tpu.memory_space<any>>, %arg3: memref<512x2560xf32, #tpu.memory_space<vmem>>) attributes {dimension_semantics = [#tpu.dimension_semantics<arbitrary>], iteration_bounds = array<i64: 8>, scalar_prefetch = 0 : i64, scratch_operands = 0 : i64, tpu.core_type = #tpu.core_type<tc>, window_params = [{transform_indices = @transform_0, window_bounds = array<i64: 512, 2560>}, {}, {transform_indices = @transform_2, window_bounds = array<i64: 512, 2560>}]} {
    %mul3A = arith.constant 512 : i32
    %mul3A_0 = arith.muli %arg0, %mul3A : i32
    %iota3A = tpu.iota {dimensions = array<i32: 0>} : vector<512x25xi32>
    %iota3A_1 = tpu.iota {dimensions = array<i32: 1>} : vector<512x25xi32>
    %add3A = vector.broadcast %mul3A_0 : i32 to vector<512x25xi32>
    %add3A_2 = arith.addi %add3A, %iota3A : vector<512x25xi32>
    %mul3A_3 = arith.constant 25 : i32
    %mul3A_4 = vector.broadcast %mul3A_3 : i32 to vector<512x25xi32>
    %mul3A_5 = arith.muli %add3A_2, %mul3A_4 : vector<512x25xi32>
    %add3A_6 = arith.addi %mul3A_5, %iota3A_1 : vector<512x25xi32>
    %broadcast_in_dim3A = arith.constant 0 : i32
    %broadcast_in_dim3A_7 = vector.broadcast %broadcast_in_dim3A : i32 to vector<512x25xi32>
    %add3A_8 = arith.constant 0 : i32
    %add3A_9 = vector.broadcast %add3A_8 : i32 to vector<512x25xi32>
    %add3A_10 = arith.addi %broadcast_in_dim3A_7, %add3A_9 : vector<512x25xi32>
    %add3A_11 = arith.constant 42 : i32
    %add3A_12 = vector.broadcast %add3A_11 : i32 to vector<512x25xi32>
    %add3A_13 = arith.addi %add3A_6, %add3A_12 : vector<512x25xi32>
    %add3A_14 = arith.addi %add3A_10, %add3A_13 : vector<512x25xi32>
    %shift_left3A = arith.constant 13 : i32
    %shift_left3A_15 = vector.broadcast %shift_left3A : i32 to vector<512x25xi32>
    %shift_left3A_16 = arith.shli %add3A_13, %shift_left3A_15 : vector<512x25xi32>
    %shift_right_logical3A = arith.constant 19 : i32
    %shift_right_logical3A_17 = vector.broadcast %shift_right_logical3A : i32 to vector<512x25xi32>
    %shift_right_logical3A_18 = arith.shrui %add3A_13, %shift_right_logical3A_17 : vector<512x25xi32>
    %or3A = arith.ori %shift_left3A_16, %shift_right_logical3A_18 : vector<512x25xi32>
    %xor3A = arith.xori %or3A, %add3A_14 : vector<512x25xi32>
    %add3A_19 = arith.addi %add3A_14, %xor3A : vector<512x25xi32>
    %shift_left3A_20 = arith.constant 15 : i32
    %shift_left3A_21 = vector.broadcast %shift_left3A_20 : i32 to vector<512x25xi32>
    %shift_left3A_22 = arith.shli %xor3A, %shift_left3A_21 : vector<512x25xi32>
    %shift_right_logical3A_23 = arith.constant 17 : i32
    %shift_right_logical3A_24 = vector.broadcast %shift_right_logical3A_23 : i32 to vector<512x25xi32>
    %shift_right_logical3A_25 = arith.shrui %xor3A, %shift_right_logical3A_24 : vector<512x25xi32>
    %or3A_26 = arith.ori %shift_left3A_22, %shift_right_logical3A_25 : vector<512x25xi32>
    %xor3A_27 = arith.xori %or3A_26, %add3A_19 : vector<512x25xi32>
    %add3A_28 = arith.addi %add3A_19, %xor3A_27 : vector<512x25xi32>
    %shift_left3A_29 = arith.constant 26 : i32
    %shift_left3A_30 = vector.broadcast %shift_left3A_29 : i32 to vector<512x25xi32>
    %shift_left3A_31 = arith.shli %xor3A_27, %shift_left3A_30 : vector<512x25xi32>
    %shift_right_logical3A_32 = arith.constant 6 : i32
    %shift_right_logical3A_33 = vector.broadcast %shift_right_logical3A_32 : i32 to vector<512x25xi32>
    %shift_right_logical3A_34 = arith.shrui %xor3A_27, %shift_right_logical3A_33 : vector<512x25xi32>
    %or3A_35 = arith.ori %shift_left3A_31, %shift_right_logical3A_34 : vector<512x25xi32>
    %xor3A_36 = arith.xori %or3A_35, %add3A_28 : vector<512x25xi32>
    %add3A_37 = arith.addi %add3A_28, %xor3A_36 : vector<512x25xi32>
    %shift_left3A_38 = arith.constant 6 : i32
    %shift_left3A_39 = vector.broadcast %shift_left3A_38 : i32 to vector<512x25xi32>
    %shift_left3A_40 = arith.shli %xor3A_36, %shift_left3A_39 : vector<512x25xi32>
    %shift_right_logical3A_41 = arith.constant 26 : i32
    %shift_right_logical3A_42 = vector.broadcast %shift_right_logical3A_41 : i32 to vector<512x25xi32>
    %shift_right_logical3A_43 = arith.shrui %xor3A_36, %shift_right_logical3A_42 : vector<512x25xi32>
    %or3A_44 = arith.ori %shift_left3A_40, %shift_right_logical3A_43 : vector<512x25xi32>
    %xor3A_45 = arith.xori %or3A_44, %add3A_37 : vector<512x25xi32>
    %add3A_46 = arith.constant 42 : i32
    %add3A_47 = vector.broadcast %add3A_46 : i32 to vector<512x25xi32>
    %add3A_48 = arith.addi %add3A_37, %add3A_47 : vector<512x25xi32>
    %add3A_49 = arith.constant 466689008 : i32
    %add3A_50 = vector.broadcast %add3A_49 : i32 to vector<512x25xi32>
    %add3A_51 = arith.addi %xor3A_45, %add3A_50 : vector<512x25xi32>
    %add3A_52 = arith.constant 1 : i32
    %add3A_53 = vector.broadcast %add3A_52 : i32 to vector<512x25xi32>
    %add3A_54 = arith.addi %add3A_51, %add3A_53 : vector<512x25xi32>
    %add3A_55 = arith.addi %add3A_48, %add3A_54 : vector<512x25xi32>
    %shift_left3A_56 = arith.constant 17 : i32
    %shift_left3A_57 = vector.broadcast %shift_left3A_56 : i32 to vector<512x25xi32>
    %shift_left3A_58 = arith.shli %add3A_54, %shift_left3A_57 : vector<512x25xi32>
    %shift_right_logical3A_59 = arith.constant 15 : i32
    %shift_right_logical3A_60 = vector.broadcast %shift_right_logical3A_59 : i32 to vector<512x25xi32>
    %shift_right_logical3A_61 = arith.shrui %add3A_54, %shift_right_logical3A_60 : vector<512x25xi32>
    %or3A_62 = arith.ori %shift_left3A_58, %shift_right_logical3A_61 : vector<512x25xi32>
    %xor3A_63 = arith.xori %or3A_62, %add3A_55 : vector<512x25xi32>
    %add3A_64 = arith.addi %add3A_55, %xor3A_63 : vector<512x25xi32>
    %shift_left3A_65 = arith.constant 29 : i32
    %shift_left3A_66 = vector.broadcast %shift_left3A_65 : i32 to vector<512x25xi32>
    %shift_left3A_67 = arith.shli %xor3A_63, %shift_left3A_66 : vector<512x25xi32>
    %shift_right_logical3A_68 = arith.constant 3 : i32
    %shift_right_logical3A_69 = vector.broadcast %shift_right_logical3A_68 : i32 to vector<512x25xi32>
    %shift_right_logical3A_70 = arith.shrui %xor3A_63, %shift_right_logical3A_69 : vector<512x25xi32>
    %or3A_71 = arith.ori %shift_left3A_67, %shift_right_logical3A_70 : vector<512x25xi32>
    %xor3A_72 = arith.xori %or3A_71, %add3A_64 : vector<512x25xi32>
    %add3A_73 = arith.addi %add3A_64, %xor3A_72 : vector<512x25xi32>
    %shift_left3A_74 = arith.constant 16 : i32
    %shift_left3A_75 = vector.broadcast %shift_left3A_74 : i32 to vector<512x25xi32>
    %shift_left3A_76 = arith.shli %xor3A_72, %shift_left3A_75 : vector<512x25xi32>
    %shift_right_logical3A_77 = arith.constant 16 : i32
    %shift_right_logical3A_78 = vector.broadcast %shift_right_logical3A_77 : i32 to vector<512x25xi32>
    %shift_right_logical3A_79 = arith.shrui %xor3A_72, %shift_right_logical3A_78 : vector<512x25xi32>
    %or3A_80 = arith.ori %shift_left3A_76, %shift_right_logical3A_79 : vector<512x25xi32>
    %xor3A_81 = arith.xori %or3A_80, %add3A_73 : vector<512x25xi32>
    %add3A_82 = arith.addi %add3A_73, %xor3A_81 : vector<512x25xi32>
    %shift_left3A_83 = arith.constant 24 : i32
    %shift_left3A_84 = vector.broadcast %shift_left3A_83 : i32 to vector<512x25xi32>
    %shift_left3A_85 = arith.shli %xor3A_81, %shift_left3A_84 : vector<512x25xi32>
    %shift_right_logical3A_86 = arith.constant 8 : i32
    %shift_right_logical3A_87 = vector.broadcast %shift_right_logical3A_86 : i32 to vector<512x25xi32>
    %shift_right_logical3A_88 = arith.shrui %xor3A_81, %shift_right_logical3A_87 : vector<512x25xi32>
    %or3A_89 = arith.ori %shift_left3A_85, %shift_right_logical3A_88 : vector<512x25xi32>
    %xor3A_90 = arith.xori %or3A_89, %add3A_82 : vector<512x25xi32>
    %add3A_91 = arith.constant 466689008 : i32
    %add3A_92 = vector.broadcast %add3A_91 : i32 to vector<512x25xi32>
    %add3A_93 = arith.addi %add3A_82, %add3A_92 : vector<512x25xi32>
    %add3A_94 = arith.constant 0 : i32
    %add3A_95 = vector.broadcast %add3A_94 : i32 to vector<512x25xi32>
    %add3A_96 = arith.addi %xor3A_90, %add3A_95 : vector<512x25xi32>
    %add3A_97 = arith.constant 2 : i32
    %add3A_98 = vector.broadcast %add3A_97 : i32 to vector<512x25xi32>
    %add3A_99 = arith.addi %add3A_96, %add3A_98 : vector<512x25xi32>
    %add3A_100 = arith.addi %add3A_93, %add3A_99 : vector<512x25xi32>
    %shift_left3A_101 = arith.constant 13 : i32
    %shift_left3A_102 = vector.broadcast %shift_left3A_101 : i32 to vector<512x25xi32>
    %shift_left3A_103 = arith.shli %add3A_99, %shift_left3A_102 : vector<512x25xi32>
    %shift_right_logical3A_104 = arith.constant 19 : i32
    %shift_right_logical3A_105 = vector.broadcast %shift_right_logical3A_104 : i32 to vector<512x25xi32>
    %shift_right_logical3A_106 = arith.shrui %add3A_99, %shift_right_logical3A_105 : vector<512x25xi32>
    %or3A_107 = arith.ori %shift_left3A_103, %shift_right_logical3A_106 : vector<512x25xi32>
    %xor3A_108 = arith.xori %or3A_107, %add3A_100 : vector<512x25xi32>
    %add3A_109 = arith.addi %add3A_100, %xor3A_108 : vector<512x25xi32>
    %shift_left3A_110 = arith.constant 15 : i32
    %shift_left3A_111 = vector.broadcast %shift_left3A_110 : i32 to vector<512x25xi32>
    %shift_left3A_112 = arith.shli %xor3A_108, %shift_left3A_111 : vector<512x25xi32>
    %shift_right_logical3A_113 = arith.constant 17 : i32
    %shift_right_logical3A_114 = vector.broadcast %shift_right_logical3A_113 : i32 to vector<512x25xi32>
    %shift_right_logical3A_115 = arith.shrui %xor3A_108, %shift_right_logical3A_114 : vector<512x25xi32>
    %or3A_116 = arith.ori %shift_left3A_112, %shift_right_logical3A_115 : vector<512x25xi32>
    %xor3A_117 = arith.xori %or3A_116, %add3A_109 : vector<512x25xi32>
    %add3A_118 = arith.addi %add3A_109, %xor3A_117 : vector<512x25xi32>
    %shift_left3A_119 = arith.constant 26 : i32
    %shift_left3A_120 = vector.broadcast %shift_left3A_119 : i32 to vector<512x25xi32>
    %shift_left3A_121 = arith.shli %xor3A_117, %shift_left3A_120 : vector<512x25xi32>
    %shift_right_logical3A_122 = arith.constant 6 : i32
    %shift_right_logical3A_123 = vector.broadcast %shift_right_logical3A_122 : i32 to vector<512x25xi32>
    %shift_right_logical3A_124 = arith.shrui %xor3A_117, %shift_right_logical3A_123 : vector<512x25xi32>
    %or3A_125 = arith.ori %shift_left3A_121, %shift_right_logical3A_124 : vector<512x25xi32>
    %xor3A_126 = arith.xori %or3A_125, %add3A_118 : vector<512x25xi32>
    %add3A_127 = arith.addi %add3A_118, %xor3A_126 : vector<512x25xi32>
    %shift_left3A_128 = arith.constant 6 : i32
    %shift_left3A_129 = vector.broadcast %shift_left3A_128 : i32 to vector<512x25xi32>
    %shift_left3A_130 = arith.shli %xor3A_126, %shift_left3A_129 : vector<512x25xi32>
    %shift_right_logical3A_131 = arith.constant 26 : i32
    %shift_right_logical3A_132 = vector.broadcast %shift_right_logical3A_131 : i32 to vector<512x25xi32>
    %shift_right_logical3A_133 = arith.shrui %xor3A_126, %shift_right_logical3A_132 : vector<512x25xi32>
    %or3A_134 = arith.ori %shift_left3A_130, %shift_right_logical3A_133 : vector<512x25xi32>
    %xor3A_135 = arith.xori %or3A_134, %add3A_127 : vector<512x25xi32>
    %add3A_136 = arith.constant 0 : i32
    %add3A_137 = vector.broadcast %add3A_136 : i32 to vector<512x25xi32>
    %add3A_138 = arith.addi %add3A_127, %add3A_137 : vector<512x25xi32>
    %add3A_139 = arith.constant 42 : i32
    %add3A_140 = vector.broadcast %add3A_139 : i32 to vector<512x25xi32>
    %add3A_141 = arith.addi %xor3A_135, %add3A_140 : vector<512x25xi32>
    %add3A_142 = arith.constant 3 : i32
    %add3A_143 = vector.broadcast %add3A_142 : i32 to vector<512x25xi32>
    %add3A_144 = arith.addi %add3A_141, %add3A_143 : vector<512x25xi32>
    %add3A_145 = arith.addi %add3A_138, %add3A_144 : vector<512x25xi32>
    %shift_left3A_146 = arith.constant 17 : i32
    %shift_left3A_147 = vector.broadcast %shift_left3A_146 : i32 to vector<512x25xi32>
    %shift_left3A_148 = arith.shli %add3A_144, %shift_left3A_147 : vector<512x25xi32>
    %shift_right_logical3A_149 = arith.constant 15 : i32
    %shift_right_logical3A_150 = vector.broadcast %shift_right_logical3A_149 : i32 to vector<512x25xi32>
    %shift_right_logical3A_151 = arith.shrui %add3A_144, %shift_right_logical3A_150 : vector<512x25xi32>
    %or3A_152 = arith.ori %shift_left3A_148, %shift_right_logical3A_151 : vector<512x25xi32>
    %xor3A_153 = arith.xori %or3A_152, %add3A_145 : vector<512x25xi32>
    %add3A_154 = arith.addi %add3A_145, %xor3A_153 : vector<512x25xi32>
    %shift_left3A_155 = arith.constant 29 : i32
    %shift_left3A_156 = vector.broadcast %shift_left3A_155 : i32 to vector<512x25xi32>
    %shift_left3A_157 = arith.shli %xor3A_153, %shift_left3A_156 : vector<512x25xi32>
    %shift_right_logical3A_158 = arith.constant 3 : i32
    %shift_right_logical3A_159 = vector.broadcast %shift_right_logical3A_158 : i32 to vector<512x25xi32>
    %shift_right_logical3A_160 = arith.shrui %xor3A_153, %shift_right_logical3A_159 : vector<512x25xi32>
    %or3A_161 = arith.ori %shift_left3A_157, %shift_right_logical3A_160 : vector<512x25xi32>
    %xor3A_162 = arith.xori %or3A_161, %add3A_154 : vector<512x25xi32>
    %add3A_163 = arith.addi %add3A_154, %xor3A_162 : vector<512x25xi32>
    %shift_left3A_164 = arith.constant 16 : i32
    %shift_left3A_165 = vector.broadcast %shift_left3A_164 : i32 to vector<512x25xi32>
    %shift_left3A_166 = arith.shli %xor3A_162, %shift_left3A_165 : vector<512x25xi32>
    %shift_right_logical3A_167 = arith.constant 16 : i32
    %shift_right_logical3A_168 = vector.broadcast %shift_right_logical3A_167 : i32 to vector<512x25xi32>
    %shift_right_logical3A_169 = arith.shrui %xor3A_162, %shift_right_logical3A_168 : vector<512x25xi32>
    %or3A_170 = arith.ori %shift_left3A_166, %shift_right_logical3A_169 : vector<512x25xi32>
    %xor3A_171 = arith.xori %or3A_170, %add3A_163 : vector<512x25xi32>
    %add3A_172 = arith.addi %add3A_163, %xor3A_171 : vector<512x25xi32>
    %shift_left3A_173 = arith.constant 24 : i32
    %shift_left3A_174 = vector.broadcast %shift_left3A_173 : i32 to vector<512x25xi32>
    %shift_left3A_175 = arith.shli %xor3A_171, %shift_left3A_174 : vector<512x25xi32>
    %shift_right_logical3A_176 = arith.constant 8 : i32
    %shift_right_logical3A_177 = vector.broadcast %shift_right_logical3A_176 : i32 to vector<512x25xi32>
    %shift_right_logical3A_178 = arith.shrui %xor3A_171, %shift_right_logical3A_177 : vector<512x25xi32>
    %or3A_179 = arith.ori %shift_left3A_175, %shift_right_logical3A_178 : vector<512x25xi32>
    %xor3A_180 = arith.xori %or3A_179, %add3A_172 : vector<512x25xi32>
    %add3A_181 = arith.constant 42 : i32
    %add3A_182 = vector.broadcast %add3A_181 : i32 to vector<512x25xi32>
    %add3A_183 = arith.addi %add3A_172, %add3A_182 : vector<512x25xi32>
    %add3A_184 = arith.constant 466689008 : i32
    %add3A_185 = vector.broadcast %add3A_184 : i32 to vector<512x25xi32>
    %add3A_186 = arith.addi %xor3A_180, %add3A_185 : vector<512x25xi32>
    %add3A_187 = arith.constant 4 : i32
    %add3A_188 = vector.broadcast %add3A_187 : i32 to vector<512x25xi32>
    %add3A_189 = arith.addi %add3A_186, %add3A_188 : vector<512x25xi32>
    %add3A_190 = arith.addi %add3A_183, %add3A_189 : vector<512x25xi32>
    %shift_left3A_191 = arith.constant 13 : i32
    %shift_left3A_192 = vector.broadcast %shift_left3A_191 : i32 to vector<512x25xi32>
    %shift_left3A_193 = arith.shli %add3A_189, %shift_left3A_192 : vector<512x25xi32>
    %shift_right_logical3A_194 = arith.constant 19 : i32
    %shift_right_logical3A_195 = vector.broadcast %shift_right_logical3A_194 : i32 to vector<512x25xi32>
    %shift_right_logical3A_196 = arith.shrui %add3A_189, %shift_right_logical3A_195 : vector<512x25xi32>
    %or3A_197 = arith.ori %shift_left3A_193, %shift_right_logical3A_196 : vector<512x25xi32>
    %xor3A_198 = arith.xori %or3A_197, %add3A_190 : vector<512x25xi32>
    %add3A_199 = arith.addi %add3A_190, %xor3A_198 : vector<512x25xi32>
    %shift_left3A_200 = arith.constant 15 : i32
    %shift_left3A_201 = vector.broadcast %shift_left3A_200 : i32 to vector<512x25xi32>
    %shift_left3A_202 = arith.shli %xor3A_198, %shift_left3A_201 : vector<512x25xi32>
    %shift_right_logical3A_203 = arith.constant 17 : i32
    %shift_right_logical3A_204 = vector.broadcast %shift_right_logical3A_203 : i32 to vector<512x25xi32>
    %shift_right_logical3A_205 = arith.shrui %xor3A_198, %shift_right_logical3A_204 : vector<512x25xi32>
    %or3A_206 = arith.ori %shift_left3A_202, %shift_right_logical3A_205 : vector<512x25xi32>
    %xor3A_207 = arith.xori %or3A_206, %add3A_199 : vector<512x25xi32>
    %add3A_208 = arith.addi %add3A_199, %xor3A_207 : vector<512x25xi32>
    %shift_left3A_209 = arith.constant 26 : i32
    %shift_left3A_210 = vector.broadcast %shift_left3A_209 : i32 to vector<512x25xi32>
    %shift_left3A_211 = arith.shli %xor3A_207, %shift_left3A_210 : vector<512x25xi32>
    %shift_right_logical3A_212 = arith.constant 6 : i32
    %shift_right_logical3A_213 = vector.broadcast %shift_right_logical3A_212 : i32 to vector<512x25xi32>
    %shift_right_logical3A_214 = arith.shrui %xor3A_207, %shift_right_logical3A_213 : vector<512x25xi32>
    %or3A_215 = arith.ori %shift_left3A_211, %shift_right_logical3A_214 : vector<512x25xi32>
    %xor3A_216 = arith.xori %or3A_215, %add3A_208 : vector<512x25xi32>
    %add3A_217 = arith.addi %add3A_208, %xor3A_216 : vector<512x25xi32>
    %shift_left3A_218 = arith.constant 6 : i32
    %shift_left3A_219 = vector.broadcast %shift_left3A_218 : i32 to vector<512x25xi32>
    %shift_left3A_220 = arith.shli %xor3A_216, %shift_left3A_219 : vector<512x25xi32>
    %shift_right_logical3A_221 = arith.constant 26 : i32
    %shift_right_logical3A_222 = vector.broadcast %shift_right_logical3A_221 : i32 to vector<512x25xi32>
    %shift_right_logical3A_223 = arith.shrui %xor3A_216, %shift_right_logical3A_222 : vector<512x25xi32>
    %or3A_224 = arith.ori %shift_left3A_220, %shift_right_logical3A_223 : vector<512x25xi32>
    %xor3A_225 = arith.xori %or3A_224, %add3A_217 : vector<512x25xi32>
    %add3A_226 = arith.constant 466689008 : i32
    %add3A_227 = vector.broadcast %add3A_226 : i32 to vector<512x25xi32>
    %add3A_228 = arith.addi %add3A_217, %add3A_227 : vector<512x25xi32>
    %add3A_229 = arith.constant 0 : i32
    %add3A_230 = vector.broadcast %add3A_229 : i32 to vector<512x25xi32>
    %add3A_231 = arith.addi %xor3A_225, %add3A_230 : vector<512x25xi32>
    %add3A_232 = arith.constant 5 : i32
    %add3A_233 = vector.broadcast %add3A_232 : i32 to vector<512x25xi32>
    %add3A_234 = arith.addi %add3A_231, %add3A_233 : vector<512x25xi32>
    %xor3A_235 = arith.xori %add3A_228, %add3A_234 : vector<512x25xi32>
    %shift_right_logical3A_236 = arith.constant 9 : i32
    %shift_right_logical3A_237 = vector.broadcast %shift_right_logical3A_236 : i32 to vector<512x25xi32>
    %shift_right_logical3A_238 = arith.shrui %xor3A_235, %shift_right_logical3A_237 : vector<512x25xi32>
    %reduce_max3A = arith.constant dense<-2147483648> : vector<512xi32>
    %reduce_max3A_239 = vector.multi_reduction <maxsi>, %shift_right_logical3A_238, %reduce_max3A [1] : vector<512x25xi32> to vector<512xi32>
    %broadcast_in_dim3A_240 = vector.shape_cast %reduce_max3A_239 : vector<512xi32> to vector<512x1xi32>
    %iota3A_241 = tpu.iota {dimensions = array<i32: 1>} : vector<512x25xi32>
    %eq3A = vector.broadcast %broadcast_in_dim3A_240 : vector<512x1xi32> to vector<512x25xi32>
    %eq3A_242 = arith.cmpi eq, %shift_right_logical3A_238, %eq3A : vector<512x25xi32>
    %jit3A = arith.constant 25 : i32
    %broadcast_in_dim3A_243 = vector.broadcast %jit3A : i32 to vector<512x25xi32>
    %select_n3A = arith.select %eq3A_242, %iota3A_241, %broadcast_in_dim3A_243 : vector<512x25xi1>, vector<512x25xi32>
    %reduce_min3A = arith.constant dense<2147483647> : vector<512xi32>
    %reduce_min3A_244 = vector.multi_reduction <minsi>, %select_n3A, %reduce_min3A [1] : vector<512x25xi32> to vector<512xi32>
    %broadcast_in_dim3A_245 = vector.shape_cast %reduce_min3A_244 : vector<512xi32> to vector<512x1xi32>
    %add3A_246 = arith.constant 1 : i32
    %add3A_247 = vector.broadcast %add3A_246 : i32 to vector<512x1xi32>
    %add3A_248 = arith.addi %broadcast_in_dim3A_245, %add3A_247 : vector<512x1xi32>
    %iota3A_249 = tpu.iota {dimensions = array<i32: 1>} : vector<512x2560xi32>
    %mul3A_250 = arith.constant 100 : i32
    %mul3A_251 = vector.broadcast %mul3A_250 : i32 to vector<512x1xi32>
    %mul3A_252 = arith.muli %add3A_248, %mul3A_251 : vector<512x1xi32>
    %lt3A = vector.broadcast %mul3A_252 : vector<512x1xi32> to vector<512x2560xi32>
    %lt3A_253 = arith.cmpi slt, %iota3A_249, %lt3A : vector<512x2560xi32>
    %get3A = arith.constant 0 : index
    %get3A_254 = arith.constant 0 : index
    %get3A_255 = vector.load %arg1[%get3A, %get3A_254] : memref<512x2560xf32, #tpu.memory_space<vmem>>, vector<512x2560xf32>
    %jit3A_256 = arith.constant 0.000000e+00 : f32
    %broadcast_in_dim3A_257 = vector.broadcast %jit3A_256 : f32 to vector<512x2560xf32>
    %select_n3A_258 = arith.select %lt3A_253, %get3A_255, %broadcast_in_dim3A_257 : vector<512x2560xi1>, vector<512x2560xf32>
    %swap3A = arith.constant 0 : index
    %swap3A_259 = arith.constant 0 : index
    %swap3A_260 = vector.load %arg3[%swap3A, %swap3A_259] : memref<512x2560xf32, #tpu.memory_space<vmem>>, vector<512x2560xf32>
    tpu.vector_store %arg3[%swap3A, %swap3A_259], %select_n3A_258 {strides = array<i32>} : memref<512x2560xf32, #tpu.memory_space<vmem>>, vector<512x2560xf32>,
    return
  }
  func.func @transform_0(%arg0: i32) -> (i32, i32) {
    %c0_i32 = arith.constant 0 : i32
    %c0_i32_0 = arith.constant 0 : i32
    return %arg0, %c0_i32 : i32, i32
  }
  func.func @transform_2(%arg0: i32) -> (i32, i32) {
    %c0_i32 = arith.constant 0 : i32
    %c0_i32_0 = arith.constant 0 : i32
    return %arg0, %c0_i32 : i32, i32
  }
}

</mosaic_0001>

<sc_bundles>
// kernel: kernel.4.cloned.1.call-start
scs
__scs_entry_jumppad:
0x0: {  	(pc) =	sbr.rel $0x88, $3  }
0x1: {  	(tag) =	ssettag $0x0;
	lr =	simm.s32 $0x1  }
0x2: {  	[smem:$0x3FA0] =	sst lr;
	_ =	strace $0xD0000000  }
0x3: {  	_ = 	snop  }
0x4: {  	_ = 	snop  }
0x5: {  	_ = 	snop  }
0x6: {  	_ = 	snop  }
0x7: {  	_ = 	snop  }
__scs_overlays_trampoline_lowered:
0x8: {  	[smem:$0x3FAF] =	sst s0  }
0x9: {  	[smem:$0x3FB0] =	sst s1  }
0xa: {  	[smem:$0x3FB1] =	sst s2  }
0xb: {  	[smem:$0x3FB2] =	sst s3  }
0xc: {  	[smem:$0x3FB3] =	sst s4  }
0xd: {  	[smem:$0x3FB4] =	sst s5  }
0xe: {  	[smem:$0x3FB5] =	sst s6  }
0xf: {  	[smem:$0x3FB6] =	sst s7  }
0x10: {  	[smem:$0x3FB7] =	sst s8  }
0x11: {  	[smem:$0x3FB8] =	sst s9;
	s0 =	simm.s32 @!p0 $0x0  }
0x12: {  	s1 =	sld [smem:$0x3F9E];
	s0 =	simm.s32 @p0 $0x1  }
0x13: {  	[smem:$0x3FB9] =	sst s0;
	s0 =	simm.s32 @!p1 $0x0  }
0x14: {  	s2 =	sld [smem:$0x3F9D];
	s0 =	simm.s32 @p1 $0x1  }
0x15: {  	[smem:$0x3FBA] =	sst s0;
	s0 =	simm.s32 @!p2 $0x0  }
0x16: {  	s3 =	sld [smem:$0x3FDB];
	s0 =	simm.s32 @p2 $0x1  }
0x17: {  	s4 =	simm.s32 $0x1BF5;
	[smem:$0x3FBC] =	sst s0  }
0x18: {  	s0 =	sld [smem:$0x3F9F];
	_ =	swait.ge [sflag:s4], $0x0  }
0x19: {  	s7 =	sld [smem:$0x3FA0]  }
0x1a: {  	s8 =	sadd.s32 $0xFFFFE003, lr  }
0x1b: {  	s9 =	sadd.s32 $0xFFFFFEF7, lr;
	s5 =	simm.s32 $0xFFFFFFFF;
	p2 =	slt.u32 s8, $0xFFFFF086  }
0x1c: {  	p1 =	slt.u32 s9, $0xF7A;
	s5 =	simm.s32 @!p2 $0x0  }
0x1d: {  	s5 =	simm.s32 @p1 $0x1;
	p0 =	seq.s32 s7, s2  }
0x1e: {  	s7 =	smul.u32 @!p0 $0xF7A, s2;
	p2 =	seq.s32 @!p0 s5, $0x0  }
0x1f: {  	s9 =	smul.u32 $0xF7A, s1;
	s8 =	simm.s32 @!p0 $0x1BF5;
	p2 =	por !p2, p0  }
0x20: {  	[sflag:s8] =	ssyncset.s32 @!p0 $0xFFFFF086;
	s6 =	sadd.s32 @!p0 s3, s7;
	s7 =	simm.s32 @!p0 $0x108  }
0x21: {  	s3 =	sadd.s32 s3, s9;
	s6 =	sadd.s32 @!p0 $0x88, s6;
	s7 =	simm.s32 @p2 $0x1082  }
0x22: {  	[simem:s7], [sflag:s8] =	dma.local @!p0 [hbm:s6], $0xF7A  }
0x23: {  	s9 =	sor.u32 $0xD0000000, s2;
	s6 =	simm.s32 $0x108;
	_ =	swait.ge @!p0 [sflag:s8], $0x0  }
0x24: {  	s3 =	sadd.s32 $0x88, s3;
	s6 =	simm.s32 @!p1 $0x1082;
	[sflag:s4] =	ssyncset.s32 $0xFFFFF086  }
0x25: {  	[simem:s6], [sflag:s4] =	dma.local [hbm:s3], $0xF7A  }
0x26: {  	[smem:$0x3FA0] =	sst s1;
	(tag) =	ssettag s2;
	_ =	strace s9  }
0x27: {  	s1 =	sld [smem:$0x3FB0]  }
0x28: {  	s2 =	sld [smem:$0x3FB1]  }
0x29: {  	s4 =	sld [smem:$0x3FB3]  }
0x2a: {  	p0 =	seq.s32 s5, $0x0;
	s5 =	sld [smem:$0x3FB4]  }
0x2b: {  	s6 =	sld [smem:$0x3FB5]  }
0x2c: {  	s7 =	sld [smem:$0x3FB6]  }
0x2d: {  	s3 =	simm.s32 $0x108;
	s8 =	sld [smem:$0x3FB7]  }
0x2e: {  	s3 =	simm.s32 @!p0 $0x1082;
	s9 =	sld [smem:$0x3FB8]  }
0x2f: {  	lr =	sadd.s32 s0, s3;
	s0 =	sld [smem:$0x3FAF]  }
0x30: {  	s3 =	sld [smem:$0x3FB2]  }
0x31: {  	[smem:$0x3FBB] =	sst s10  }
0x32: {  	s10 =	sld [smem:$0x3FB9];
	_ =	sdelay $0x3  }
0x33: {  	p0 =	seq.s32 s10, $0x1;
	s10 =	sld [smem:$0x3FBB];
	_ =	sdelay $0x3  }
0x34: {  	[smem:$0x3FBB] =	sst s10  }
0x35: {  	s10 =	sld [smem:$0x3FBA];
	_ =	sdelay $0x3  }
0x36: {  	p1 =	seq.s32 s10, $0x1;
	s10 =	sld [smem:$0x3FBB];
	_ =	sdelay $0x3  }
0x37: {  	[smem:$0x3FBB] =	sst s10  }
0x38: {  	s10 =	sld [smem:$0x3FBC]  }
0x39: {  	_ = 	snop;
	(pc) =	sbr.ind lr, $3  }
0x3a: {  	_ = 	snop  }
0x3b: {  	_ = 	snop  }
0x3c: {  	p2 =	seq.s32 s10, $0x1;
	s10 =	sld [smem:$0x3FBB]  }
0x3d: {  	_ =	shalt  }
0x3e: {  	_ =	shalt  }
0x3f: {  	_ =	shalt  }
0x40: {  	_ =	shalt  }
0x41: {  	_ =	shalt  }
0x42: {  	_ =	shalt  }
0x43: {  	_ =	shalt  }
0x44: {  	_ =	shalt  }
0x45: {  	_ =	shalt  }
0x46: {  	_ =	shalt  }
0x47: {  	_ =	shalt  }
0x48: {  	_ =	shalt  }
0x49: {  	_ =	shalt  }
0x4a: {  	_ =	shalt  }
0x4b: {  	_ =	shalt  }
0x4c: {  	_ =	shalt  }
0x4d: {  	_ =	shalt  }
0x4e: {  	_ =	shalt  }
0x4f: {  	_ =	shalt  }
0x50: {  	_ =	shalt  }
0x51: {  	_ =	shalt  }
0x52: {  	_ =	shalt  }
0x53: {  	_ =	shalt  }
0x54: {  	_ =	shalt  }
0x55: {  	_ =	shalt  }
0x56: {  	_ =	shalt  }
0x57: {  	_ =	shalt  }
0x58: {  	_ =	shalt  }
0x59: {  	_ =	shalt  }
0x5a: {  	_ =	shalt  }
0x5b: {  	_ =	shalt  }
0x5c: {  	_ =	shalt  }
0x5d: {  	_ =	shalt  }
0x5e: {  	_ =	shalt  }
0x5f: {  	_ =	shalt  }
0x60: {  	_ =	shalt  }
0x61: {  	_ =	shalt  }
0x62: {  	_ =	shalt  }
0x63: {  	_ =	shalt  }
0x64: {  	_ =	shalt  }
0x65: {  	_ =	shalt  }
0x66: {  	_ =	shalt  }
0x67: {  	_ =	shalt  }
0x68: {  	_ =	shalt  }
0x69: {  	_ =	shalt  }
0x6a: {  	_ =	shalt  }
0x6b: {  	_ =	shalt  }
0x6c: {  	_ =	shalt  }
0x6d: {  	_ =	shalt  }
0x6e: {  	_ =	shalt  }
0x6f: {  	_ =	shalt  }
0x70: {  	_ =	shalt  }
0x71: {  	_ =	shalt  }
0x72: {  	_ =	shalt  }
0x73: {  	_ =	shalt  }
0x74: {  	_ =	shalt  }
0x75: {  	_ =	shalt  }
0x76: {  	_ =	shalt  }
0x77: {  	_ =	shalt  }
0x78: {  	_ =	shalt  }
0x79: {  	_ =	shalt  }
0x7a: {  	_ =	shalt  }
0x7b: {  	_ =	shalt  }
0x7c: {  	_ =	shalt  }
0x7d: {  	_ =	shalt  }
0x7e: {  	_ =	shalt  }
0x7f: {  	_ =	shalt  }
0x80: {  	_ =	shalt  }
0x81: {  	_ =	shalt  }
0x82: {  	_ =	shalt  }
0x83: {  	_ =	shalt  }
0x84: {  	_ =	shalt  }
0x85: {  	_ =	shalt  }
0x86: {  	_ =	shalt  }
0x87: {  	_ =	shalt  }
.Lfunc_end0:
.L_simem_size_0:
called_computation_lowered:
.L_overlay_start_0:
0x88: {  	s2 =	sld [smem:$0x3FD9]  }
0x89: {  	s3 =	sld [smem:$0x3FFE];
	_ =	sdelay $0x1  }
0x8a: {  	s1 =	srdreg.scid  }
0x8b: {  	s0 =	sand.u32 $0x1, s1  }
0x8c: {  	s16 =	sshll.u32 s0, $0xA;
	s2 =	sadd.s32 s3, s2  }
0x8d: {  	s2 =	sadd.s32 s2, s16  }
0x8e: {  	[smem:$0x3FC7] =	sst s2  }
0x8f: {  	_ = 	snop  }
0x90: {  	(tm) =	ssettm $0x1  }
0x91: {  	s17 =	sld [smem:$0x3FFB];
	_ =	sdelay $0x3  }
0x92: {  	_ =	strace s17  }
0x93: {  	s2 =	sld [smem:$0x3FFC];
	_ =	sdelay $0x3  }
0x94: {  	_ =	strace s2  }
0x95: {  	s2 =	sld [smem:$0x3FFD];
	_ =	sdelay $0x3  }
0x96: {  	_ =	strace s2  }
0x97: {  	_ =	strace $0x8FFFFFFF  }
0x98: {  	s18 =	sld [smem:$0x3FDB];
	_ =	sdelay $0x1  }
0x99: {  	s19 =	simm.s32 $_scs_section_size  }
0x9a: {  	s4 =	simm.s32 $_size__tile_overlayer_lowered;
	s5 =	simm.s32 $_tile_overlayer_lowered  }
0x9b: {  	s22 =	simm.s32 $0x1BFF;
	s21 =	sshll.u32 s5, $0x1;
	s2 =	sadd.s32 s19, s18  }
0x9c: {  	s6 =	simm.s32 $0x0;
	s20 =	sshll.u32 s4, $0x1;
	s4 =	sadd.s32 s21, s2  }
0x9d: {  	[timem:s6], [sflag:s22] =	dma.local [hbm:s4], s20  }
0x9e: {  	_ =	swait.ge [sflag:s22], s20  }
0x9f: {  	s3 =	ssub.s32 $0x0, s20;
	[sflag:s22] =	ssyncset.done $0x0  }
0xa0: {  	[sflag:s22] =	ssyncadd.s32 s3;
	_ =	sdelay $0x1  }
0xa1: {  	s23 =	simm.s32 $0x1B8B  }
0xa2: {  	_ =	swait.ge [sflag:s23], $0x1  }
0xa3: {  	[sflag:s23] =	ssyncset.done $0x0  }
0xa4: {  	s25 =	simm.s32 $0x1B8E;
	s24 =	sld [smem:$0x3FFE];
	[sflag:s23] =	ssyncadd.s32 $0xFFFFFFFF  }
0xa5: {  	s26 =	simm.s32 $execute0_lowered;
	[smem:$0x3FD2] =	sst s25  }
0xa6: {  	s4 =	sshll.u32 s26, $0x1;
	_ =	strace $0x80000046;
	[dreg:$0x1] =	wrdreg $0xFFFFFFFF  }
0xa7: {  	s28 =	simm.s32 $_size_execute0_lowered;
	s2 =	sadd.s32 s2, s4;
	[dreg:$0x0] =	wrdreg $0x0  }
0xa8: {  	s4 =	sshll.u32 s28, $0x1;
	[dreg:$0x2] =	wrdreg s2  }
0xa9: {  	[dreg:$0x3] =	wrdreg s4  }
0xaa: {  	[dreg:$0x4] =	wrdreg $0xC0  }
0xab: {  	_ =	task [dreg:s6], $0x5FFFF  }
0xac: {  	[dreg:$0x1] =	wrdreg $0xFFFFFFFF  }
0xad: {  	[dreg:$0x0] =	wrdreg $0x60  }
0xae: {  	[dreg:$0x2] =	wrdreg s24  }
0xaf: {  	[dreg:$0x3] =	wrdreg $0x9  }
0xb0: {  	_ =	task.clear_ibuf [dreg:s6], $0x4FFFF;
	_ =	strace $0x90000046  }
0xb1: {  	s29 =	simm.s32 $0x9;
	_ =	strace $0x80000048  }
0xb2: {  	_ =	swait.ge [sflag:s29], $0x1  }
0xb3: {  	[sflag:s29] =	ssyncadd.s32 $0xFFFFFFFF  }
0xb4: {  	_ =	strace $0x90000048  }
0xb5: {  	_ =	sfence  }
0xb6: {  	s30 =	sld [smem:$0x0];
	_ =	sdelay $0x2  }
0xb7: {  	s31 =	sshll.u32 s1, $0xD;
	s1 =	sshrl.u32 s1, $0x2  }
0xb8: {  	s3 =	sand.u32 $0x4000, s31;
	s1 =	sadd.s32 s1, s30  }
0xb9: {  	s0 =	sor.u32 s3, s0;
	s1 =	sshll.u32 s1, $0x11  }
0xba: {  	s0 =	sor.u32 s1, s0  }
0xbb: {  	s0 =	sadd.s32 $0x8F2B, s0  }
0xbc: {  	[sflag:s0] =	ssyncadd.remote.s32 $0x1  }
0xbd: {  	_ =	sfence.sel $0xFFFF  }
0xbe: {  	[dreg:$0x0] =	wrdreg $0xFFFFFFFF;
	(pc) =	sbr.abs _section_cstart, $3  }
0xbf: {  	[dreg:$0x1] =	wrdreg $0xFFFFFFFF  }
0xc0: {  	_ =	task.clear_ibuf [dreg:s6], $0x2FFFF;
	_ =	strace $0x9FFFFFFF  }
0xc1: {  	(tm) =	ssettm $0x7FFFFFFF  }
tec
execute0_lowered:
.L_overlay_start_1:
0x0: {  	(tag) =	ssettag $0x1  }
0x1: {  	s4 =	rddreg [dreg:$0x0]  }
0x2: {  	s0 =	rddreg [dreg:$0x1];
	s1 =	simm.s32 $0x0;
	s2 =	srdreg.scid  }
0x3: {  	s9 =	simm.s32 $0x4D00;
	s10 =	simm.s32 $0x4D80;
	s11 =	simm.s32 $0x4E00  }
0x4: {  	s12 =	simm.s32 $0x4E80;
	s13 =	simm.s32 $0x4F00;
	s14 =	simm.s32 $0x4F80  }
0x5: {  	s15 =	simm.s32 $0x9C00;
	s16 =	simm.s32 $0x9C80;
	s17 =	simm.s32 $0x9D00  }
0x6: {  	s18 =	simm.s32 $0x9D80;
	s19 =	simm.s32 $0x9E00;
	s20 =	simm.s32 $0x9E80  }
0x7: {  	s21 =	simm.s32 $0x9F00;
	s22 =	simm.s32 $0x9F80;
	s23 =	simm.s32 $0xA000  }
0x8: {  	s24 =	simm.s32 $0x1;
	s25 =	simm.s32 $0x5000;
	s26 =	simm.s32 $0x0  }
0x9: {  	[smem:$0x7FF] =	sst s1;
	s5 =	sand.u32 $0x1, s2;
	s3 =	sadd.s32 $0xA00, s4  }
0xa: {  	v0 =	vlaneseq.u32;
	s2 =	stileid.u32;
	s4 =	sadd.s32 $0x280A00, s4;
	s6 =	ssub.s32 $0x2, s5  }
0xb: {  	v2 =	vmul.u32 $0x19, v0;
	s8 =	sshll.u32 s2, $0x8;
	s5 =	sshll.u32 s5, $0x7;
	s7 =	sshrl.u32 s6, $0x1  }
0xc: {  	v1 =	vimm.f32 $0.0e+00;
	v3 =	vor.u32 $0x10, v0;
	_ =	strace $0x80000047;
	s5 =	sor.u32 s5, s8;
	s6 =	ssub.s32 s6, s7  }
0xd: {  	v4 =	vor.u32 $0x20, v0;
	v5 =	vadd.s32 $0x22, v0;
	s8 =	simm.s32 $0x4C80;
	v2 =	vadd.s32 $0x2A, v2;
	s7 =	simm.s32 $0x4C00;
	s6 =	smax.u32 s6, $0x1  }
.LBB2_1:
0xe: {  	s28 =	simm.s32 $0x0;
	s29 =	simm.s32 $0x1000  }
.LBB2_2:
0xf: {  	p0 =	sne.s32 s29, $0x12000;
	[tilespmem:s28+$0x70] =	vst v1  }
0x10: {  	[tilespmem:s28+$0x0] =	vst v1  }
0x11: {  	[tilespmem:s28+$0x10] =	vst v1  }
.Ltmp0:
0x12: {  	[tilespmem:s28+$0x20] =	vst v1;
	(pc) =	sbr.rel @p0 .LBB2_2-.Ltmp0, $4  }
0x13: {  	[tilespmem:s28+$0x30] =	vst v1  }
0x14: {  	[tilespmem:s28+$0x40] =	vst v1  }
0x15: {  	[tilespmem:s28+$0x50] =	vst v1  }
0x16: {  	[tilespmem:s28+$0x60] =	vst v1;
	s28 =	sshra.s32 s29, $0x2;
	s29 =	sadd.s32 $0x1000, s29  }
0x17: {  	[tilespmem:s28+$0x70] =	vst v1  }
0x18: {  	[tilespmem:s28+$0x0] =	vst v1  }
0x19: {  	[tilespmem:s28+$0x10] =	vst v1  }
0x1a: {  	[tilespmem:s28+$0x20] =	vst v1  }
0x1b: {  	[tilespmem:s28+$0x30] =	vst v1  }
0x1c: {  	[tilespmem:s28+$0x40] =	vst v1  }
0x1d: {  	[tilespmem:s28+$0x50] =	vst v1  }
0x1e: {  	[tilespmem:s28+$0x60] =	vst v1  }
0x1f: {  	[tilespmem:$0x4870] =	vst v1  }
0x20: {  	s28 =	simm.s32 $0x0;
	s29 =	simm.s32 $0x1000;
	[tilespmem:s7+$0x0] =	vst.msk $0xff, v1  }
.LBB2_4:
0x21: {  	p0 =	sne.s32 s29, $0x12000;
	[tilespmem:s28+$0xF0] =	vst v1  }
0x22: {  	[tilespmem:s28+$0x80] =	vst v1  }
0x23: {  	[tilespmem:s28+$0x90] =	vst v1  }
.Ltmp1:
0x24: {  	[tilespmem:s28+$0xA0] =	vst v1;
	(pc) =	sbr.rel @p0 .LBB2_4-.Ltmp1, $4  }
0x25: {  	[tilespmem:s28+$0xB0] =	vst v1  }
0x26: {  	[tilespmem:s28+$0xC0] =	vst v1  }
0x27: {  	[tilespmem:s28+$0xD0] =	vst v1  }
0x28: {  	[tilespmem:s28+$0xE0] =	vst v1;
	s28 =	sshra.s32 s29, $0x2;
	s29 =	sadd.s32 $0x1000, s29  }
0x29: {  	[tilespmem:s28+$0xF0] =	vst v1  }
0x2a: {  	[tilespmem:s28+$0x80] =	vst v1  }
0x2b: {  	[tilespmem:s28+$0x90] =	vst v1  }
0x2c: {  	[tilespmem:s28+$0xA0] =	vst v1  }
0x2d: {  	[tilespmem:s28+$0xB0] =	vst v1  }
0x2e: {  	[tilespmem:s28+$0xC0] =	vst v1  }
0x2f: {  	[tilespmem:s28+$0xD0] =	vst v1  }
0x30: {  	[tilespmem:s28+$0xE0] =	vst v1  }
0x31: {  	[tilespmem:$0x48F0] =	vst v1  }
0x32: {  	s28 =	simm.s32 $0x0;
	s29 =	simm.s32 $0x1000;
	[tilespmem:s8+$0x0] =	vst.msk $0xff, v1  }
.LBB2_6:
0x33: {  	p0 =	sne.s32 s29, $0x12000;
	[tilespmem:s28+$0x170] =	vst v1  }
0x34: {  	[tilespmem:s28+$0x100] =	vst v1  }
0x35: {  	[tilespmem:s28+$0x110] =	vst v1  }
.Ltmp2:
0x36: {  	[tilespmem:s28+$0x120] =	vst v1;
	(pc) =	sbr.rel @p0 .LBB2_6-.Ltmp2, $4  }
0x37: {  	[tilespmem:s28+$0x130] =	vst v1  }
0x38: {  	[tilespmem:s28+$0x140] =	vst v1  }
0x39: {  	[tilespmem:s28+$0x150] =	vst v1  }
0x3a: {  	[tilespmem:s28+$0x160] =	vst v1;
	s28 =	sshra.s32 s29, $0x2;
	s29 =	sadd.s32 $0x1000, s29  }
0x3b: {  	[tilespmem:s28+$0x170] =	vst v1  }
0x3c: {  	[tilespmem:s28+$0x100] =	vst v1  }
0x3d: {  	[tilespmem:s28+$0x110] =	vst v1  }
0x3e: {  	[tilespmem:s28+$0x120] =	vst v1  }
0x3f: {  	[tilespmem:s28+$0x130] =	vst v1  }
0x40: {  	[tilespmem:s28+$0x140] =	vst v1  }
0x41: {  	[tilespmem:s28+$0x150] =	vst v1  }
0x42: {  	[tilespmem:s28+$0x160] =	vst v1  }
0x43: {  	[tilespmem:$0x4970] =	vst v1  }
0x44: {  	s28 =	simm.s32 $0x0;
	s29 =	simm.s32 $0x1000;
	[tilespmem:s9+$0x0] =	vst.msk $0xff, v1  }
.LBB2_8:
0x45: {  	p0 =	sne.s32 s29, $0x12000;
	[tilespmem:s28+$0x1F0] =	vst v1  }
0x46: {  	[tilespmem:s28+$0x180] =	vst v1  }
0x47: {  	[tilespmem:s28+$0x190] =	vst v1  }
.Ltmp3:
0x48: {  	[tilespmem:s28+$0x1A0] =	vst v1;
	(pc) =	sbr.rel @p0 .LBB2_8-.Ltmp3, $4  }
0x49: {  	[tilespmem:s28+$0x1B0] =	vst v1  }
0x4a: {  	[tilespmem:s28+$0x1C0] =	vst v1  }
0x4b: {  	[tilespmem:s28+$0x1D0] =	vst v1  }
0x4c: {  	[tilespmem:s28+$0x1E0] =	vst v1;
	s28 =	sshra.s32 s29, $0x2;
	s29 =	sadd.s32 $0x1000, s29  }
0x4d: {  	[tilespmem:s28+$0x1F0] =	vst v1  }
0x4e: {  	[tilespmem:s28+$0x180] =	vst v1  }
0x4f: {  	[tilespmem:s28+$0x190] =	vst v1  }
0x50: {  	[tilespmem:s28+$0x1A0] =	vst v1  }
0x51: {  	[tilespmem:s28+$0x1B0] =	vst v1  }
0x52: {  	[tilespmem:s28+$0x1C0] =	vst v1  }
0x53: {  	[tilespmem:s28+$0x1D0] =	vst v1  }
0x54: {  	[tilespmem:s28+$0x1E0] =	vst v1  }
0x55: {  	[tilespmem:$0x49F0] =	vst v1  }
0x56: {  	s28 =	simm.s32 $0x0;
	s29 =	simm.s32 $0x1000;
	[tilespmem:s10+$0x0] =	vst.msk $0xff, v1  }
.LBB2_10:
0x57: {  	p0 =	sne.s32 s29, $0x12000;
	[tilespmem:s28+$0x270] =	vst v1  }
0x58: {  	[tilespmem:s28+$0x200] =	vst v1  }
0x59: {  	[tilespmem:s28+$0x210] =	vst v1  }
.Ltmp4:
0x5a: {  	[tilespmem:s28+$0x220] =	vst v1;
	(pc) =	sbr.rel @p0 .LBB2_10-.Ltmp4, $4  }
0x5b: {  	[tilespmem:s28+$0x230] =	vst v1  }
0x5c: {  	[tilespmem:s28+$0x240] =	vst v1  }
0x5d: {  	[tilespmem:s28+$0x250] =	vst v1  }
0x5e: {  	[tilespmem:s28+$0x260] =	vst v1;
	s28 =	sshra.s32 s29, $0x2;
	s29 =	sadd.s32 $0x1000, s29  }
0x5f: {  	[tilespmem:s28+$0x270] =	vst v1  }
0x60: {  	[tilespmem:s28+$0x200] =	vst v1  }
0x61: {  	[tilespmem:s28+$0x210] =	vst v1  }
0x62: {  	[tilespmem:s28+$0x220] =	vst v1  }
0x63: {  	[tilespmem:s28+$0x230] =	vst v1  }
0x64: {  	[tilespmem:s28+$0x240] =	vst v1  }
0x65: {  	[tilespmem:s28+$0x250] =	vst v1  }
0x66: {  	[tilespmem:s28+$0x260] =	vst v1  }
0x67: {  	[tilespmem:$0x4A70] =	vst v1  }
0x68: {  	s28 =	simm.s32 $0x0;
	s29 =	simm.s32 $0x1000;
	[tilespmem:s11+$0x0] =	vst.msk $0xff, v1  }
.LBB2_12:
0x69: {  	p0 =	sne.s32 s29, $0x12000;
	[tilespmem:s28+$0x2F0] =	vst v1  }
0x6a: {  	[tilespmem:s28+$0x280] =	vst v1  }
0x6b: {  	[tilespmem:s28+$0x290] =	vst v1  }
.Ltmp5:
0x6c: {  	[tilespmem:s28+$0x2A0] =	vst v1;
	(pc) =	sbr.rel @p0 .LBB2_12-.Ltmp5, $4  }
0x6d: {  	[tilespmem:s28+$0x2B0] =	vst v1  }
0x6e: {  	[tilespmem:s28+$0x2C0] =	vst v1  }
0x6f: {  	[tilespmem:s28+$0x2D0] =	vst v1  }
0x70: {  	[tilespmem:s28+$0x2E0] =	vst v1;
	s28 =	sshra.s32 s29, $0x2;
	s29 =	sadd.s32 $0x1000, s29  }
0x71: {  	[tilespmem:s28+$0x2F0] =	vst v1  }
0x72: {  	[tilespmem:s28+$0x280] =	vst v1  }
0x73: {  	[tilespmem:s28+$0x290] =	vst v1  }
0x74: {  	[tilespmem:s28+$0x2A0] =	vst v1  }
0x75: {  	[tilespmem:s28+$0x2B0] =	vst v1  }
0x76: {  	[tilespmem:s28+$0x2C0] =	vst v1  }
0x77: {  	[tilespmem:s28+$0x2D0] =	vst v1  }
0x78: {  	[tilespmem:s28+$0x2E0] =	vst v1  }
0x79: {  	[tilespmem:$0x4AF0] =	vst v1  }
0x7a: {  	s28 =	simm.s32 $0x0;
	s29 =	simm.s32 $0x1000;
	[tilespmem:s12+$0x0] =	vst.msk $0xff, v1  }
.LBB2_14:
0x7b: {  	p0 =	sne.s32 s29, $0x12000;
	[tilespmem:s28+$0x370] =	vst v1  }
0x7c: {  	[tilespmem:s28+$0x300] =	vst v1  }
0x7d: {  	[tilespmem:s28+$0x310] =	vst v1  }
.Ltmp6:
0x7e: {  	[tilespmem:s28+$0x320] =	vst v1;
	(pc) =	sbr.rel @p0 .LBB2_14-.Ltmp6, $4  }
0x7f: {  	[tilespmem:s28+$0x330] =	vst v1  }
0x80: {  	[tilespmem:s28+$0x340] =	vst v1  }
0x81: {  	[tilespmem:s28+$0x350] =	vst v1  }
0x82: {  	[tilespmem:s28+$0x360] =	vst v1;
	s28 =	sshra.s32 s29, $0x2;
	s29 =	sadd.s32 $0x1000, s29  }
0x83: {  	[tilespmem:s28+$0x370] =	vst v1  }
0x84: {  	[tilespmem:s28+$0x300] =	vst v1  }
0x85: {  	[tilespmem:s28+$0x310] =	vst v1  }
0x86: {  	[tilespmem:s28+$0x320] =	vst v1  }
0x87: {  	[tilespmem:s28+$0x330] =	vst v1  }
0x88: {  	[tilespmem:s28+$0x340] =	vst v1  }
0x89: {  	[tilespmem:s28+$0x350] =	vst v1  }
0x8a: {  	[tilespmem:s28+$0x360] =	vst v1  }
0x8b: {  	[tilespmem:$0x4B70] =	vst v1  }
0x8c: {  	s28 =	simm.s32 $0x0;
	s29 =	simm.s32 $0x1000;
	[tilespmem:s13+$0x0] =	vst.msk $0xff, v1  }
.LBB2_16:
0x8d: {  	p0 =	sne.s32 s29, $0x12000;
	[tilespmem:s28+$0x3F0] =	vst v1  }
0x8e: {  	[tilespmem:s28+$0x380] =	vst v1  }
0x8f: {  	[tilespmem:s28+$0x390] =	vst v1  }
.Ltmp7:
0x90: {  	[tilespmem:s28+$0x3A0] =	vst v1;
	(pc) =	sbr.rel @p0 .LBB2_16-.Ltmp7, $4  }
0x91: {  	[tilespmem:s28+$0x3B0] =	vst v1  }
0x92: {  	[tilespmem:s28+$0x3C0] =	vst v1  }
0x93: {  	[tilespmem:s28+$0x3D0] =	vst v1  }
0x94: {  	[tilespmem:s28+$0x3E0] =	vst v1;
	s28 =	sshra.s32 s29, $0x2;
	s29 =	sadd.s32 $0x1000, s29  }
0x95: {  	[tilespmem:s28+$0x3F0] =	vst v1  }
0x96: {  	[tilespmem:s28+$0x380] =	vst v1  }
0x97: {  	[tilespmem:s28+$0x390] =	vst v1  }
0x98: {  	[tilespmem:s28+$0x3A0] =	vst v1  }
0x99: {  	[tilespmem:s28+$0x3B0] =	vst v1  }
0x9a: {  	[tilespmem:s28+$0x3C0] =	vst v1  }
0x9b: {  	[tilespmem:s28+$0x3D0] =	vst v1  }
0x9c: {  	[tilespmem:s28+$0x3E0] =	vst v1  }
0x9d: {  	[tilespmem:$0x4BF0] =	vst v1  }
0x9e: {  	s28 =	simm.s32 $0x0;
	s29 =	simm.s32 $0x1000;
	[tilespmem:s14+$0x0] =	vst.msk $0xff, v1  }
.LBB2_18:
0x9f: {  	p0 =	sne.s32 s29, $0x12000;
	[tilespmem:s28+$0x5070] =	vst v1  }
0xa0: {  	[tilespmem:s28+$0x5000] =	vst v1  }
0xa1: {  	[tilespmem:s28+$0x5010] =	vst v1  }
.Ltmp8:
0xa2: {  	[tilespmem:s28+$0x5020] =	vst v1;
	(pc) =	sbr.rel @p0 .LBB2_18-.Ltmp8, $4  }
0xa3: {  	[tilespmem:s28+$0x5030] =	vst v1  }
0xa4: {  	[tilespmem:s28+$0x5040] =	vst v1  }
0xa5: {  	[tilespmem:s28+$0x5050] =	vst v1  }
0xa6: {  	[tilespmem:s28+$0x5060] =	vst v1;
	s28 =	sshra.s32 s29, $0x2;
	s29 =	sadd.s32 $0x1000, s29  }
0xa7: {  	[tilespmem:s28+$0x5070] =	vst v1  }
0xa8: {  	[tilespmem:s28+$0x5000] =	vst v1  }
0xa9: {  	[tilespmem:s28+$0x5010] =	vst v1  }
0xaa: {  	[tilespmem:s28+$0x5020] =	vst v1  }
0xab: {  	[tilespmem:s28+$0x5030] =	vst v1  }
0xac: {  	[tilespmem:s28+$0x5040] =	vst v1  }
0xad: {  	[tilespmem:s28+$0x5050] =	vst v1  }
0xae: {  	[tilespmem:s28+$0x5060] =	vst v1  }
0xaf: {  	[tilespmem:$0x9870] =	vst v1  }
0xb0: {  	s28 =	simm.s32 $0x0;
	s29 =	simm.s32 $0x1000;
	[tilespmem:s15+$0x0] =	vst.msk $0xff, v1  }
.LBB2_20:
0xb1: {  	p0 =	sne.s32 s29, $0x12000;
	[tilespmem:s28+$0x50F0] =	vst v1  }
0xb2: {  	[tilespmem:s28+$0x5080] =	vst v1  }
0xb3: {  	[tilespmem:s28+$0x5090] =	vst v1  }
.Ltmp9:
0xb4: {  	[tilespmem:s28+$0x50A0] =	vst v1;
	(pc) =	sbr.rel @p0 .LBB2_20-.Ltmp9, $4  }
0xb5: {  	[tilespmem:s28+$0x50B0] =	vst v1  }
0xb6: {  	[tilespmem:s28+$0x50C0] =	vst v1  }
0xb7: {  	[tilespmem:s28+$0x50D0] =	vst v1  }
0xb8: {  	[tilespmem:s28+$0x50E0] =	vst v1;
	s28 =	sshra.s32 s29, $0x2;
	s29 =	sadd.s32 $0x1000, s29  }
0xb9: {  	[tilespmem:s28+$0x50F0] =	vst v1  }
0xba: {  	[tilespmem:s28+$0x5080] =	vst v1  }
0xbb: {  	[tilespmem:s28+$0x5090] =	vst v1  }
0xbc: {  	[tilespmem:s28+$0x50A0] =	vst v1  }
0xbd: {  	[tilespmem:s28+$0x50B0] =	vst v1  }
0xbe: {  	[tilespmem:s28+$0x50C0] =	vst v1  }
0xbf: {  	[tilespmem:s28+$0x50D0] =	vst v1  }
0xc0: {  	[tilespmem:s28+$0x50E0] =	vst v1  }
0xc1: {  	[tilespmem:$0x98F0] =	vst v1  }
0xc2: {  	s28 =	simm.s32 $0x0;
	s29 =	simm.s32 $0x1000;
	[tilespmem:s16+$0x0] =	vst.msk $0xff, v1  }
.LBB2_22:
0xc3: {  	p0 =	sne.s32 s29, $0x12000;
	[tilespmem:s28+$0x5170] =	vst v1  }
0xc4: {  	[tilespmem:s28+$0x5100] =	vst v1  }
0xc5: {  	[tilespmem:s28+$0x5110] =	vst v1  }
.Ltmp10:
0xc6: {  	[tilespmem:s28+$0x5120] =	vst v1;
	(pc) =	sbr.rel @p0 .LBB2_22-.Ltmp10, $4  }
0xc7: {  	[tilespmem:s28+$0x5130] =	vst v1  }
0xc8: {  	[tilespmem:s28+$0x5140] =	vst v1  }
0xc9: {  	[tilespmem:s28+$0x5150] =	vst v1  }
0xca: {  	[tilespmem:s28+$0x5160] =	vst v1;
	s28 =	sshra.s32 s29, $0x2;
	s29 =	sadd.s32 $0x1000, s29  }
0xcb: {  	[tilespmem:s28+$0x5170] =	vst v1  }
0xcc: {  	[tilespmem:s28+$0x5100] =	vst v1  }
0xcd: {  	[tilespmem:s28+$0x5110] =	vst v1  }
0xce: {  	[tilespmem:s28+$0x5120] =	vst v1  }
0xcf: {  	[tilespmem:s28+$0x5130] =	vst v1  }
0xd0: {  	[tilespmem:s28+$0x5140] =	vst v1  }
0xd1: {  	[tilespmem:s28+$0x5150] =	vst v1  }
0xd2: {  	[tilespmem:s28+$0x5160] =	vst v1  }
0xd3: {  	[tilespmem:$0x9970] =	vst v1  }
0xd4: {  	s28 =	simm.s32 $0x0;
	s29 =	simm.s32 $0x1000;
	[tilespmem:s17+$0x0] =	vst.msk $0xff, v1  }
.LBB2_24:
0xd5: {  	p0 =	sne.s32 s29, $0x12000;
	[tilespmem:s28+$0x51F0] =	vst v1  }
0xd6: {  	[tilespmem:s28+$0x5180] =	vst v1  }
0xd7: {  	[tilespmem:s28+$0x5190] =	vst v1  }
.Ltmp11:
0xd8: {  	[tilespmem:s28+$0x51A0] =	vst v1;
	(pc) =	sbr.rel @p0 .LBB2_24-.Ltmp11, $4  }
0xd9: {  	[tilespmem:s28+$0x51B0] =	vst v1  }
0xda: {  	[tilespmem:s28+$0x51C0] =	vst v1  }
0xdb: {  	[tilespmem:s28+$0x51D0] =	vst v1  }
0xdc: {  	[tilespmem:s28+$0x51E0] =	vst v1;
	s28 =	sshra.s32 s29, $0x2;
	s29 =	sadd.s32 $0x1000, s29  }
0xdd: {  	[tilespmem:s28+$0x51F0] =	vst v1  }
0xde: {  	[tilespmem:s28+$0x5180] =	vst v1  }
0xdf: {  	[tilespmem:s28+$0x5190] =	vst v1  }
0xe0: {  	[tilespmem:s28+$0x51A0] =	vst v1  }
0xe1: {  	[tilespmem:s28+$0x51B0] =	vst v1  }
0xe2: {  	[tilespmem:s28+$0x51C0] =	vst v1  }
0xe3: {  	[tilespmem:s28+$0x51D0] =	vst v1  }
0xe4: {  	[tilespmem:s28+$0x51E0] =	vst v1  }
0xe5: {  	[tilespmem:$0x99F0] =	vst v1  }
0xe6: {  	s28 =	simm.s32 $0x0;
	s29 =	simm.s32 $0x1000;
	[tilespmem:s18+$0x0] =	vst.msk $0xff, v1  }
.LBB2_26:
0xe7: {  	p0 =	sne.s32 s29, $0x12000;
	[tilespmem:s28+$0x5270] =	vst v1  }
0xe8: {  	[tilespmem:s28+$0x5200] =	vst v1  }
0xe9: {  	[tilespmem:s28+$0x5210] =	vst v1  }
.Ltmp12:
0xea: {  	[tilespmem:s28+$0x5220] =	vst v1;
	(pc) =	sbr.rel @p0 .LBB2_26-.Ltmp12, $4  }
0xeb: {  	[tilespmem:s28+$0x5230] =	vst v1  }
0xec: {  	[tilespmem:s28+$0x5240] =	vst v1  }
0xed: {  	[tilespmem:s28+$0x5250] =	vst v1  }
0xee: {  	[tilespmem:s28+$0x5260] =	vst v1;
	s28 =	sshra.s32 s29, $0x2;
	s29 =	sadd.s32 $0x1000, s29  }
0xef: {  	[tilespmem:s28+$0x5270] =	vst v1  }
0xf0: {  	[tilespmem:s28+$0x5200] =	vst v1  }
0xf1: {  	[tilespmem:s28+$0x5210] =	vst v1  }
0xf2: {  	[tilespmem:s28+$0x5220] =	vst v1  }
0xf3: {  	[tilespmem:s28+$0x5230] =	vst v1  }
0xf4: {  	[tilespmem:s28+$0x5240] =	vst v1  }
0xf5: {  	[tilespmem:s28+$0x5250] =	vst v1  }
0xf6: {  	[tilespmem:s28+$0x5260] =	vst v1  }
0xf7: {  	[tilespmem:$0x9A70] =	vst v1  }
0xf8: {  	s28 =	simm.s32 $0x0;
	s29 =	simm.s32 $0x1000;
	[tilespmem:s19+$0x0] =	vst.msk $0xff, v1  }
.LBB2_28:
0xf9: {  	p0 =	sne.s32 s29, $0x12000;
	[tilespmem:s28+$0x52F0] =	vst v1  }
0xfa: {  	[tilespmem:s28+$0x5280] =	vst v1  }
0xfb: {  	[tilespmem:s28+$0x5290] =	vst v1  }
.Ltmp13:
0xfc: {  	[tilespmem:s28+$0x52A0] =	vst v1;
	(pc) =	sbr.rel @p0 .LBB2_28-.Ltmp13, $4  }
0xfd: {  	[tilespmem:s28+$0x52B0] =	vst v1  }
0xfe: {  	[tilespmem:s28+$0x52C0] =	vst v1  }
0xff: {  	[tilespmem:s28+$0x52D0] =	vst v1  }
0x100: {  	[tilespmem:s28+$0x52E0] =	vst v1;
	s28 =	sshra.s32 s29, $0x2;
	s29 =	sadd.s32 $0x1000, s29  }
0x101: {  	[tilespmem:s28+$0x52F0] =	vst v1  }
0x102: {  	[tilespmem:s28+$0x5280] =	vst v1  }
0x103: {  	[tilespmem:s28+$0x5290] =	vst v1  }
0x104: {  	[tilespmem:s28+$0x52A0] =	vst v1  }
0x105: {  	[tilespmem:s28+$0x52B0] =	vst v1  }
0x106: {  	[tilespmem:s28+$0x52C0] =	vst v1  }
0x107: {  	[tilespmem:s28+$0x52D0] =	vst v1  }
0x108: {  	[tilespmem:s28+$0x52E0] =	vst v1  }
0x109: {  	[tilespmem:$0x9AF0] =	vst v1  }
0x10a: {  	s28 =	simm.s32 $0x0;
	s29 =	simm.s32 $0x1000;
	[tilespmem:s20+$0x0] =	vst.msk $0xff, v1  }
.LBB2_30:
0x10b: {  	p0 =	sne.s32 s29, $0x12000;
	[tilespmem:s28+$0x5370] =	vst v1  }
0x10c: {  	[tilespmem:s28+$0x5300] =	vst v1  }
0x10d: {  	[tilespmem:s28+$0x5310] =	vst v1  }
.Ltmp14:
0x10e: {  	[tilespmem:s28+$0x5320] =	vst v1;
	(pc) =	sbr.rel @p0 .LBB2_30-.Ltmp14, $4  }
0x10f: {  	[tilespmem:s28+$0x5330] =	vst v1  }
0x110: {  	[tilespmem:s28+$0x5340] =	vst v1  }
0x111: {  	[tilespmem:s28+$0x5350] =	vst v1  }
0x112: {  	[tilespmem:s28+$0x5360] =	vst v1;
	s28 =	sshra.s32 s29, $0x2;
	s29 =	sadd.s32 $0x1000, s29  }
0x113: {  	[tilespmem:s28+$0x5370] =	vst v1  }
0x114: {  	[tilespmem:s28+$0x5300] =	vst v1  }
0x115: {  	[tilespmem:s28+$0x5310] =	vst v1  }
0x116: {  	[tilespmem:s28+$0x5320] =	vst v1  }
0x117: {  	[tilespmem:s28+$0x5330] =	vst v1  }
0x118: {  	[tilespmem:s28+$0x5340] =	vst v1  }
0x119: {  	[tilespmem:s28+$0x5350] =	vst v1  }
0x11a: {  	[tilespmem:s28+$0x5360] =	vst v1  }
0x11b: {  	[tilespmem:$0x9B70] =	vst v1  }
0x11c: {  	s28 =	simm.s32 $0x0;
	s29 =	simm.s32 $0x1000;
	[tilespmem:s21+$0x0] =	vst.msk $0xff, v1  }
.LBB2_32:
0x11d: {  	p0 =	sne.s32 s29, $0x12000;
	[tilespmem:s28+$0x53F0] =	vst v1  }
0x11e: {  	[tilespmem:s28+$0x5380] =	vst v1  }
0x11f: {  	[tilespmem:s28+$0x5390] =	vst v1  }
.Ltmp15:
0x120: {  	[tilespmem:s28+$0x53A0] =	vst v1;
	(pc) =	sbr.rel @p0 .LBB2_32-.Ltmp15, $4  }
0x121: {  	[tilespmem:s28+$0x53B0] =	vst v1  }
0x122: {  	[tilespmem:s28+$0x53C0] =	vst v1  }
0x123: {  	[tilespmem:s28+$0x53D0] =	vst v1  }
0x124: {  	[tilespmem:s28+$0x53E0] =	vst v1;
	s28 =	sshra.s32 s29, $0x2;
	s29 =	sadd.s32 $0x1000, s29  }
0x125: {  	[tilespmem:s28+$0x53F0] =	vst v1  }
0x126: {  	[tilespmem:s28+$0x5380] =	vst v1  }
0x127: {  	[tilespmem:s28+$0x5390] =	vst v1  }
0x128: {  	[tilespmem:s28+$0x53A0] =	vst v1  }
0x129: {  	[tilespmem:s28+$0x53B0] =	vst v1  }
0x12a: {  	[tilespmem:s28+$0x53C0] =	vst v1  }
0x12b: {  	[tilespmem:s28+$0x53D0] =	vst v1  }
0x12c: {  	[tilespmem:s28+$0x53E0] =	vst v1  }
0x12d: {  	[tilespmem:$0x9BF0] =	vst v1  }
0x12e: {  	s28 =	simm.s32 $0x0;
	[tilespmem:s22+$0x0] =	vst.msk $0xff, v1  }
.LBB2_34:
0x12f: {  	s29 =	sshll.u32 s28, $0x4  }
0x130: {  	s29 =	sadd.s32 s5, s29  }
0x131: {  	v6 =	vmov s29  }
0x132: {  	v6 =	vmul.u32 $0x19, v6;
	_ =	sdelay $0x1  }
0x133: {  	v6 =	vbroadcast v6, $0x0;
	_ =	sdelay $0x1  }
0x134: {  	v10 =	vadd.s32 v2, v6;
	v6 =	vimm.s32 $0x0  }
0x135: {  	v7 =	vadd.s32 v6, v10  }
0x136: {  	v8 =	vshrl.u32 v7, $0x13;
	v9 =	vshll.u32 v7, $0xD  }
0x137: {  	v8 =	vor.u32 v8, v9  }
0x138: {  	v8 =	vxor.u32 v7, v8  }
0x139: {  	v9 =	vshrl.u32 v8, $0x11;
	v11 =	vshll.u32 v8, $0xF  }
0x13a: {  	v7 =	vadd.s32 v7, v8;
	v8 =	vor.u32 v9, v11  }
0x13b: {  	v8 =	vxor.u32 v7, v8  }
0x13c: {  	v9 =	vshrl.u32 v8, $0x6;
	v11 =	vshll.u32 v8, $0x1A  }
0x13d: {  	v7 =	vadd.s32 v7, v8;
	v8 =	vor.u32 v9, v11  }
0x13e: {  	v8 =	vxor.u32 v7, v8  }
0x13f: {  	v9 =	vshrl.u32 v8, $0x1A;
	v11 =	vshll.u32 v8, $0x6  }
0x140: {  	v7 =	vadd.s32 v7, v8;
	v8 =	vor.u32 v9, v11  }
0x141: {  	v8 =	vxor.u32 v7, v8  }
0x142: {  	v8 =	vadd.s32 $0x1BD11BF1, v8  }
0x143: {  	v7 =	vadd.s32 v8, v7;
	v9 =	vshrl.u32 v8, $0xF;
	v8 =	vshll.u32 v8, $0x11  }
0x144: {  	v7 =	vadd.s32 $0x2A, v7;
	v8 =	vor.u32 v9, v8  }
0x145: {  	v8 =	vxor.u32 v7, v8  }
0x146: {  	v9 =	vshrl.u32 v8, $0x3;
	v11 =	vshll.u32 v8, $0x1D  }
0x147: {  	v7 =	vadd.s32 v7, v8;
	v8 =	vor.u32 v9, v11  }
0x148: {  	v8 =	vxor.u32 v7, v8  }
0x149: {  	v9 =	vshrl.u32 v8, $0x10;
	v11 =	vshll.u32 v8, $0x10  }
0x14a: {  	v7 =	vadd.s32 v7, v8;
	v8 =	vor.u32 v9, v11  }
0x14b: {  	v8 =	vxor.u32 v7, v8  }
0x14c: {  	v9 =	vshrl.u32 v8, $0x8;
	v11 =	vshll.u32 v8, $0x18  }
0x14d: {  	v7 =	vadd.s32 v7, v8;
	v8 =	vor.u32 v9, v11  }
0x14e: {  	v8 =	vxor.u32 v7, v8  }
0x14f: {  	v11 =	vadd.s32 $0x1, v6;
	v8 =	vadd.s32 $0x2, v8  }
0x150: {  	v7 =	vadd.s32 v8, v7;
	v9 =	vshrl.u32 v8, $0x13;
	v8 =	vshll.u32 v8, $0xD  }
0x151: {  	v12 =	vadd.s32 v11, v10;
	v7 =	vadd.s32 $0x1BD11BF0, v7;
	v8 =	vor.u32 v9, v8  }
0x152: {  	v15 =	vshll.u32 v12, $0xD;
	v8 =	vxor.u32 v7, v8  }
0x153: {  	v9 =	vshrl.u32 v12, $0x13;
	v13 =	vshrl.u32 v8, $0x11;
	v14 =	vshll.u32 v8, $0xF  }
0x154: {  	v9 =	vor.u32 v9, v15;
	v8 =	vadd.s32 v7, v8;
	v13 =	vor.u32 v13, v14  }
0x155: {  	v7 =	vimm.s32 $0xFFFFFFFF;
	v9 =	vxor.u32 v12, v9;
	v13 =	vxor.u32 v8, v13  }
0x156: {  	v14 =	vshrl.u32 v13, $0x6;
	v15 =	vshll.u32 v13, $0x1A;
	v8 =	vadd.s32 v8, v13  }
0x157: {  	v13 =	vor.u32 v14, v15;
	v14 =	vshrl.u32 v9, $0x11;
	v15 =	vshll.u32 v9, $0xF  }
0x158: {  	v9 =	vadd.s32 v12, v9;
	v12 =	vxor.u32 v8, v13;
	v13 =	vor.u32 v14, v15  }
0x159: {  	v14 =	vshrl.u32 v12, $0x1A;
	v15 =	vshll.u32 v12, $0x6;
	v13 =	vxor.u32 v9, v13  }
0x15a: {  	v12 =	vadd.s32 v8, v12;
	v8 =	vor.u32 v14, v15;
	v15 =	vshrl.u32 v13, $0x6  }
0x15b: {  	v16 =	vshll.u32 v13, $0x1A;
	v14 =	vadd.s32 v9, v13;
	v8 =	vxor.u32 v12, v8  }
0x15c: {  	s30 =	simm.s32 $0x17;
	v9 =	vmovc v11;
	v15 =	vor.u32 v15, v16;
	v13 =	vadd.s32 $0x2D, v8;
	v8 =	vimm.s32 $0x0  }
.LBB2_35:
0x15d: {  	p0 =	sne.s32 s30, $0x1;
	v15 =	vxor.u32 v14, v15;
	v16 =	vshrl.u32 v13, $0xF;
	v17 =	vshll.u32 v13, $0x11  }
0x15e: {  	v12 =	vadd.s32 v12, v13;
	v14 =	vadd.s32 v14, v15;
	v13 =	vor.u32 v16, v17  }
0x15f: {  	v16 =	vshrl.u32 v15, $0x1A;
	v15 =	vshll.u32 v15, $0x6;
	v13 =	vxor.u32 v12, v13  }
0x160: {  	v15 =	vor.u32 v16, v15;
	v16 =	vshrl.u32 v13, $0x3;
	v17 =	vshll.u32 v13, $0x1D  }
0x161: {  	v15 =	vxor.u32 v14, v15;
	v12 =	vadd.s32 v12, v13;
	v13 =	vor.u32 v16, v17  }
0x162: {  	v15 =	vadd.s32 $0x1BD11BF1, v15;
	v13 =	vxor.u32 v12, v13  }
0x163: {  	v14 =	vadd.s32 v15, v14;
	v16 =	vshrl.u32 v13, $0x10;
	v17 =	vshll.u32 v13, $0x10  }
0x164: {  	v18 =	vshrl.u32 v15, $0xF;
	v12 =	vadd.s32 v12, v13;
	v13 =	vor.u32 v16, v17  }
0x165: {  	v15 =	vshll.u32 v15, $0x11;
	v14 =	vadd.s32 $0x2A, v14;
	v13 =	vxor.u32 v12, v13  }
0x166: {  	v15 =	vor.u32 v18, v15;
	v16 =	vshrl.u32 v13, $0x8;
	v17 =	vshll.u32 v13, $0x18  }
0x167: {  	v15 =	vxor.u32 v14, v15;
	v12 =	vadd.s32 v12, v13;
	v13 =	vor.u32 v16, v17  }
0x168: {  	v14 =	vadd.s32 v14, v15;
	v13 =	vxor.u32 v12, v13  }
0x169: {  	v16 =	vshrl.u32 v15, $0x3;
	v15 =	vshll.u32 v15, $0x1D;
	v13 =	vadd.s32 $0x1BD11BF4, v13  }
0x16a: {  	v12 =	vadd.s32 v13, v12;
	v17 =	vshrl.u32 v13, $0x13;
	v13 =	vshll.u32 v13, $0xD  }
0x16b: {  	v15 =	vor.u32 v16, v15;
	v12 =	vadd.s32 $0x2A, v12;
	v13 =	vor.u32 v17, v13  }
0x16c: {  	v11 =	vadd.s32 $0x1, v11;
	v15 =	vxor.u32 v14, v15;
	v13 =	vxor.u32 v12, v13  }
0x16d: {  	v16 =	vshrl.u32 v15, $0x10;
	v17 =	vshrl.u32 v13, $0x11;
	v18 =	vshll.u32 v13, $0xF  }
0x16e: {  	v19 =	vshll.u32 v15, $0x10;
	v12 =	vadd.s32 v12, v13;
	v13 =	vor.u32 v17, v18  }
0x16f: {  	v14 =	vadd.s32 v14, v15;
	v15 =	vor.u32 v16, v19;
	v13 =	vxor.u32 v12, v13  }
0x170: {  	v15 =	vxor.u32 v14, v15;
	v16 =	vshrl.u32 v13, $0x6;
	v17 =	vshll.u32 v13, $0x1A  }
0x171: {  	v14 =	vadd.s32 v14, v15;
	v12 =	vadd.s32 v12, v13;
	v13 =	vor.u32 v16, v17  }
0x172: {  	v16 =	vshrl.u32 v15, $0x8;
	v15 =	vshll.u32 v15, $0x18;
	v13 =	vxor.u32 v12, v13  }
0x173: {  	v15 =	vor.u32 v16, v15;
	v16 =	vshrl.u32 v13, $0x1A;
	v17 =	vshll.u32 v13, $0x6  }
0x174: {  	v15 =	vxor.u32 v14, v15;
	v12 =	vadd.s32 v12, v13;
	v13 =	vor.u32 v16, v17  }
0x175: {  	v16 =	vadd.s32 v11, v10;
	v15 =	vadd.s32 $0x2, v15;
	v13 =	vxor.u32 v12, v13  }
0x176: {  	v14 =	vadd.s32 v15, v14;
	v12 =	vadd.s32 $0x1BD11BF0, v12;
	v13 =	vadd.s32 $0x5, v13  }
0x177: {  	v17 =	vshrl.u32 v15, $0x13;
	v15 =	vshll.u32 v15, $0xD;
	v12 =	vxor.u32 v12, v13  }
0x178: {  	v13 =	vadd.s32 $0x1BD11BF0, v14;
	v14 =	vor.u32 v17, v15;
	v12 =	vshrl.u32 v12, $0x9  }
0x179: {  	v15 =	vshrl.u32 v16, $0x13;
	v14 =	vxor.u32 v13, v14;
	vm0 =	vgt.s32 v12, v7  }
0x17a: {  	v17 =	vshrl.u32 v14, $0x11;
	v18 =	vshll.u32 v14, $0xF;
	v7 =	vsel vm0, v12, v7  }
0x17b: {  	v13 =	vadd.s32 v13, v14;
	v12 =	vshll.u32 v16, $0xD;
	v14 =	vor.u32 v17, v18  }
0x17c: {  	v8 =	vsel vm0, v6, v8;
	v6 =	vmovc v9;
	v12 =	vor.u32 v15, v12;
	v14 =	vxor.u32 v13, v14  }
0x17d: {  	v9 =	vmovc v11;
	v12 =	vxor.u32 v16, v12;
	v15 =	vshrl.u32 v14, $0x6;
	v17 =	vshll.u32 v14, $0x1A  }
0x17e: {  	v13 =	vadd.s32 v13, v14;
	v16 =	vadd.s32 v16, v12;
	v14 =	vor.u32 v15, v17  }
.Ltmp16:
0x17f: {  	v15 =	vshrl.u32 v12, $0x11;
	v12 =	vshll.u32 v12, $0xF;
	v14 =	vxor.u32 v13, v14;
	(pc) =	sbr.rel @p0 .LBB2_35-.Ltmp16, $4  }
0x180: {  	v12 =	vor.u32 v15, v12;
	v15 =	vshrl.u32 v14, $0x1A;
	v17 =	vshll.u32 v14, $0x6  }
0x181: {  	v18 =	vxor.u32 v16, v12;
	v12 =	vadd.s32 v13, v14;
	v13 =	vor.u32 v15, v17  }
0x182: {  	v15 =	vshrl.u32 v18, $0x6;
	v17 =	vshll.u32 v18, $0x1A;
	v13 =	vxor.u32 v12, v13  }
0x183: {  	s30 =	sadd.s32 $0xFFFFFFFF, s30;
	v14 =	vadd.s32 v16, v18;
	v15 =	vor.u32 v15, v17;
	v13 =	vadd.s32 $0x2D, v13  }
0x184: {  	v10 =	vxor.u32 v14, v15  }
0x185: {  	v11 =	vshrl.u32 v10, $0x1A;
	v15 =	vshll.u32 v10, $0x6  }
0x186: {  	v10 =	vadd.s32 v14, v10;
	v11 =	vor.u32 v11, v15  }
0x187: {  	v11 =	vxor.u32 v10, v11  }
0x188: {  	v11 =	vadd.s32 $0x1BD11BF1, v11  }
0x189: {  	v10 =	vadd.s32 v11, v10;
	v33 =	vshrl.u32 v11, $0xF;
	v11 =	vshll.u32 v11, $0x11  }
0x18a: {  	v10 =	vadd.s32 $0x2A, v10;
	v11 =	vor.u32 v33, v11  }
0x18b: {  	v11 =	vxor.u32 v10, v11  }
0x18c: {  	v34 =	vshrl.u32 v11, $0x3;
	v35 =	vshll.u32 v11, $0x1D  }
0x18d: {  	v10 =	vadd.s32 v10, v11;
	v36 =	vor.u32 v34, v35  }
0x18e: {  	v11 =	vxor.u32 v10, v36  }
0x18f: {  	v37 =	vshrl.u32 v11, $0x10;
	v38 =	vshll.u32 v11, $0x10  }
0x190: {  	v10 =	vadd.s32 v10, v11;
	v39 =	vor.u32 v37, v38  }
0x191: {  	v11 =	vxor.u32 v10, v39  }
0x192: {  	v40 =	vshrl.u32 v11, $0x8;
	v41 =	vshll.u32 v11, $0x18  }
0x193: {  	v10 =	vadd.s32 v10, v11;
	v42 =	vor.u32 v40, v41  }
0x194: {  	v11 =	vxor.u32 v10, v42  }
0x195: {  	v43 =	vshrl.u32 v13, $0xF;
	v11 =	vadd.s32 $0x2, v11  }
0x196: {  	v10 =	vadd.s32 v11, v10;
	v44 =	vshrl.u32 v11, $0x13;
	v11 =	vshll.u32 v11, $0xD  }
0x197: {  	v16 =	vshll.u32 v13, $0x11;
	v10 =	vadd.s32 $0x1BD11BF0, v10;
	v11 =	vor.u32 v44, v11  }
0x198: {  	v12 =	vadd.s32 v12, v13;
	v45 =	vor.u32 v43, v16;
	v11 =	vxor.u32 v10, v11  }
0x199: {  	v13 =	vxor.u32 v12, v45;
	v46 =	vshrl.u32 v11, $0x11;
	v47 =	vshll.u32 v11, $0xF  }
0x19a: {  	v48 =	vshrl.u32 v13, $0x3;
	v10 =	vadd.s32 v10, v11;
	v49 =	vor.u32 v46, v47  }
0x19b: {  	v50 =	vshll.u32 v13, $0x1D;
	v12 =	vadd.s32 v12, v13;
	v11 =	vxor.u32 v10, v49  }
0x19c: {  	v51 =	vor.u32 v48, v50;
	v52 =	vshrl.u32 v11, $0x6;
	v53 =	vshll.u32 v11, $0x1A  }
0x19d: {  	v13 =	vxor.u32 v12, v51;
	v10 =	vadd.s32 v10, v11;
	v54 =	vor.u32 v52, v53  }
0x19e: {  	v55 =	vshrl.u32 v13, $0x10;
	v56 =	vshll.u32 v13, $0x10;
	v11 =	vxor.u32 v10, v54  }
0x19f: {  	v12 =	vadd.s32 v12, v13;
	v57 =	vshrl.u32 v11, $0x1A;
	v58 =	vshll.u32 v11, $0x6  }
0x1a0: {  	v14 =	vor.u32 v55, v56;
	v10 =	vadd.s32 v10, v11;
	v59 =	vor.u32 v57, v58  }
0x1a1: {  	v60 =	vxor.u32 v12, v14;
	v11 =	vxor.u32 v10, v59  }
0x1a2: {  	v14 =	vshrl.u32 v60, $0x8;
	v61 =	vshll.u32 v60, $0x18;
	v11 =	vadd.s32 $0x2D, v11  }
0x1a3: {  	v12 =	vadd.s32 v12, v60;
	v62 =	vshrl.u32 v11, $0xF;
	v63 =	vshll.u32 v11, $0x11  }
0x1a4: {  	v14 =	vor.u32 v14, v61;
	v10 =	vadd.s32 v10, v11;
	v17 =	vor.u32 v62, v63  }
0x1a5: {  	v18 =	vxor.u32 v12, v14;
	v11 =	vxor.u32 v10, v17  }
0x1a6: {  	v13 =	vadd.s32 $0x1BD11BF4, v18;
	v19 =	vshrl.u32 v11, $0x3;
	v20 =	vshll.u32 v11, $0x1D  }
0x1a7: {  	v12 =	vadd.s32 v13, v12;
	v10 =	vadd.s32 v10, v11;
	v21 =	vor.u32 v19, v20  }
0x1a8: {  	v22 =	vshrl.u32 v13, $0x13;
	v13 =	vshll.u32 v13, $0xD;
	v11 =	vxor.u32 v10, v21  }
0x1a9: {  	v12 =	vadd.s32 $0x2A, v12;
	v23 =	vshrl.u32 v11, $0x10;
	v24 =	vshll.u32 v11, $0x10  }
0x1aa: {  	v13 =	vor.u32 v22, v13;
	v10 =	vadd.s32 v10, v11;
	v25 =	vor.u32 v23, v24  }
0x1ab: {  	v13 =	vxor.u32 v12, v13;
	v11 =	vxor.u32 v10, v25  }
0x1ac: {  	v26 =	vshrl.u32 v13, $0x11;
	v27 =	vshrl.u32 v11, $0x8;
	v28 =	vshll.u32 v11, $0x18  }
0x1ad: {  	v17 =	vshll.u32 v13, $0xF;
	v10 =	vadd.s32 v10, v11;
	v29 =	vor.u32 v27, v28  }
0x1ae: {  	v12 =	vadd.s32 v12, v13;
	v30 =	vor.u32 v26, v17;
	v11 =	vxor.u32 v10, v29  }
0x1af: {  	v13 =	vxor.u32 v12, v30;
	v11 =	vadd.s32 $0x1BD11BF4, v11  }
0x1b0: {  	v10 =	vadd.s32 v11, v10;
	v31 =	vshrl.u32 v11, $0x13;
	v11 =	vshll.u32 v11, $0xD  }
0x1b1: {  	v32 =	vshrl.u32 v13, $0x6;
	v10 =	vadd.s32 $0x2A, v10;
	v11 =	vor.u32 v31, v11  }
0x1b2: {  	v33 =	vshll.u32 v13, $0x1A;
	v12 =	vadd.s32 v12, v13;
	v11 =	vxor.u32 v10, v11  }
0x1b3: {  	v34 =	vor.u32 v32, v33;
	v35 =	vshrl.u32 v11, $0x11;
	v36 =	vshll.u32 v11, $0xF  }
0x1b4: {  	v13 =	vxor.u32 v12, v34;
	v10 =	vadd.s32 v10, v11;
	v37 =	vor.u32 v35, v36  }
0x1b5: {  	v38 =	vshrl.u32 v13, $0x1A;
	v39 =	vshll.u32 v13, $0x6;
	v11 =	vxor.u32 v10, v37  }
0x1b6: {  	v12 =	vadd.s32 v12, v13;
	v40 =	vshrl.u32 v11, $0x6;
	v41 =	vshll.u32 v11, $0x1A  }
0x1b7: {  	v14 =	vor.u32 v38, v39;
	v10 =	vadd.s32 v10, v11;
	v42 =	vor.u32 v40, v41  }
0x1b8: {  	v43 =	vxor.u32 v12, v14;
	v11 =	vxor.u32 v10, v42  }
0x1b9: {  	v12 =	vadd.s32 $0x1BD11BF0, v12;
	v44 =	vshrl.u32 v11, $0x1A;
	v45 =	vshll.u32 v11, $0x6  }
0x1ba: {  	v13 =	vadd.s32 $0x5, v43;
	v10 =	vadd.s32 v10, v11;
	v46 =	vor.u32 v44, v45  }
0x1bb: {  	v12 =	vxor.u32 v12, v13;
	v11 =	vxor.u32 v10, v46  }
0x1bc: {  	v12 =	vshrl.u32 v12, $0x9;
	v10 =	vadd.s32 $0x1BD11BF0, v10;
	v11 =	vadd.s32 $0x5, v11  }
0x1bd: {  	vm0 =	vgt.s32 v12, v7;
	v10 =	vxor.u32 v10, v11  }
0x1be: {  	v7 =	vsel vm0, v12, v7;
	v10 =	vshrl.u32 v10, $0x9  }
0x1bf: {  	v6 =	vsel vm0, v6, v8;
	vm11 =	vgt.s32 v10, v7  }
0x1c0: {  	v6 =	vsel vm11, v9, v6  }
0x1c1: {  	v6 =	vadd.s32 $0x1, v6  }
0x1c2: {  	v7 =	vbroadcast v6, $0x0;
	_ =	sdelay $0x1  }
0x1c3: {  	vm12 =	vgt.s32 v7, v0  }
0x1c4: {  	vm13 =	vgt.s32 v7, v3;
	v47 =	vsel vm12, $0x3F800000, v1  }
0x1c5: {  	v49 =	vbroadcast v6, $0x1;
	vm14 =	vgt.s32 v7, v4;
	v48 =	vsel vm13, $0x3F800000, v1;
	[tilespmem:$0xA000] =	vst v47  }
0x1c6: {  	vm15 =	vgt.s32 v7, v5;
	v50 =	vsel vm14, $0x3F800000, v1;
	[tilespmem:$0xA010] =	vst v48  }
0x1c7: {  	vm4 =	vgt.s32 v49, v0;
	v7 =	vsel vm15, $0x3F800000, v1;
	[tilespmem:$0xA020] =	vst v50  }
0x1c8: {  	vm5 =	vgt.s32 v49, v3;
	[tilespmem:$0xA022] =	vst v7;
	v7 =	vsel vm4, $0x3F800000, v1  }
0x1c9: {  	v51 =	vbroadcast v6, $0x2;
	vm6 =	vgt.s32 v49, v4;
	[tilespmem:$0xA080] =	vst v7;
	v7 =	vsel vm5, $0x3F800000, v1  }
0x1ca: {  	vm7 =	vgt.s32 v49, v5;
	[tilespmem:$0xA090] =	vst v7;
	v7 =	vsel vm6, $0x3F800000, v1  }
0x1cb: {  	vm8 =	vgt.s32 v51, v0;
	[tilespmem:$0xA0A0] =	vst v7;
	v7 =	vsel vm7, $0x3F800000, v1  }
0x1cc: {  	vm9 =	vgt.s32 v51, v3;
	[tilespmem:$0xA0A2] =	vst v7;
	v7 =	vsel vm8, $0x3F800000, v1  }
0x1cd: {  	v52 =	vbroadcast v6, $0x3;
	vm10 =	vgt.s32 v51, v4;
	[tilespmem:$0xA100] =	vst v7;
	v7 =	vsel vm9, $0x3F800000, v1  }
0x1ce: {  	vm11 =	vgt.s32 v51, v5;
	[tilespmem:$0xA110] =	vst v7;
	v7 =	vsel vm10, $0x3F800000, v1  }
0x1cf: {  	vm12 =	vgt.s32 v52, v0;
	[tilespmem:$0xA120] =	vst v7;
	v7 =	vsel vm11, $0x3F800000, v1  }
0x1d0: {  	vm13 =	vgt.s32 v52, v3;
	[tilespmem:$0xA122] =	vst v7;
	v7 =	vsel vm12, $0x3F800000, v1  }
0x1d1: {  	v53 =	vbroadcast v6, $0x4;
	vm14 =	vgt.s32 v52, v4;
	[tilespmem:$0xA180] =	vst v7;
	v7 =	vsel vm13, $0x3F800000, v1  }
0x1d2: {  	vm15 =	vgt.s32 v52, v5;
	[tilespmem:$0xA190] =	vst v7;
	v7 =	vsel vm14, $0x3F800000, v1  }
0x1d3: {  	vm4 =	vgt.s32 v53, v0;
	[tilespmem:$0xA1A0] =	vst v7;
	v7 =	vsel vm15, $0x3F800000, v1  }
0x1d4: {  	vm5 =	vgt.s32 v53, v3;
	[tilespmem:$0xA1A2] =	vst v7;
	v7 =	vsel vm4, $0x3F800000, v1  }
0x1d5: {  	v54 =	vbroadcast v6, $0x5;
	vm6 =	vgt.s32 v53, v4;
	[tilespmem:$0xA200] =	vst v7;
	v7 =	vsel vm5, $0x3F800000, v1  }
0x1d6: {  	vm7 =	vgt.s32 v53, v5;
	[tilespmem:$0xA210] =	vst v7;
	v7 =	vsel vm6, $0x3F800000, v1  }
0x1d7: {  	vm8 =	vgt.s32 v54, v0;
	[tilespmem:$0xA220] =	vst v7;
	v7 =	vsel vm7, $0x3F800000, v1  }
0x1d8: {  	vm9 =	vgt.s32 v54, v3;
	[tilespmem:$0xA222] =	vst v7;
	v7 =	vsel vm8, $0x3F800000, v1  }
0x1d9: {  	v55 =	vbroadcast v6, $0x6;
	vm10 =	vgt.s32 v54, v4;
	[tilespmem:$0xA280] =	vst v7;
	v7 =	vsel vm9, $0x3F800000, v1  }
0x1da: {  	vm11 =	vgt.s32 v54, v5;
	[tilespmem:$0xA290] =	vst v7;
	v7 =	vsel vm10, $0x3F800000, v1  }
0x1db: {  	vm12 =	vgt.s32 v55, v0;
	[tilespmem:$0xA2A0] =	vst v7;
	v7 =	vsel vm11, $0x3F800000, v1  }
0x1dc: {  	vm13 =	vgt.s32 v55, v3;
	[tilespmem:$0xA2A2] =	vst v7;
	v7 =	vsel vm12, $0x3F800000, v1  }
0x1dd: {  	v56 =	vbroadcast v6, $0x7;
	vm14 =	vgt.s32 v55, v4;
	[tilespmem:$0xA300] =	vst v7;
	v7 =	vsel vm13, $0x3F800000, v1  }
0x1de: {  	vm15 =	vgt.s32 v55, v5;
	[tilespmem:$0xA310] =	vst v7;
	v7 =	vsel vm14, $0x3F800000, v1  }
0x1df: {  	vm4 =	vgt.s32 v56, v0;
	[tilespmem:$0xA320] =	vst v7;
	v7 =	vsel vm15, $0x3F800000, v1  }
0x1e0: {  	vm5 =	vgt.s32 v56, v3;
	[tilespmem:$0xA322] =	vst v7;
	v7 =	vsel vm4, $0x3F800000, v1  }
0x1e1: {  	v57 =	vbroadcast v6, $0x8;
	vm6 =	vgt.s32 v56, v4;
	[tilespmem:$0xA380] =	vst v7;
	v7 =	vsel vm5, $0x3F800000, v1  }
0x1e2: {  	vm7 =	vgt.s32 v56, v5;
	[tilespmem:$0xA390] =	vst v7;
	v7 =	vsel vm6, $0x3F800000, v1  }
0x1e3: {  	vm8 =	vgt.s32 v57, v0;
	[tilespmem:$0xA3A0] =	vst v7;
	v7 =	vsel vm7, $0x3F800000, v1  }
0x1e4: {  	vm9 =	vgt.s32 v57, v3;
	[tilespmem:$0xA3A2] =	vst v7;
	v7 =	vsel vm8, $0x3F800000, v1  }
0x1e5: {  	v58 =	vbroadcast v6, $0x9;
	vm10 =	vgt.s32 v57, v4;
	[tilespmem:$0xA400] =	vst v7;
	v7 =	vsel vm9, $0x3F800000, v1  }
0x1e6: {  	vm11 =	vgt.s32 v57, v5;
	[tilespmem:$0xA410] =	vst v7;
	v7 =	vsel vm10, $0x3F800000, v1  }
0x1e7: {  	vm12 =	vgt.s32 v58, v0;
	[tilespmem:$0xA420] =	vst v7;
	v7 =	vsel vm11, $0x3F800000, v1  }
0x1e8: {  	vm13 =	vgt.s32 v58, v3;
	[tilespmem:$0xA422] =	vst v7;
	v7 =	vsel vm12, $0x3F800000, v1  }
0x1e9: {  	v59 =	vbroadcast v6, $0xA;
	vm14 =	vgt.s32 v58, v4;
	[tilespmem:$0xA480] =	vst v7;
	v7 =	vsel vm13, $0x3F800000, v1  }
0x1ea: {  	vm15 =	vgt.s32 v58, v5;
	[tilespmem:$0xA490] =	vst v7;
	v7 =	vsel vm14, $0x3F800000, v1  }
0x1eb: {  	vm4 =	vgt.s32 v59, v0;
	[tilespmem:$0xA4A0] =	vst v7;
	v7 =	vsel vm15, $0x3F800000, v1  }
0x1ec: {  	vm5 =	vgt.s32 v59, v3;
	[tilespmem:$0xA4A2] =	vst v7;
	v7 =	vsel vm4, $0x3F800000, v1  }
0x1ed: {  	v60 =	vbroadcast v6, $0xB;
	vm6 =	vgt.s32 v59, v4;
	[tilespmem:$0xA500] =	vst v7;
	v7 =	vsel vm5, $0x3F800000, v1  }
0x1ee: {  	vm7 =	vgt.s32 v59, v5;
	[tilespmem:$0xA510] =	vst v7;
	v7 =	vsel vm6, $0x3F800000, v1  }
0x1ef: {  	vm8 =	vgt.s32 v60, v0;
	[tilespmem:$0xA520] =	vst v7;
	v7 =	vsel vm7, $0x3F800000, v1  }
0x1f0: {  	vm9 =	vgt.s32 v60, v3;
	[tilespmem:$0xA522] =	vst v7;
	v7 =	vsel vm8, $0x3F800000, v1  }
0x1f1: {  	v61 =	vbroadcast v6, $0xC;
	vm10 =	vgt.s32 v60, v4;
	[tilespmem:$0xA580] =	vst v7;
	v7 =	vsel vm9, $0x3F800000, v1  }
0x1f2: {  	vm11 =	vgt.s32 v60, v5;
	[tilespmem:$0xA590] =	vst v7;
	v7 =	vsel vm10, $0x3F800000, v1  }
0x1f3: {  	vm12 =	vgt.s32 v61, v0;
	[tilespmem:$0xA5A0] =	vst v7;
	v7 =	vsel vm11, $0x3F800000, v1  }
0x1f4: {  	vm13 =	vgt.s32 v61, v3;
	[tilespmem:$0xA5A2] =	vst v7;
	v7 =	vsel vm12, $0x3F800000, v1  }
0x1f5: {  	v62 =	vbroadcast v6, $0xD;
	vm14 =	vgt.s32 v61, v4;
	[tilespmem:$0xA600] =	vst v7;
	v7 =	vsel vm13, $0x3F800000, v1  }
0x1f6: {  	vm15 =	vgt.s32 v61, v5;
	[tilespmem:$0xA610] =	vst v7;
	v7 =	vsel vm14, $0x3F800000, v1  }
0x1f7: {  	vm4 =	vgt.s32 v62, v0;
	[tilespmem:$0xA620] =	vst v7;
	v7 =	vsel vm15, $0x3F800000, v1  }
0x1f8: {  	vm5 =	vgt.s32 v62, v3;
	[tilespmem:$0xA622] =	vst v7;
	v7 =	vsel vm4, $0x3F800000, v1  }
0x1f9: {  	v63 =	vbroadcast v6, $0xE;
	vm6 =	vgt.s32 v62, v4;
	[tilespmem:$0xA680] =	vst v7;
	v7 =	vsel vm5, $0x3F800000, v1  }
0x1fa: {  	vm7 =	vgt.s32 v62, v5;
	[tilespmem:$0xA690] =	vst v7;
	v7 =	vsel vm6, $0x3F800000, v1  }
0x1fb: {  	vm8 =	vgt.s32 v63, v0;
	[tilespmem:$0xA6A0] =	vst v7;
	v7 =	vsel vm7, $0x3F800000, v1  }
0x1fc: {  	vm9 =	vgt.s32 v63, v3;
	[tilespmem:$0xA6A2] =	vst v7;
	v7 =	vsel vm8, $0x3F800000, v1  }
0x1fd: {  	v6 =	vbroadcast v6, $0xF;
	vm10 =	vgt.s32 v63, v4;
	[tilespmem:$0xA700] =	vst v7;
	v7 =	vsel vm9, $0x3F800000, v1  }
0x1fe: {  	vm11 =	vgt.s32 v63, v5;
	[tilespmem:$0xA710] =	vst v7;
	v7 =	vsel vm10, $0x3F800000, v1  }
0x1ff: {  	vm12 =	vgt.s32 v6, v0;
	[tilespmem:$0xA720] =	vst v7;
	v7 =	vsel vm11, $0x3F800000, v1  }
0x200: {  	vm13 =	vgt.s32 v6, v3;
	[tilespmem:$0xA722] =	vst v7;
	v7 =	vsel vm12, $0x3F800000, v1  }
0x201: {  	vm14 =	vgt.s32 v6, v4;
	[tilespmem:$0xA780] =	vst v7;
	v7 =	vsel vm13, $0x3F800000, v1  }
0x202: {  	vm15 =	vgt.s32 v6, v5;
	[tilespmem:$0xA790] =	vst v7;
	v7 =	vsel vm14, $0x3F800000, v1  }
0x203: {  	s30 =	sshll.u32 s29, $0x4;
	s31 =	sshrl.u32 s29, $0x3;
	v6 =	vsel vm15, $0x3F800000, v1;
	[tilespmem:$0xA7A0] =	vst v7  }
0x204: {  	s30 =	sadd.s32 s4, s30;
	s29 =	smul.u32 $0xA000, s31;
	[tilespmem:$0xA7A2] =	vst v6  }
0x205: {  	[hbm4b:s30+s1] =	stream.linear.scatter [tilespmem:s23], [sflag:$0x1], $0x800, $0x38;
	[tilespmem:$0xA800] =	vst v63  }
0x206: {  	s28 =	sadd.s32 $0x1, s28;
	s29 =	sshrl.u32 s29, $0x3;
	_ =	swait.ge [sflag:s24], $0x800  }
0x207: {  	p0 =	sne.s32 s28, $0x8;
	s29 =	sadd.s32 s3, s29;
	[sflag:s24] =	ssyncset.done $0x0  }
.Ltmp17:
0x208: {  	s29 =	sadd.s32 $0xA00, s29;
	[sflag:s24] =	ssyncadd.s32 $0xFFFFF800;
	(pc) =	sbr.rel @p0 .LBB2_34-.Ltmp17, $4  }
0x209: {  	[hbm4b:s29+s25] =	stream.strided.scatter [tilespmem:s1], [sflag:$0x1], $0xA000, s23, s25, $0x38;
	[tilespmem:$0xA800] =	vst v63  }
0x20a: {  	_ =	swait.ge [sflag:s24], $0xA000  }
0x20b: {  	[sflag:s24] =	ssyncset.done $0x0  }
0x20c: {  	[sflag:s24] =	ssyncadd.s32 $0xFFFF6000  }
0x20d: {  	s26 =	sadd.s32 $0x1, s26  }
0x20e: {  	p0 =	sne.s32 s26, s6  }
.Ltmp18:
0x20f: {  	_ = 	snop;
	(pc) =	sbr.rel @p0 .LBB2_1-.Ltmp18, $1  }
0x210: {  	_ =	sdelay $0x3  }
0x211: {  	_ =	sfence.sel $0x180000  }
0x212: {  	[bflag:$0x0] =	sbarrier.arrive $0xFFFF  }
0x213: {  	p0 =	sne.s32 s2, $0x0;
	_ =	strace $0x90000047  }
0x214: {  	s0 =	sadd.s32 @!p0 $0x100000, s0;
	[bflag:$0x2] =	sbarrier.arrive $0xFFFF  }
0x215: {  	[sflag:s0] =	ssyncadd.tile.s32 @!p0 $0x1;
	_ =	shalt  }
.Lfunc_end2:
_tile_overlayer_lowered:
.L_overlay_start_2:
0x216: {  	(tag) =	ssettag $0x2  }
0x217: {  	s0 =	rddreg [dreg:$0x0];
	s2 =	stileid.u32  }
0x218: {  	s1 =	rddreg [dreg:$0x1];
	p0 =	sne.s32 s2, $0x0  }
0x219: {  	s3 =	rddreg [dreg:$0x2];
	[bflag:$0x3] =	sbarrier.arrive $0xFFFF;
	s2 =	simm.s32 @!p0 $0x1C01  }
0x21a: {  	[timem:s3], [sflag:s2] =	dma.local @!p0 [hbm:s0], s1  }
0x21b: {  	s0 =	simm.s32 @!p0 $0x1  }
0x21c: {  	_ =	swait.ge @!p0 [sflag:s0], s1  }
0x21d: {  	s1 =	ssub.s32 @!p0 $0x0, s1;
	[sflag:s0] =	ssyncset.done @!p0 $0x0  }
0x21e: {  	[sflag:s0] =	ssyncadd.s32 @!p0 s1  }
0x21f: {  	[bflag:$0x3] =	sbarrier.arrive $0xFFFF  }
0x220: {  	_ =	shalt  }

</sc_bundles>
